<compile_context>
chip_gen: v7x
topology: tpu7x:2x2x1
jax: 0.10.2.dev20260603
libtpu: 0.0.44.dev20260713+nightly
codegen_flags: <defaults>
</compile_context>

<pallas_src>
import functools

import jax
import jax.numpy as jnp
from jax import lax
from jax.experimental import pallas as pl
from jax.experimental.pallas import tpu as pltpu
from jax.experimental.pallas import tpu_sc as plsc

L = 20
D = 64
CB = 128


def _make_sc_call(num_bags, nw):
    chunks_per_w = num_bags // (nw * CB)
    bags_per_w = chunks_per_w * CB
    mesh = plsc.VectorSubcoreMesh(core_axis_name="c", subcore_axis_name="s")
    nc = mesh.num_cores

    @functools.partial(
        pl.kernel,
        out_type=jax.ShapeDtypeStruct((num_bags, D), jnp.float32),
        mesh=mesh,
        compiler_params=pltpu.CompilerParams(use_tc_tiling_on_sc=False),
        scratch_types=[
            pltpu.VMEM((L, chunks_per_w, CB), jnp.int32),
            pltpu.VMEM((2, CB, D), jnp.float32),
            pltpu.VMEM((2, CB, D), jnp.float32),
            pltpu.SemaphoreType.DMA,
            pltpu.SemaphoreType.DMA((2,)),
            pltpu.SemaphoreType.DMA((2,)),
        ],
    )
    def sc_call(xq_hbm, w_hbm, out_hbm, idx_v, acc_v, outb_v, sem_i, sem_g, sem_o):
        wid = lax.axis_index("s") * nc + lax.axis_index("c")
        bag0 = wid * bags_per_w
        zeros16 = jnp.zeros((16,), jnp.float32)

        for j in range(L):
            pltpu.async_copy(xq_hbm.at[j, wid], idx_v.at[j], sem_i)

        def zero_body(b, _):
            for s in range(2):
                for k in range(D // 16):
                    acc_v[s, b, pl.ds(16 * k, 16)] = zeros16
            return 0
        lax.fori_loop(0, CB, zero_body, 0, unroll=4)

        for j in range(L):
            pltpu.make_async_copy(xq_hbm.at[j, wid], idx_v.at[j], sem_i).wait()

        def chunk_body(c, _):
            slot = lax.rem(c, 2)
            oslot = 1 - slot

            @pl.when(c < chunks_per_w)
            def _fire():
                for j in range(L):
                    pltpu.async_copy(w_hbm.at[idx_v.at[j, c]], acc_v.at[slot],
                                     sem_g.at[slot], add=True)

            @pl.when(c >= 1)
            def _retire():
                p = c - 1
                for j in range(L):
                    pltpu.make_async_copy(w_hbm.at[idx_v.at[j, p]],
                                          acc_v.at[oslot],
                                          sem_g.at[oslot]).wait()
                @pl.when(c >= 3)
                def _wait_out():
                    pltpu.make_async_copy(
                        outb_v.at[oslot],
                        out_hbm.at[pl.ds(bag0 + (p - 2) * CB, CB)],
                        sem_o.at[oslot]).wait()

                def scale_body(b, _):
                    for k in range(D // 16):
                        sl = pl.ds(16 * k, 16)
                        outb_v[oslot, b, sl] = acc_v[oslot, b, sl] * (1.0 / L)
                        acc_v[oslot, b, sl] = zeros16
                    return 0
                lax.fori_loop(0, CB, scale_body, 0, unroll=4)

                pltpu.async_copy(outb_v.at[oslot],
                                 out_hbm.at[pl.ds(bag0 + p * CB, CB)],
                                 sem_o.at[oslot])
            return 0

        lax.fori_loop(0, chunks_per_w + 1, chunk_body, 0)

        for p in (chunks_per_w - 2, chunks_per_w - 1):
            s = p % 2
            pltpu.make_async_copy(outb_v.at[s],
                                  out_hbm.at[pl.ds(bag0 + p * CB, CB)],
                                  sem_o.at[s]).wait()

    return sc_call


def kernel(x, weight):
    b, f, l = x.shape
    num_bags = b * f
    info = plsc.get_sparse_core_info()
    nw = info.num_cores * info.num_subcores
    xt = x.reshape(num_bags, l).T
    xq = xt.reshape(l, nw, num_bags // (nw * CB), CB)
    out = _make_sc_call(num_bags, nw)(xq, weight)
    return out.reshape(b, f, D)

# --- scband reference (transcript-rebuilt; emitter-appended) ---
"""Pipeline reference for scband-batch-embedding-bag-56478819943044 (READ-ONLY COPY).

The authoritative reference and input builder live on the scoring server;
editing this copy changes nothing except your own understanding.
"""

import jax, jax.numpy as jnp
import numpy as np

NUM_EMBEDDINGS = 1000000
EMBED_DIM = 64

def setup_inputs(seed: int = 0) -> dict:
    key = jax.random.key(seed)
    k1, k2 = jax.random.split(key)
    x = jax.random.randint(k1, (4096, 26, 20), 0, NUM_EMBEDDINGS, dtype=jnp.int64 if jax.config.jax_enable_x64 else jnp.int32)
    weight = jax.random.normal(k2, (NUM_EMBEDDINGS, EMBED_DIM), dtype=jnp.float32)
    return {"x": x, "weight": weight}

def reference(x, weight):
    # BatchEmbeddingBag: reshape leading dims to flat batch, EmbeddingBag mean over bag dim, reshape back
    s = x.shape[:-1] + (-1,)
    flat = x.reshape(-1, x.shape[-1])            # [B*F, L]
    gathered = jnp.take(weight, flat, axis=0)    # [B*F, L, D]
    pooled = jnp.mean(gathered, axis=1)          # [B*F, D] (mode='mean')
    return pooled.reshape(s)                     # [B, F, D]

if __name__ == "__main__":
    import jax
    _d = setup_inputs()
    print(jax.jit(kernel)(*tuple(_d.values())))

</pallas_src>

<mosaic_0001>
#map = affine_map<(d0, d1) -> (0, 0, 0, 0)>
#map1 = affine_map<(d0, d1) -> (0, 0)>
module attributes {stable_mosaic.version = 14 : i64} {
  func.func @sc_call(%arg0: i32, %arg1: i32, %arg2: memref<20x32x26x128xi32, #tpu.memory_space<hbm>>, %arg3: memref<1000000x64xf32, #tpu.memory_space<hbm>>, %arg4: memref<106496x64xf32, #tpu.memory_space<hbm>>, %arg5: memref<20x26x128xi32, #tpu.memory_space<vmem>>, %arg6: memref<2x128x64xf32, #tpu.memory_space<vmem>>, %arg7: memref<2x128x64xf32, #tpu.memory_space<vmem>>, %arg8: memref<!tpu.dma_semaphore, #tpu.memory_space<semaphore_mem>>, %arg9: memref<2x!tpu.dma_semaphore, #tpu.memory_space<semaphore_mem>>, %arg10: memref<2x!tpu.dma_semaphore, #tpu.memory_space<semaphore_mem>>) attributes {dimension_semantics = [#tpu.dimension_semantics<core_parallel>, #tpu.dimension_semantics<subcore_parallel>], iteration_bounds = array<i64: 2, 16>, scalar_prefetch = 0 : i64, scratch_operands = 6 : i64, tpu.core_type = #tpu.core_type<sc_vector_subcore>, window_params = [{transform_indices = #map}, {transform_indices = #map1}, {transform_indices = #map1}]} {
    %mul3A = arith.constant 2 : i32
    %mul3A_0 = arith.muli %arg1, %mul3A : i32
    %add3A = arith.addi %mul3A_0, %arg0 : i32
    %mul3A_1 = arith.constant 3328 : i32
    %mul3A_2 = arith.muli %add3A, %mul3A_1 : i32
    %broadcast_in_dim3A = arith.constant 0.000000e+00 : f32
    %broadcast_in_dim3A_3 = vector.broadcast %broadcast_in_dim3A : f32 to vector<16xf32>
    %dma_start3A = arith.constant 0 : i32
    %dma_start3A_4 = arith.constant 0 : i32
    %dma_start3A_5 = arith.constant 0 : i32
    %dma_start3A_6 = arith.constant 0 : i32
    %dma_start3A_7 = tpu.memref_slice %arg5[%dma_start3A_4, %dma_start3A_5, %dma_start3A_6] : memref<20x26x128xi32, #tpu.memory_space<vmem>> -> memref<1x26x128xi32, #tpu.memory_space<vmem>>
    %dma_start3A_8 = tpu.memref_squeeze %dma_start3A_7 : memref<1x26x128xi32, #tpu.memory_space<vmem>> -> memref<26x128xi32, #tpu.memory_space<vmem>>
    %dma_start3A_9 = arith.constant 0 : i32
    %dma_start3A_10 = arith.constant 0 : i32
    %dma_start3A_11 = tpu.memref_slice %arg2[%dma_start3A, %add3A, %dma_start3A_9, %dma_start3A_10] : memref<20x32x26x128xi32, #tpu.memory_space<hbm>> -> memref<1x1x26x128xi32, #tpu.memory_space<hbm>>
    %dma_start3A_12 = tpu.memref_squeeze %dma_start3A_11 : memref<1x1x26x128xi32, #tpu.memory_space<hbm>> -> memref<26x128xi32, #tpu.memory_space<hbm>>
    %dma_start3A_13 = arith.constant 0 : i32
    %dma_start3A_14 = arith.constant 0 : i32
    %dma_start3A_15 = tpu.memref_slice %arg5[%dma_start3A_4, %dma_start3A_13, %dma_start3A_14] : memref<20x26x128xi32, #tpu.memory_space<vmem>> -> memref<1x26x128xi32, #tpu.memory_space<vmem>>
    %dma_start3A_16 = tpu.memref_squeeze %dma_start3A_15 : memref<1x26x128xi32, #tpu.memory_space<vmem>> -> memref<26x128xi32, #tpu.memory_space<vmem>>
    %dma_start3A_17 = arith.constant 0 : i32
    %dma_start3A_18 = arith.constant 0 : i32
    %dma_start3A_19 = tpu.memref_slice %arg2[%dma_start3A, %add3A, %dma_start3A_17, %dma_start3A_18] : memref<20x32x26x128xi32, #tpu.memory_space<hbm>> -> memref<1x1x26x128xi32, #tpu.memory_space<hbm>>
    %dma_start3A_20 = tpu.memref_squeeze %dma_start3A_19 : memref<1x1x26x128xi32, #tpu.memory_space<hbm>> -> memref<26x128xi32, #tpu.memory_space<hbm>>
    tpu.enqueue_dma source(%dma_start3A_20 : memref<26x128xi32, #tpu.memory_space<hbm>>) target(%dma_start3A_16 : memref<26x128xi32, #tpu.memory_space<vmem>>) target_semaphore(%arg8 : memref<!tpu.dma_semaphore, #tpu.memory_space<semaphore_mem>>)
    %dma_start3A_21 = arith.constant 1 : i32
    %dma_start3A_22 = arith.constant 1 : i32
    %dma_start3A_23 = arith.constant 0 : i32
    %dma_start3A_24 = arith.constant 0 : i32
    %dma_start3A_25 = tpu.memref_slice %arg5[%dma_start3A_22, %dma_start3A_23, %dma_start3A_24] : memref<20x26x128xi32, #tpu.memory_space<vmem>> -> memref<1x26x128xi32, #tpu.memory_space<vmem>>
    %dma_start3A_26 = tpu.memref_squeeze %dma_start3A_25 : memref<1x26x128xi32, #tpu.memory_space<vmem>> -> memref<26x128xi32, #tpu.memory_space<vmem>>
    %dma_start3A_27 = arith.constant 0 : i32
    %dma_start3A_28 = arith.constant 0 : i32
    %dma_start3A_29 = tpu.memref_slice %arg2[%dma_start3A_21, %add3A, %dma_start3A_27, %dma_start3A_28] : memref<20x32x26x128xi32, #tpu.memory_space<hbm>> -> memref<1x1x26x128xi32, #tpu.memory_space<hbm>>
    %dma_start3A_30 = tpu.memref_squeeze %dma_start3A_29 : memref<1x1x26x128xi32, #tpu.memory_space<hbm>> -> memref<26x128xi32, #tpu.memory_space<hbm>>
    %dma_start3A_31 = arith.constant 0 : i32
    %dma_start3A_32 = arith.constant 0 : i32
    %dma_start3A_33 = tpu.memref_slice %arg5[%dma_start3A_22, %dma_start3A_31, %dma_start3A_32] : memref<20x26x128xi32, #tpu.memory_space<vmem>> -> memref<1x26x128xi32, #tpu.memory_space<vmem>>
    %dma_start3A_34 = tpu.memref_squeeze %dma_start3A_33 : memref<1x26x128xi32, #tpu.memory_space<vmem>> -> memref<26x128xi32, #tpu.memory_space<vmem>>
    %dma_start3A_35 = arith.constant 0 : i32
    %dma_start3A_36 = arith.constant 0 : i32
    %dma_start3A_37 = tpu.memref_slice %arg2[%dma_start3A_21, %add3A, %dma_start3A_35, %dma_start3A_36] : memref<20x32x26x128xi32, #tpu.memory_space<hbm>> -> memref<1x1x26x128xi32, #tpu.memory_space<hbm>>
    %dma_start3A_38 = tpu.memref_squeeze %dma_start3A_37 : memref<1x1x26x128xi32, #tpu.memory_space<hbm>> -> memref<26x128xi32, #tpu.memory_space<hbm>>
    tpu.enqueue_dma source(%dma_start3A_38 : memref<26x128xi32, #tpu.memory_space<hbm>>) target(%dma_start3A_34 : memref<26x128xi32, #tpu.memory_space<vmem>>) target_semaphore(%arg8 : memref<!tpu.dma_semaphore, #tpu.memory_space<semaphore_mem>>)
    %dma_start3A_39 = arith.constant 2 : i32
    %dma_start3A_40 = arith.constant 2 : i32
    %dma_start3A_41 = arith.constant 0 : i32
    %dma_start3A_42 = arith.constant 0 : i32
    %dma_start3A_43 = tpu.memref_slice %arg5[%dma_start3A_40, %dma_start3A_41, %dma_start3A_42] : memref<20x26x128xi32, #tpu.memory_space<vmem>> -> memref<1x26x128xi32, #tpu.memory_space<vmem>>
    %dma_start3A_44 = tpu.memref_squeeze %dma_start3A_43 : memref<1x26x128xi32, #tpu.memory_space<vmem>> -> memref<26x128xi32, #tpu.memory_space<vmem>>
    %dma_start3A_45 = arith.constant 0 : i32
    %dma_start3A_46 = arith.constant 0 : i32
    %dma_start3A_47 = tpu.memref_slice %arg2[%dma_start3A_39, %add3A, %dma_start3A_45, %dma_start3A_46] : memref<20x32x26x128xi32, #tpu.memory_space<hbm>> -> memref<1x1x26x128xi32, #tpu.memory_space<hbm>>
    %dma_start3A_48 = tpu.memref_squeeze %dma_start3A_47 : memref<1x1x26x128xi32, #tpu.memory_space<hbm>> -> memref<26x128xi32, #tpu.memory_space<hbm>>
    %dma_start3A_49 = arith.constant 0 : i32
    %dma_start3A_50 = arith.constant 0 : i32
    %dma_start3A_51 = tpu.memref_slice %arg5[%dma_start3A_40, %dma_start3A_49, %dma_start3A_50] : memref<20x26x128xi32, #tpu.memory_space<vmem>> -> memref<1x26x128xi32, #tpu.memory_space<vmem>>
    %dma_start3A_52 = tpu.memref_squeeze %dma_start3A_51 : memref<1x26x128xi32, #tpu.memory_space<vmem>> -> memref<26x128xi32, #tpu.memory_space<vmem>>
    %dma_start3A_53 = arith.constant 0 : i32
    %dma_start3A_54 = arith.constant 0 : i32
    %dma_start3A_55 = tpu.memref_slice %arg2[%dma_start3A_39, %add3A, %dma_start3A_53, %dma_start3A_54] : memref<20x32x26x128xi32, #tpu.memory_space<hbm>> -> memref<1x1x26x128xi32, #tpu.memory_space<hbm>>
    %dma_start3A_56 = tpu.memref_squeeze %dma_start3A_55 : memref<1x1x26x128xi32, #tpu.memory_space<hbm>> -> memref<26x128xi32, #tpu.memory_space<hbm>>
    tpu.enqueue_dma source(%dma_start3A_56 : memref<26x128xi32, #tpu.memory_space<hbm>>) target(%dma_start3A_52 : memref<26x128xi32, #tpu.memory_space<vmem>>) target_semaphore(%arg8 : memref<!tpu.dma_semaphore, #tpu.memory_space<semaphore_mem>>)
    %dma_start3A_57 = arith.constant 3 : i32
    %dma_start3A_58 = arith.constant 3 : i32
    %dma_start3A_59 = arith.constant 0 : i32
    %dma_start3A_60 = arith.constant 0 : i32
    %dma_start3A_61 = tpu.memref_slice %arg5[%dma_start3A_58, %dma_start3A_59, %dma_start3A_60] : memref<20x26x128xi32, #tpu.memory_space<vmem>> -> memref<1x26x128xi32, #tpu.memory_space<vmem>>
    %dma_start3A_62 = tpu.memref_squeeze %dma_start3A_61 : memref<1x26x128xi32, #tpu.memory_space<vmem>> -> memref<26x128xi32, #tpu.memory_space<vmem>>
    %dma_start3A_63 = arith.constant 0 : i32
    %dma_start3A_64 = arith.constant 0 : i32
    %dma_start3A_65 = tpu.memref_slice %arg2[%dma_start3A_57, %add3A, %dma_start3A_63, %dma_start3A_64] : memref<20x32x26x128xi32, #tpu.memory_space<hbm>> -> memref<1x1x26x128xi32, #tpu.memory_space<hbm>>
    %dma_start3A_66 = tpu.memref_squeeze %dma_start3A_65 : memref<1x1x26x128xi32, #tpu.memory_space<hbm>> -> memref<26x128xi32, #tpu.memory_space<hbm>>
    %dma_start3A_67 = arith.constant 0 : i32
    %dma_start3A_68 = arith.constant 0 : i32
    %dma_start3A_69 = tpu.memref_slice %arg5[%dma_start3A_58, %dma_start3A_67, %dma_start3A_68] : memref<20x26x128xi32, #tpu.memory_space<vmem>> -> memref<1x26x128xi32, #tpu.memory_space<vmem>>
    %dma_start3A_70 = tpu.memref_squeeze %dma_start3A_69 : memref<1x26x128xi32, #tpu.memory_space<vmem>> -> memref<26x128xi32, #tpu.memory_space<vmem>>
    %dma_start3A_71 = arith.constant 0 : i32
    %dma_start3A_72 = arith.constant 0 : i32
    %dma_start3A_73 = tpu.memref_slice %arg2[%dma_start3A_57, %add3A, %dma_start3A_71, %dma_start3A_72] : memref<20x32x26x128xi32, #tpu.memory_space<hbm>> -> memref<1x1x26x128xi32, #tpu.memory_space<hbm>>
    %dma_start3A_74 = tpu.memref_squeeze %dma_start3A_73 : memref<1x1x26x128xi32, #tpu.memory_space<hbm>> -> memref<26x128xi32, #tpu.memory_space<hbm>>
    tpu.enqueue_dma source(%dma_start3A_74 : memref<26x128xi32, #tpu.memory_space<hbm>>) target(%dma_start3A_70 : memref<26x128xi32, #tpu.memory_space<vmem>>) target_semaphore(%arg8 : memref<!tpu.dma_semaphore, #tpu.memory_space<semaphore_mem>>)
    %dma_start3A_75 = arith.constant 4 : i32
    %dma_start3A_76 = arith.constant 4 : i32
    %dma_start3A_77 = arith.constant 0 : i32
    %dma_start3A_78 = arith.constant 0 : i32
    %dma_start3A_79 = tpu.memref_slice %arg5[%dma_start3A_76, %dma_start3A_77, %dma_start3A_78] : memref<20x26x128xi32, #tpu.memory_space<vmem>> -> memref<1x26x128xi32, #tpu.memory_space<vmem>>
    %dma_start3A_80 = tpu.memref_squeeze %dma_start3A_79 : memref<1x26x128xi32, #tpu.memory_space<vmem>> -> memref<26x128xi32, #tpu.memory_space<vmem>>
    %dma_start3A_81 = arith.constant 0 : i32
    %dma_start3A_82 = arith.constant 0 : i32
    %dma_start3A_83 = tpu.memref_slice %arg2[%dma_start3A_75, %add3A, %dma_start3A_81, %dma_start3A_82] : memref<20x32x26x128xi32, #tpu.memory_space<hbm>> -> memref<1x1x26x128xi32, #tpu.memory_space<hbm>>
    %dma_start3A_84 = tpu.memref_squeeze %dma_start3A_83 : memref<1x1x26x128xi32, #tpu.memory_space<hbm>> -> memref<26x128xi32, #tpu.memory_space<hbm>>
    %dma_start3A_85 = arith.constant 0 : i32
    %dma_start3A_86 = arith.constant 0 : i32
    %dma_start3A_87 = tpu.memref_slice %arg5[%dma_start3A_76, %dma_start3A_85, %dma_start3A_86] : memref<20x26x128xi32, #tpu.memory_space<vmem>> -> memref<1x26x128xi32, #tpu.memory_space<vmem>>
    %dma_start3A_88 = tpu.memref_squeeze %dma_start3A_87 : memref<1x26x128xi32, #tpu.memory_space<vmem>> -> memref<26x128xi32, #tpu.memory_space<vmem>>
    %dma_start3A_89 = arith.constant 0 : i32
    %dma_start3A_90 = arith.constant 0 : i32
    %dma_start3A_91 = tpu.memref_slice %arg2[%dma_start3A_75, %add3A, %dma_start3A_89, %dma_start3A_90] : memref<20x32x26x128xi32, #tpu.memory_space<hbm>> -> memref<1x1x26x128xi32, #tpu.memory_space<hbm>>
    %dma_start3A_92 = tpu.memref_squeeze %dma_start3A_91 : memref<1x1x26x128xi32, #tpu.memory_space<hbm>> -> memref<26x128xi32, #tpu.memory_space<hbm>>
    tpu.enqueue_dma source(%dma_start3A_92 : memref<26x128xi32, #tpu.memory_space<hbm>>) target(%dma_start3A_88 : memref<26x128xi32, #tpu.memory_space<vmem>>) target_semaphore(%arg8 : memref<!tpu.dma_semaphore, #tpu.memory_space<semaphore_mem>>)
    %dma_start3A_93 = arith.constant 5 : i32
    %dma_start3A_94 = arith.constant 5 : i32
    %dma_start3A_95 = arith.constant 0 : i32
    %dma_start3A_96 = arith.constant 0 : i32
    %dma_start3A_97 = tpu.memref_slice %arg5[%dma_start3A_94, %dma_start3A_95, %dma_start3A_96] : memref<20x26x128xi32, #tpu.memory_space<vmem>> -> memref<1x26x128xi32, #tpu.memory_space<vmem>>
    %dma_start3A_98 = tpu.memref_squeeze %dma_start3A_97 : memref<1x26x128xi32, #tpu.memory_space<vmem>> -> memref<26x128xi32, #tpu.memory_space<vmem>>
    %dma_start3A_99 = arith.constant 0 : i32
    %dma_start3A_100 = arith.constant 0 : i32
    %dma_start3A_101 = tpu.memref_slice %arg2[%dma_start3A_93, %add3A, %dma_start3A_99, %dma_start3A_100] : memref<20x32x26x128xi32, #tpu.memory_space<hbm>> -> memref<1x1x26x128xi32, #tpu.memory_space<hbm>>
    %dma_start3A_102 = tpu.memref_squeeze %dma_start3A_101 : memref<1x1x26x128xi32, #tpu.memory_space<hbm>> -> memref<26x128xi32, #tpu.memory_space<hbm>>
    %dma_start3A_103 = arith.constant 0 : i32
    %dma_start3A_104 = arith.constant 0 : i32
    %dma_start3A_105 = tpu.memref_slice %arg5[%dma_start3A_94, %dma_start3A_103, %dma_start3A_104] : memref<20x26x128xi32, #tpu.memory_space<vmem>> -> memref<1x26x128xi32, #tpu.memory_space<vmem>>
    %dma_start3A_106 = tpu.memref_squeeze %dma_start3A_105 : memref<1x26x128xi32, #tpu.memory_space<vmem>> -> memref<26x128xi32, #tpu.memory_space<vmem>>
    %dma_start3A_107 = arith.constant 0 : i32
    %dma_start3A_108 = arith.constant 0 : i32
    %dma_start3A_109 = tpu.memref_slice %arg2[%dma_start3A_93, %add3A, %dma_start3A_107, %dma_start3A_108] : memref<20x32x26x128xi32, #tpu.memory_space<hbm>> -> memref<1x1x26x128xi32, #tpu.memory_space<hbm>>
    %dma_start3A_110 = tpu.memref_squeeze %dma_start3A_109 : memref<1x1x26x128xi32, #tpu.memory_space<hbm>> -> memref<26x128xi32, #tpu.memory_space<hbm>>
    tpu.enqueue_dma source(%dma_start3A_110 : memref<26x128xi32, #tpu.memory_space<hbm>>) target(%dma_start3A_106 : memref<26x128xi32, #tpu.memory_space<vmem>>) target_semaphore(%arg8 : memref<!tpu.dma_semaphore, #tpu.memory_space<semaphore_mem>>)
    %dma_start3A_111 = arith.constant 6 : i32
    %dma_start3A_112 = arith.constant 6 : i32
    %dma_start3A_113 = arith.constant 0 : i32
    %dma_start3A_114 = arith.constant 0 : i32
    %dma_start3A_115 = tpu.memref_slice %arg5[%dma_start3A_112, %dma_start3A_113, %dma_start3A_114] : memref<20x26x128xi32, #tpu.memory_space<vmem>> -> memref<1x26x128xi32, #tpu.memory_space<vmem>>
    %dma_start3A_116 = tpu.memref_squeeze %dma_start3A_115 : memref<1x26x128xi32, #tpu.memory_space<vmem>> -> memref<26x128xi32, #tpu.memory_space<vmem>>
    %dma_start3A_117 = arith.constant 0 : i32
    %dma_start3A_118 = arith.constant 0 : i32
    %dma_start3A_119 = tpu.memref_slice %arg2[%dma_start3A_111, %add3A, %dma_start3A_117, %dma_start3A_118] : memref<20x32x26x128xi32, #tpu.memory_space<hbm>> -> memref<1x1x26x128xi32, #tpu.memory_space<hbm>>
    %dma_start3A_120 = tpu.memref_squeeze %dma_start3A_119 : memref<1x1x26x128xi32, #tpu.memory_space<hbm>> -> memref<26x128xi32, #tpu.memory_space<hbm>>
    %dma_start3A_121 = arith.constant 0 : i32
    %dma_start3A_122 = arith.constant 0 : i32
    %dma_start3A_123 = tpu.memref_slice %arg5[%dma_start3A_112, %dma_start3A_121, %dma_start3A_122] : memref<20x26x128xi32, #tpu.memory_space<vmem>> -> memref<1x26x128xi32, #tpu.memory_space<vmem>>
    %dma_start3A_124 = tpu.memref_squeeze %dma_start3A_123 : memref<1x26x128xi32, #tpu.memory_space<vmem>> -> memref<26x128xi32, #tpu.memory_space<vmem>>
    %dma_start3A_125 = arith.constant 0 : i32
    %dma_start3A_126 = arith.constant 0 : i32
    %dma_start3A_127 = tpu.memref_slice %arg2[%dma_start3A_111, %add3A, %dma_start3A_125, %dma_start3A_126] : memref<20x32x26x128xi32, #tpu.memory_space<hbm>> -> memref<1x1x26x128xi32, #tpu.memory_space<hbm>>
    %dma_start3A_128 = tpu.memref_squeeze %dma_start3A_127 : memref<1x1x26x128xi32, #tpu.memory_space<hbm>> -> memref<26x128xi32, #tpu.memory_space<hbm>>
    tpu.enqueue_dma source(%dma_start3A_128 : memref<26x128xi32, #tpu.memory_space<hbm>>) target(%dma_start3A_124 : memref<26x128xi32, #tpu.memory_space<vmem>>) target_semaphore(%arg8 : memref<!tpu.dma_semaphore, #tpu.memory_space<semaphore_mem>>)
    %dma_start3A_129 = arith.constant 7 : i32
    %dma_start3A_130 = arith.constant 7 : i32
    %dma_start3A_131 = arith.constant 0 : i32
    %dma_start3A_132 = arith.constant 0 : i32
    %dma_start3A_133 = tpu.memref_slice %arg5[%dma_start3A_130, %dma_start3A_131, %dma_start3A_132] : memref<20x26x128xi32, #tpu.memory_space<vmem>> -> memref<1x26x128xi32, #tpu.memory_space<vmem>>
    %dma_start3A_134 = tpu.memref_squeeze %dma_start3A_133 : memref<1x26x128xi32, #tpu.memory_space<vmem>> -> memref<26x128xi32, #tpu.memory_space<vmem>>
    %dma_start3A_135 = arith.constant 0 : i32
    %dma_start3A_136 = arith.constant 0 : i32
    %dma_start3A_137 = tpu.memref_slice %arg2[%dma_start3A_129, %add3A, %dma_start3A_135, %dma_start3A_136] : memref<20x32x26x128xi32, #tpu.memory_space<hbm>> -> memref<1x1x26x128xi32, #tpu.memory_space<hbm>>
    %dma_start3A_138 = tpu.memref_squeeze %dma_start3A_137 : memref<1x1x26x128xi32, #tpu.memory_space<hbm>> -> memref<26x128xi32, #tpu.memory_space<hbm>>
    %dma_start3A_139 = arith.constant 0 : i32
    %dma_start3A_140 = arith.constant 0 : i32
    %dma_start3A_141 = tpu.memref_slice %arg5[%dma_start3A_130, %dma_start3A_139, %dma_start3A_140] : memref<20x26x128xi32, #tpu.memory_space<vmem>> -> memref<1x26x128xi32, #tpu.memory_space<vmem>>
    %dma_start3A_142 = tpu.memref_squeeze %dma_start3A_141 : memref<1x26x128xi32, #tpu.memory_space<vmem>> -> memref<26x128xi32, #tpu.memory_space<vmem>>
    %dma_start3A_143 = arith.constant 0 : i32
    %dma_start3A_144 = arith.constant 0 : i32
    %dma_start3A_145 = tpu.memref_slice %arg2[%dma_start3A_129, %add3A, %dma_start3A_143, %dma_start3A_144] : memref<20x32x26x128xi32, #tpu.memory_space<hbm>> -> memref<1x1x26x128xi32, #tpu.memory_space<hbm>>
    %dma_start3A_146 = tpu.memref_squeeze %dma_start3A_145 : memref<1x1x26x128xi32, #tpu.memory_space<hbm>> -> memref<26x128xi32, #tpu.memory_space<hbm>>
    tpu.enqueue_dma source(%dma_start3A_146 : memref<26x128xi32, #tpu.memory_space<hbm>>) target(%dma_start3A_142 : memref<26x128xi32, #tpu.memory_space<vmem>>) target_semaphore(%arg8 : memref<!tpu.dma_semaphore, #tpu.memory_space<semaphore_mem>>)
    %dma_start3A_147 = arith.constant 8 : i32
    %dma_start3A_148 = arith.constant 8 : i32
    %dma_start3A_149 = arith.constant 0 : i32
    %dma_start3A_150 = arith.constant 0 : i32
    %dma_start3A_151 = tpu.memref_slice %arg5[%dma_start3A_148, %dma_start3A_149, %dma_start3A_150] : memref<20x26x128xi32, #tpu.memory_space<vmem>> -> memref<1x26x128xi32, #tpu.memory_space<vmem>>
    %dma_start3A_152 = tpu.memref_squeeze %dma_start3A_151 : memref<1x26x128xi32, #tpu.memory_space<vmem>> -> memref<26x128xi32, #tpu.memory_space<vmem>>
    %dma_start3A_153 = arith.constant 0 : i32
    %dma_start3A_154 = arith.constant 0 : i32
    %dma_start3A_155 = tpu.memref_slice %arg2[%dma_start3A_147, %add3A, %dma_start3A_153, %dma_start3A_154] : memref<20x32x26x128xi32, #tpu.memory_space<hbm>> -> memref<1x1x26x128xi32, #tpu.memory_space<hbm>>
    %dma_start3A_156 = tpu.memref_squeeze %dma_start3A_155 : memref<1x1x26x128xi32, #tpu.memory_space<hbm>> -> memref<26x128xi32, #tpu.memory_space<hbm>>
    %dma_start3A_157 = arith.constant 0 : i32
    %dma_start3A_158 = arith.constant 0 : i32
    %dma_start3A_159 = tpu.memref_slice %arg5[%dma_start3A_148, %dma_start3A_157, %dma_start3A_158] : memref<20x26x128xi32, #tpu.memory_space<vmem>> -> memref<1x26x128xi32, #tpu.memory_space<vmem>>
    %dma_start3A_160 = tpu.memref_squeeze %dma_start3A_159 : memref<1x26x128xi32, #tpu.memory_space<vmem>> -> memref<26x128xi32, #tpu.memory_space<vmem>>
    %dma_start3A_161 = arith.constant 0 : i32
    %dma_start3A_162 = arith.constant 0 : i32
    %dma_start3A_163 = tpu.memref_slice %arg2[%dma_start3A_147, %add3A, %dma_start3A_161, %dma_start3A_162] : memref<20x32x26x128xi32, #tpu.memory_space<hbm>> -> memref<1x1x26x128xi32, #tpu.memory_space<hbm>>
    %dma_start3A_164 = tpu.memref_squeeze %dma_start3A_163 : memref<1x1x26x128xi32, #tpu.memory_space<hbm>> -> memref<26x128xi32, #tpu.memory_space<hbm>>
    tpu.enqueue_dma source(%dma_start3A_164 : memref<26x128xi32, #tpu.memory_space<hbm>>) target(%dma_start3A_160 : memref<26x128xi32, #tpu.memory_space<vmem>>) target_semaphore(%arg8 : memref<!tpu.dma_semaphore, #tpu.memory_space<semaphore_mem>>)
    %dma_start3A_165 = arith.constant 9 : i32
    %dma_start3A_166 = arith.constant 9 : i32
    %dma_start3A_167 = arith.constant 0 : i32
    %dma_start3A_168 = arith.constant 0 : i32
    %dma_start3A_169 = tpu.memref_slice %arg5[%dma_start3A_166, %dma_start3A_167, %dma_start3A_168] : memref<20x26x128xi32, #tpu.memory_space<vmem>> -> memref<1x26x128xi32, #tpu.memory_space<vmem>>
    %dma_start3A_170 = tpu.memref_squeeze %dma_start3A_169 : memref<1x26x128xi32, #tpu.memory_space<vmem>> -> memref<26x128xi32, #tpu.memory_space<vmem>>
    %dma_start3A_171 = arith.constant 0 : i32
    %dma_start3A_172 = arith.constant 0 : i32
    %dma_start3A_173 = tpu.memref_slice %arg2[%dma_start3A_165, %add3A, %dma_start3A_171, %dma_start3A_172] : memref<20x32x26x128xi32, #tpu.memory_space<hbm>> -> memref<1x1x26x128xi32, #tpu.memory_space<hbm>>
    %dma_start3A_174 = tpu.memref_squeeze %dma_start3A_173 : memref<1x1x26x128xi32, #tpu.memory_space<hbm>> -> memref<26x128xi32, #tpu.memory_space<hbm>>
    %dma_start3A_175 = arith.constant 0 : i32
    %dma_start3A_176 = arith.constant 0 : i32
    %dma_start3A_177 = tpu.memref_slice %arg5[%dma_start3A_166, %dma_start3A_175, %dma_start3A_176] : memref<20x26x128xi32, #tpu.memory_space<vmem>> -> memref<1x26x128xi32, #tpu.memory_space<vmem>>
    %dma_start3A_178 = tpu.memref_squeeze %dma_start3A_177 : memref<1x26x128xi32, #tpu.memory_space<vmem>> -> memref<26x128xi32, #tpu.memory_space<vmem>>
    %dma_start3A_179 = arith.constant 0 : i32
    %dma_start3A_180 = arith.constant 0 : i32
    %dma_start3A_181 = tpu.memref_slice %arg2[%dma_start3A_165, %add3A, %dma_start3A_179, %dma_start3A_180] : memref<20x32x26x128xi32, #tpu.memory_space<hbm>> -> memref<1x1x26x128xi32, #tpu.memory_space<hbm>>
    %dma_start3A_182 = tpu.memref_squeeze %dma_start3A_181 : memref<1x1x26x128xi32, #tpu.memory_space<hbm>> -> memref<26x128xi32, #tpu.memory_space<hbm>>
    tpu.enqueue_dma source(%dma_start3A_182 : memref<26x128xi32, #tpu.memory_space<hbm>>) target(%dma_start3A_178 : memref<26x128xi32, #tpu.memory_space<vmem>>) target_semaphore(%arg8 : memref<!tpu.dma_semaphore, #tpu.memory_space<semaphore_mem>>)
    %dma_start3A_183 = arith.constant 10 : i32
    %dma_start3A_184 = arith.constant 10 : i32
    %dma_start3A_185 = arith.constant 0 : i32
    %dma_start3A_186 = arith.constant 0 : i32
    %dma_start3A_187 = tpu.memref_slice %arg5[%dma_start3A_184, %dma_start3A_185, %dma_start3A_186] : memref<20x26x128xi32, #tpu.memory_space<vmem>> -> memref<1x26x128xi32, #tpu.memory_space<vmem>>
    %dma_start3A_188 = tpu.memref_squeeze %dma_start3A_187 : memref<1x26x128xi32, #tpu.memory_space<vmem>> -> memref<26x128xi32, #tpu.memory_space<vmem>>
    %dma_start3A_189 = arith.constant 0 : i32
    %dma_start3A_190 = arith.constant 0 : i32
    %dma_start3A_191 = tpu.memref_slice %arg2[%dma_start3A_183, %add3A, %dma_start3A_189, %dma_start3A_190] : memref<20x32x26x128xi32, #tpu.memory_space<hbm>> -> memref<1x1x26x128xi32, #tpu.memory_space<hbm>>
    %dma_start3A_192 = tpu.memref_squeeze %dma_start3A_191 : memref<1x1x26x128xi32, #tpu.memory_space<hbm>> -> memref<26x128xi32, #tpu.memory_space<hbm>>
    %dma_start3A_193 = arith.constant 0 : i32
    %dma_start3A_194 = arith.constant 0 : i32
    %dma_start3A_195 = tpu.memref_slice %arg5[%dma_start3A_184, %dma_start3A_193, %dma_start3A_194] : memref<20x26x128xi32, #tpu.memory_space<vmem>> -> memref<1x26x128xi32, #tpu.memory_space<vmem>>
    %dma_start3A_196 = tpu.memref_squeeze %dma_start3A_195 : memref<1x26x128xi32, #tpu.memory_space<vmem>> -> memref<26x128xi32, #tpu.memory_space<vmem>>
    %dma_start3A_197 = arith.constant 0 : i32
    %dma_start3A_198 = arith.constant 0 : i32
    %dma_start3A_199 = tpu.memref_slice %arg2[%dma_start3A_183, %add3A, %dma_start3A_197, %dma_start3A_198] : memref<20x32x26x128xi32, #tpu.memory_space<hbm>> -> memref<1x1x26x128xi32, #tpu.memory_space<hbm>>
    %dma_start3A_200 = tpu.memref_squeeze %dma_start3A_199 : memref<1x1x26x128xi32, #tpu.memory_space<hbm>> -> memref<26x128xi32, #tpu.memory_space<hbm>>
    tpu.enqueue_dma source(%dma_start3A_200 : memref<26x128xi32, #tpu.memory_space<hbm>>) target(%dma_start3A_196 : memref<26x128xi32, #tpu.memory_space<vmem>>) target_semaphore(%arg8 : memref<!tpu.dma_semaphore, #tpu.memory_space<semaphore_mem>>)
    %dma_start3A_201 = arith.constant 11 : i32
    %dma_start3A_202 = arith.constant 11 : i32
    %dma_start3A_203 = arith.constant 0 : i32
    %dma_start3A_204 = arith.constant 0 : i32
    %dma_start3A_205 = tpu.memref_slice %arg5[%dma_start3A_202, %dma_start3A_203, %dma_start3A_204] : memref<20x26x128xi32, #tpu.memory_space<vmem>> -> memref<1x26x128xi32, #tpu.memory_space<vmem>>
    %dma_start3A_206 = tpu.memref_squeeze %dma_start3A_205 : memref<1x26x128xi32, #tpu.memory_space<vmem>> -> memref<26x128xi32, #tpu.memory_space<vmem>>
    %dma_start3A_207 = arith.constant 0 : i32
    %dma_start3A_208 = arith.constant 0 : i32
    %dma_start3A_209 = tpu.memref_slice %arg2[%dma_start3A_201, %add3A, %dma_start3A_207, %dma_start3A_208] : memref<20x32x26x128xi32, #tpu.memory_space<hbm>> -> memref<1x1x26x128xi32, #tpu.memory_space<hbm>>
    %dma_start3A_210 = tpu.memref_squeeze %dma_start3A_209 : memref<1x1x26x128xi32, #tpu.memory_space<hbm>> -> memref<26x128xi32, #tpu.memory_space<hbm>>
    %dma_start3A_211 = arith.constant 0 : i32
    %dma_start3A_212 = arith.constant 0 : i32
    %dma_start3A_213 = tpu.memref_slice %arg5[%dma_start3A_202, %dma_start3A_211, %dma_start3A_212] : memref<20x26x128xi32, #tpu.memory_space<vmem>> -> memref<1x26x128xi32, #tpu.memory_space<vmem>>
    %dma_start3A_214 = tpu.memref_squeeze %dma_start3A_213 : memref<1x26x128xi32, #tpu.memory_space<vmem>> -> memref<26x128xi32, #tpu.memory_space<vmem>>
    %dma_start3A_215 = arith.constant 0 : i32
    %dma_start3A_216 = arith.constant 0 : i32
    %dma_start3A_217 = tpu.memref_slice %arg2[%dma_start3A_201, %add3A, %dma_start3A_215, %dma_start3A_216] : memref<20x32x26x128xi32, #tpu.memory_space<hbm>> -> memref<1x1x26x128xi32, #tpu.memory_space<hbm>>
    %dma_start3A_218 = tpu.memref_squeeze %dma_start3A_217 : memref<1x1x26x128xi32, #tpu.memory_space<hbm>> -> memref<26x128xi32, #tpu.memory_space<hbm>>
    tpu.enqueue_dma source(%dma_start3A_218 : memref<26x128xi32, #tpu.memory_space<hbm>>) target(%dma_start3A_214 : memref<26x128xi32, #tpu.memory_space<vmem>>) target_semaphore(%arg8 : memref<!tpu.dma_semaphore, #tpu.memory_space<semaphore_mem>>)
    %dma_start3A_219 = arith.constant 12 : i32
    %dma_start3A_220 = arith.constant 12 : i32
    %dma_start3A_221 = arith.constant 0 : i32
    %dma_start3A_222 = arith.constant 0 : i32
    %dma_start3A_223 = tpu.memref_slice %arg5[%dma_start3A_220, %dma_start3A_221, %dma_start3A_222] : memref<20x26x128xi32, #tpu.memory_space<vmem>> -> memref<1x26x128xi32, #tpu.memory_space<vmem>>
    %dma_start3A_224 = tpu.memref_squeeze %dma_start3A_223 : memref<1x26x128xi32, #tpu.memory_space<vmem>> -> memref<26x128xi32, #tpu.memory_space<vmem>>
    %dma_start3A_225 = arith.constant 0 : i32
    %dma_start3A_226 = arith.constant 0 : i32
    %dma_start3A_227 = tpu.memref_slice %arg2[%dma_start3A_219, %add3A, %dma_start3A_225, %dma_start3A_226] : memref<20x32x26x128xi32, #tpu.memory_space<hbm>> -> memref<1x1x26x128xi32, #tpu.memory_space<hbm>>
    %dma_start3A_228 = tpu.memref_squeeze %dma_start3A_227 : memref<1x1x26x128xi32, #tpu.memory_space<hbm>> -> memref<26x128xi32, #tpu.memory_space<hbm>>
    %dma_start3A_229 = arith.constant 0 : i32
    %dma_start3A_230 = arith.constant 0 : i32
    %dma_start3A_231 = tpu.memref_slice %arg5[%dma_start3A_220, %dma_start3A_229, %dma_start3A_230] : memref<20x26x128xi32, #tpu.memory_space<vmem>> -> memref<1x26x128xi32, #tpu.memory_space<vmem>>
    %dma_start3A_232 = tpu.memref_squeeze %dma_start3A_231 : memref<1x26x128xi32, #tpu.memory_space<vmem>> -> memref<26x128xi32, #tpu.memory_space<vmem>>
    %dma_start3A_233 = arith.constant 0 : i32
    %dma_start3A_234 = arith.constant 0 : i32
    %dma_start3A_235 = tpu.memref_slice %arg2[%dma_start3A_219, %add3A, %dma_start3A_233, %dma_start3A_234] : memref<20x32x26x128xi32, #tpu.memory_space<hbm>> -> memref<1x1x26x128xi32, #tpu.memory_space<hbm>>
    %dma_start3A_236 = tpu.memref_squeeze %dma_start3A_235 : memref<1x1x26x128xi32, #tpu.memory_space<hbm>> -> memref<26x128xi32, #tpu.memory_space<hbm>>
    tpu.enqueue_dma source(%dma_start3A_236 : memref<26x128xi32, #tpu.memory_space<hbm>>) target(%dma_start3A_232 : memref<26x128xi32, #tpu.memory_space<vmem>>) target_semaphore(%arg8 : memref<!tpu.dma_semaphore, #tpu.memory_space<semaphore_mem>>)
    %dma_start3A_237 = arith.constant 13 : i32
    %dma_start3A_238 = arith.constant 13 : i32
    %dma_start3A_239 = arith.constant 0 : i32
    %dma_start3A_240 = arith.constant 0 : i32
    %dma_start3A_241 = tpu.memref_slice %arg5[%dma_start3A_238, %dma_start3A_239, %dma_start3A_240] : memref<20x26x128xi32, #tpu.memory_space<vmem>> -> memref<1x26x128xi32, #tpu.memory_space<vmem>>
    %dma_start3A_242 = tpu.memref_squeeze %dma_start3A_241 : memref<1x26x128xi32, #tpu.memory_space<vmem>> -> memref<26x128xi32, #tpu.memory_space<vmem>>
    %dma_start3A_243 = arith.constant 0 : i32
    %dma_start3A_244 = arith.constant 0 : i32
    %dma_start3A_245 = tpu.memref_slice %arg2[%dma_start3A_237, %add3A, %dma_start3A_243, %dma_start3A_244] : memref<20x32x26x128xi32, #tpu.memory_space<hbm>> -> memref<1x1x26x128xi32, #tpu.memory_space<hbm>>
    %dma_start3A_246 = tpu.memref_squeeze %dma_start3A_245 : memref<1x1x26x128xi32, #tpu.memory_space<hbm>> -> memref<26x128xi32, #tpu.memory_space<hbm>>
    %dma_start3A_247 = arith.constant 0 : i32
    %dma_start3A_248 = arith.constant 0 : i32
    %dma_start3A_249 = tpu.memref_slice %arg5[%dma_start3A_238, %dma_start3A_247, %dma_start3A_248] : memref<20x26x128xi32, #tpu.memory_space<vmem>> -> memref<1x26x128xi32, #tpu.memory_space<vmem>>
    %dma_start3A_250 = tpu.memref_squeeze %dma_start3A_249 : memref<1x26x128xi32, #tpu.memory_space<vmem>> -> memref<26x128xi32, #tpu.memory_space<vmem>>
    %dma_start3A_251 = arith.constant 0 : i32
    %dma_start3A_252 = arith.constant 0 : i32
    %dma_start3A_253 = tpu.memref_slice %arg2[%dma_start3A_237, %add3A, %dma_start3A_251, %dma_start3A_252] : memref<20x32x26x128xi32, #tpu.memory_space<hbm>> -> memref<1x1x26x128xi32, #tpu.memory_space<hbm>>
    %dma_start3A_254 = tpu.memref_squeeze %dma_start3A_253 : memref<1x1x26x128xi32, #tpu.memory_space<hbm>> -> memref<26x128xi32, #tpu.memory_space<hbm>>
    tpu.enqueue_dma source(%dma_start3A_254 : memref<26x128xi32, #tpu.memory_space<hbm>>) target(%dma_start3A_250 : memref<26x128xi32, #tpu.memory_space<vmem>>) target_semaphore(%arg8 : memref<!tpu.dma_semaphore, #tpu.memory_space<semaphore_mem>>)
    %dma_start3A_255 = arith.constant 14 : i32
    %dma_start3A_256 = arith.constant 14 : i32
    %dma_start3A_257 = arith.constant 0 : i32
    %dma_start3A_258 = arith.constant 0 : i32
    %dma_start3A_259 = tpu.memref_slice %arg5[%dma_start3A_256, %dma_start3A_257, %dma_start3A_258] : memref<20x26x128xi32, #tpu.memory_space<vmem>> -> memref<1x26x128xi32, #tpu.memory_space<vmem>>
    %dma_start3A_260 = tpu.memref_squeeze %dma_start3A_259 : memref<1x26x128xi32, #tpu.memory_space<vmem>> -> memref<26x128xi32, #tpu.memory_space<vmem>>
    %dma_start3A_261 = arith.constant 0 : i32
    %dma_start3A_262 = arith.constant 0 : i32
    %dma_start3A_263 = tpu.memref_slice %arg2[%dma_start3A_255, %add3A, %dma_start3A_261, %dma_start3A_262] : memref<20x32x26x128xi32, #tpu.memory_space<hbm>> -> memref<1x1x26x128xi32, #tpu.memory_space<hbm>>
    %dma_start3A_264 = tpu.memref_squeeze %dma_start3A_263 : memref<1x1x26x128xi32, #tpu.memory_space<hbm>> -> memref<26x128xi32, #tpu.memory_space<hbm>>
    %dma_start3A_265 = arith.constant 0 : i32
    %dma_start3A_266 = arith.constant 0 : i32
    %dma_start3A_267 = tpu.memref_slice %arg5[%dma_start3A_256, %dma_start3A_265, %dma_start3A_266] : memref<20x26x128xi32, #tpu.memory_space<vmem>> -> memref<1x26x128xi32, #tpu.memory_space<vmem>>
    %dma_start3A_268 = tpu.memref_squeeze %dma_start3A_267 : memref<1x26x128xi32, #tpu.memory_space<vmem>> -> memref<26x128xi32, #tpu.memory_space<vmem>>
    %dma_start3A_269 = arith.constant 0 : i32
    %dma_start3A_270 = arith.constant 0 : i32
    %dma_start3A_271 = tpu.memref_slice %arg2[%dma_start3A_255, %add3A, %dma_start3A_269, %dma_start3A_270] : memref<20x32x26x128xi32, #tpu.memory_space<hbm>> -> memref<1x1x26x128xi32, #tpu.memory_space<hbm>>
    %dma_start3A_272 = tpu.memref_squeeze %dma_start3A_271 : memref<1x1x26x128xi32, #tpu.memory_space<hbm>> -> memref<26x128xi32, #tpu.memory_space<hbm>>
    tpu.enqueue_dma source(%dma_start3A_272 : memref<26x128xi32, #tpu.memory_space<hbm>>) target(%dma_start3A_268 : memref<26x128xi32, #tpu.memory_space<vmem>>) target_semaphore(%arg8 : memref<!tpu.dma_semaphore, #tpu.memory_space<semaphore_mem>>)
    %dma_start3A_273 = arith.constant 15 : i32
    %dma_start3A_274 = arith.constant 15 : i32
    %dma_start3A_275 = arith.constant 0 : i32
    %dma_start3A_276 = arith.constant 0 : i32
    %dma_start3A_277 = tpu.memref_slice %arg5[%dma_start3A_274, %dma_start3A_275, %dma_start3A_276] : memref<20x26x128xi32, #tpu.memory_space<vmem>> -> memref<1x26x128xi32, #tpu.memory_space<vmem>>
    %dma_start3A_278 = tpu.memref_squeeze %dma_start3A_277 : memref<1x26x128xi32, #tpu.memory_space<vmem>> -> memref<26x128xi32, #tpu.memory_space<vmem>>
    %dma_start3A_279 = arith.constant 0 : i32
    %dma_start3A_280 = arith.constant 0 : i32
    %dma_start3A_281 = tpu.memref_slice %arg2[%dma_start3A_273, %add3A, %dma_start3A_279, %dma_start3A_280] : memref<20x32x26x128xi32, #tpu.memory_space<hbm>> -> memref<1x1x26x128xi32, #tpu.memory_space<hbm>>
    %dma_start3A_282 = tpu.memref_squeeze %dma_start3A_281 : memref<1x1x26x128xi32, #tpu.memory_space<hbm>> -> memref<26x128xi32, #tpu.memory_space<hbm>>
    %dma_start3A_283 = arith.constant 0 : i32
    %dma_start3A_284 = arith.constant 0 : i32
    %dma_start3A_285 = tpu.memref_slice %arg5[%dma_start3A_274, %dma_start3A_283, %dma_start3A_284] : memref<20x26x128xi32, #tpu.memory_space<vmem>> -> memref<1x26x128xi32, #tpu.memory_space<vmem>>
    %dma_start3A_286 = tpu.memref_squeeze %dma_start3A_285 : memref<1x26x128xi32, #tpu.memory_space<vmem>> -> memref<26x128xi32, #tpu.memory_space<vmem>>
    %dma_start3A_287 = arith.constant 0 : i32
    %dma_start3A_288 = arith.constant 0 : i32
    %dma_start3A_289 = tpu.memref_slice %arg2[%dma_start3A_273, %add3A, %dma_start3A_287, %dma_start3A_288] : memref<20x32x26x128xi32, #tpu.memory_space<hbm>> -> memref<1x1x26x128xi32, #tpu.memory_space<hbm>>
    %dma_start3A_290 = tpu.memref_squeeze %dma_start3A_289 : memref<1x1x26x128xi32, #tpu.memory_space<hbm>> -> memref<26x128xi32, #tpu.memory_space<hbm>>
    tpu.enqueue_dma source(%dma_start3A_290 : memref<26x128xi32, #tpu.memory_space<hbm>>) target(%dma_start3A_286 : memref<26x128xi32, #tpu.memory_space<vmem>>) target_semaphore(%arg8 : memref<!tpu.dma_semaphore, #tpu.memory_space<semaphore_mem>>)
    %dma_start3A_291 = arith.constant 16 : i32
    %dma_start3A_292 = arith.constant 16 : i32
    %dma_start3A_293 = arith.constant 0 : i32
    %dma_start3A_294 = arith.constant 0 : i32
    %dma_start3A_295 = tpu.memref_slice %arg5[%dma_start3A_292, %dma_start3A_293, %dma_start3A_294] : memref<20x26x128xi32, #tpu.memory_space<vmem>> -> memref<1x26x128xi32, #tpu.memory_space<vmem>>
    %dma_start3A_296 = tpu.memref_squeeze %dma_start3A_295 : memref<1x26x128xi32, #tpu.memory_space<vmem>> -> memref<26x128xi32, #tpu.memory_space<vmem>>
    %dma_start3A_297 = arith.constant 0 : i32
    %dma_start3A_298 = arith.constant 0 : i32
    %dma_start3A_299 = tpu.memref_slice %arg2[%dma_start3A_291, %add3A, %dma_start3A_297, %dma_start3A_298] : memref<20x32x26x128xi32, #tpu.memory_space<hbm>> -> memref<1x1x26x128xi32, #tpu.memory_space<hbm>>
    %dma_start3A_300 = tpu.memref_squeeze %dma_start3A_299 : memref<1x1x26x128xi32, #tpu.memory_space<hbm>> -> memref<26x128xi32, #tpu.memory_space<hbm>>
    %dma_start3A_301 = arith.constant 0 : i32
    %dma_start3A_302 = arith.constant 0 : i32
    %dma_start3A_303 = tpu.memref_slice %arg5[%dma_start3A_292, %dma_start3A_301, %dma_start3A_302] : memref<20x26x128xi32, #tpu.memory_space<vmem>> -> memref<1x26x128xi32, #tpu.memory_space<vmem>>
    %dma_start3A_304 = tpu.memref_squeeze %dma_start3A_303 : memref<1x26x128xi32, #tpu.memory_space<vmem>> -> memref<26x128xi32, #tpu.memory_space<vmem>>
    %dma_start3A_305 = arith.constant 0 : i32
    %dma_start3A_306 = arith.constant 0 : i32
    %dma_start3A_307 = tpu.memref_slice %arg2[%dma_start3A_291, %add3A, %dma_start3A_305, %dma_start3A_306] : memref<20x32x26x128xi32, #tpu.memory_space<hbm>> -> memref<1x1x26x128xi32, #tpu.memory_space<hbm>>
    %dma_start3A_308 = tpu.memref_squeeze %dma_start3A_307 : memref<1x1x26x128xi32, #tpu.memory_space<hbm>> -> memref<26x128xi32, #tpu.memory_space<hbm>>
    tpu.enqueue_dma source(%dma_start3A_308 : memref<26x128xi32, #tpu.memory_space<hbm>>) target(%dma_start3A_304 : memref<26x128xi32, #tpu.memory_space<vmem>>) target_semaphore(%arg8 : memref<!tpu.dma_semaphore, #tpu.memory_space<semaphore_mem>>)
    %dma_start3A_309 = arith.constant 17 : i32
    %dma_start3A_310 = arith.constant 17 : i32
    %dma_start3A_311 = arith.constant 0 : i32
    %dma_start3A_312 = arith.constant 0 : i32
    %dma_start3A_313 = tpu.memref_slice %arg5[%dma_start3A_310, %dma_start3A_311, %dma_start3A_312] : memref<20x26x128xi32, #tpu.memory_space<vmem>> -> memref<1x26x128xi32, #tpu.memory_space<vmem>>
    %dma_start3A_314 = tpu.memref_squeeze %dma_start3A_313 : memref<1x26x128xi32, #tpu.memory_space<vmem>> -> memref<26x128xi32, #tpu.memory_space<vmem>>
    %dma_start3A_315 = arith.constant 0 : i32
    %dma_start3A_316 = arith.constant 0 : i32
    %dma_start3A_317 = tpu.memref_slice %arg2[%dma_start3A_309, %add3A, %dma_start3A_315, %dma_start3A_316] : memref<20x32x26x128xi32, #tpu.memory_space<hbm>> -> memref<1x1x26x128xi32, #tpu.memory_space<hbm>>
    %dma_start3A_318 = tpu.memref_squeeze %dma_start3A_317 : memref<1x1x26x128xi32, #tpu.memory_space<hbm>> -> memref<26x128xi32, #tpu.memory_space<hbm>>
    %dma_start3A_319 = arith.constant 0 : i32
    %dma_start3A_320 = arith.constant 0 : i32
    %dma_start3A_321 = tpu.memref_slice %arg5[%dma_start3A_310, %dma_start3A_319, %dma_start3A_320] : memref<20x26x128xi32, #tpu.memory_space<vmem>> -> memref<1x26x128xi32, #tpu.memory_space<vmem>>
    %dma_start3A_322 = tpu.memref_squeeze %dma_start3A_321 : memref<1x26x128xi32, #tpu.memory_space<vmem>> -> memref<26x128xi32, #tpu.memory_space<vmem>>
    %dma_start3A_323 = arith.constant 0 : i32
    %dma_start3A_324 = arith.constant 0 : i32
    %dma_start3A_325 = tpu.memref_slice %arg2[%dma_start3A_309, %add3A, %dma_start3A_323, %dma_start3A_324] : memref<20x32x26x128xi32, #tpu.memory_space<hbm>> -> memref<1x1x26x128xi32, #tpu.memory_space<hbm>>
    %dma_start3A_326 = tpu.memref_squeeze %dma_start3A_325 : memref<1x1x26x128xi32, #tpu.memory_space<hbm>> -> memref<26x128xi32, #tpu.memory_space<hbm>>
    tpu.enqueue_dma source(%dma_start3A_326 : memref<26x128xi32, #tpu.memory_space<hbm>>) target(%dma_start3A_322 : memref<26x128xi32, #tpu.memory_space<vmem>>) target_semaphore(%arg8 : memref<!tpu.dma_semaphore, #tpu.memory_space<semaphore_mem>>)
    %dma_start3A_327 = arith.constant 18 : i32
    %dma_start3A_328 = arith.constant 18 : i32
    %dma_start3A_329 = arith.constant 0 : i32
    %dma_start3A_330 = arith.constant 0 : i32
    %dma_start3A_331 = tpu.memref_slice %arg5[%dma_start3A_328, %dma_start3A_329, %dma_start3A_330] : memref<20x26x128xi32, #tpu.memory_space<vmem>> -> memref<1x26x128xi32, #tpu.memory_space<vmem>>
    %dma_start3A_332 = tpu.memref_squeeze %dma_start3A_331 : memref<1x26x128xi32, #tpu.memory_space<vmem>> -> memref<26x128xi32, #tpu.memory_space<vmem>>
    %dma_start3A_333 = arith.constant 0 : i32
    %dma_start3A_334 = arith.constant 0 : i32
    %dma_start3A_335 = tpu.memref_slice %arg2[%dma_start3A_327, %add3A, %dma_start3A_333, %dma_start3A_334] : memref<20x32x26x128xi32, #tpu.memory_space<hbm>> -> memref<1x1x26x128xi32, #tpu.memory_space<hbm>>
    %dma_start3A_336 = tpu.memref_squeeze %dma_start3A_335 : memref<1x1x26x128xi32, #tpu.memory_space<hbm>> -> memref<26x128xi32, #tpu.memory_space<hbm>>
    %dma_start3A_337 = arith.constant 0 : i32
    %dma_start3A_338 = arith.constant 0 : i32
    %dma_start3A_339 = tpu.memref_slice %arg5[%dma_start3A_328, %dma_start3A_337, %dma_start3A_338] : memref<20x26x128xi32, #tpu.memory_space<vmem>> -> memref<1x26x128xi32, #tpu.memory_space<vmem>>
    %dma_start3A_340 = tpu.memref_squeeze %dma_start3A_339 : memref<1x26x128xi32, #tpu.memory_space<vmem>> -> memref<26x128xi32, #tpu.memory_space<vmem>>
    %dma_start3A_341 = arith.constant 0 : i32
    %dma_start3A_342 = arith.constant 0 : i32
    %dma_start3A_343 = tpu.memref_slice %arg2[%dma_start3A_327, %add3A, %dma_start3A_341, %dma_start3A_342] : memref<20x32x26x128xi32, #tpu.memory_space<hbm>> -> memref<1x1x26x128xi32, #tpu.memory_space<hbm>>
    %dma_start3A_344 = tpu.memref_squeeze %dma_start3A_343 : memref<1x1x26x128xi32, #tpu.memory_space<hbm>> -> memref<26x128xi32, #tpu.memory_space<hbm>>
    tpu.enqueue_dma source(%dma_start3A_344 : memref<26x128xi32, #tpu.memory_space<hbm>>) target(%dma_start3A_340 : memref<26x128xi32, #tpu.memory_space<vmem>>) target_semaphore(%arg8 : memref<!tpu.dma_semaphore, #tpu.memory_space<semaphore_mem>>)
    %dma_start3A_345 = arith.constant 19 : i32
    %dma_start3A_346 = arith.constant 19 : i32
    %dma_start3A_347 = arith.constant 0 : i32
    %dma_start3A_348 = arith.constant 0 : i32
    %dma_start3A_349 = tpu.memref_slice %arg5[%dma_start3A_346, %dma_start3A_347, %dma_start3A_348] : memref<20x26x128xi32, #tpu.memory_space<vmem>> -> memref<1x26x128xi32, #tpu.memory_space<vmem>>
    %dma_start3A_350 = tpu.memref_squeeze %dma_start3A_349 : memref<1x26x128xi32, #tpu.memory_space<vmem>> -> memref<26x128xi32, #tpu.memory_space<vmem>>
    %dma_start3A_351 = arith.constant 0 : i32
    %dma_start3A_352 = arith.constant 0 : i32
    %dma_start3A_353 = tpu.memref_slice %arg2[%dma_start3A_345, %add3A, %dma_start3A_351, %dma_start3A_352] : memref<20x32x26x128xi32, #tpu.memory_space<hbm>> -> memref<1x1x26x128xi32, #tpu.memory_space<hbm>>
    %dma_start3A_354 = tpu.memref_squeeze %dma_start3A_353 : memref<1x1x26x128xi32, #tpu.memory_space<hbm>> -> memref<26x128xi32, #tpu.memory_space<hbm>>
    %dma_start3A_355 = arith.constant 0 : i32
    %dma_start3A_356 = arith.constant 0 : i32
    %dma_start3A_357 = tpu.memref_slice %arg5[%dma_start3A_346, %dma_start3A_355, %dma_start3A_356] : memref<20x26x128xi32, #tpu.memory_space<vmem>> -> memref<1x26x128xi32, #tpu.memory_space<vmem>>
    %dma_start3A_358 = tpu.memref_squeeze %dma_start3A_357 : memref<1x26x128xi32, #tpu.memory_space<vmem>> -> memref<26x128xi32, #tpu.memory_space<vmem>>
    %dma_start3A_359 = arith.constant 0 : i32
    %dma_start3A_360 = arith.constant 0 : i32
    %dma_start3A_361 = tpu.memref_slice %arg2[%dma_start3A_345, %add3A, %dma_start3A_359, %dma_start3A_360] : memref<20x32x26x128xi32, #tpu.memory_space<hbm>> -> memref<1x1x26x128xi32, #tpu.memory_space<hbm>>
    %dma_start3A_362 = tpu.memref_squeeze %dma_start3A_361 : memref<1x1x26x128xi32, #tpu.memory_space<hbm>> -> memref<26x128xi32, #tpu.memory_space<hbm>>
    tpu.enqueue_dma source(%dma_start3A_362 : memref<26x128xi32, #tpu.memory_space<hbm>>) target(%dma_start3A_358 : memref<26x128xi32, #tpu.memory_space<vmem>>) target_semaphore(%arg8 : memref<!tpu.dma_semaphore, #tpu.memory_space<semaphore_mem>>)
    %scan3A = arith.constant 0 : i32
    %scan3A_363 = arith.constant 0 : i32
    %scan3A_364 = arith.constant 128 : i32
    %scan3A_365 = arith.addi %scan3A_363, %scan3A_364 : i32
    %scan3A_366 = arith.constant 4 : i32
    %scan3A_367 = scf.for %scan3A_771 = %scan3A_363 to %scan3A_365 step %scan3A_366 iter_args(%scan3A_772 = %scan3A) -> (i32)  : i32 {
      %swap3A = arith.constant 0 : i32
      %swap3A_773 = arith.index_cast %swap3A : i32 to index
      %swap3A_774 = arith.index_cast %scan3A_771 : i32 to index
      %swap3A_775 = arith.constant 0 : index
      %swap3A_776 = tpu.vector_load %arg6[%swap3A_773, %swap3A_774, %swap3A_775] {strides = array<i32>} : memref<2x128x64xf32, #tpu.memory_space<vmem>>, vector<1x1x16xf32>,
      %swap3A_777 = vector.shape_cast %swap3A_776 : vector<1x1x16xf32> to vector<16xf32>
      %swap3A_778 = vector.shape_cast %broadcast_in_dim3A_3 : vector<16xf32> to vector<1x1x16xf32>
      tpu.vector_store %arg6[%swap3A_773, %swap3A_774, %swap3A_775], %swap3A_778 {strides = array<i32>} : memref<2x128x64xf32, #tpu.memory_space<vmem>>, vector<1x1x16xf32>,
      %swap3A_779 = arith.constant 0 : i32
      %swap3A_780 = arith.index_cast %swap3A_779 : i32 to index
      %swap3A_781 = arith.index_cast %scan3A_771 : i32 to index
      %swap3A_782 = arith.constant 16 : index
      %swap3A_783 = tpu.vector_load %arg6[%swap3A_780, %swap3A_781, %swap3A_782] {strides = array<i32>} : memref<2x128x64xf32, #tpu.memory_space<vmem>>, vector<1x1x16xf32>,
      %swap3A_784 = vector.shape_cast %swap3A_783 : vector<1x1x16xf32> to vector<16xf32>
      %swap3A_785 = vector.shape_cast %broadcast_in_dim3A_3 : vector<16xf32> to vector<1x1x16xf32>
      tpu.vector_store %arg6[%swap3A_780, %swap3A_781, %swap3A_782], %swap3A_785 {strides = array<i32>} : memref<2x128x64xf32, #tpu.memory_space<vmem>>, vector<1x1x16xf32>,
      %swap3A_786 = arith.constant 0 : i32
      %swap3A_787 = arith.index_cast %swap3A_786 : i32 to index
      %swap3A_788 = arith.index_cast %scan3A_771 : i32 to index
      %swap3A_789 = arith.constant 32 : index
      %swap3A_790 = tpu.vector_load %arg6[%swap3A_787, %swap3A_788, %swap3A_789] {strides = array<i32>} : memref<2x128x64xf32, #tpu.memory_space<vmem>>, vector<1x1x16xf32>,
      %swap3A_791 = vector.shape_cast %swap3A_790 : vector<1x1x16xf32> to vector<16xf32>
      %swap3A_792 = vector.shape_cast %broadcast_in_dim3A_3 : vector<16xf32> to vector<1x1x16xf32>
      tpu.vector_store %arg6[%swap3A_787, %swap3A_788, %swap3A_789], %swap3A_792 {strides = array<i32>} : memref<2x128x64xf32, #tpu.memory_space<vmem>>, vector<1x1x16xf32>,
      %swap3A_793 = arith.constant 0 : i32
      %swap3A_794 = arith.index_cast %swap3A_793 : i32 to index
      %swap3A_795 = arith.index_cast %scan3A_771 : i32 to index
      %swap3A_796 = arith.constant 48 : index
      %swap3A_797 = tpu.vector_load %arg6[%swap3A_794, %swap3A_795, %swap3A_796] {strides = array<i32>} : memref<2x128x64xf32, #tpu.memory_space<vmem>>, vector<1x1x16xf32>,
      %swap3A_798 = vector.shape_cast %swap3A_797 : vector<1x1x16xf32> to vector<16xf32>
      %swap3A_799 = vector.shape_cast %broadcast_in_dim3A_3 : vector<16xf32> to vector<1x1x16xf32>
      tpu.vector_store %arg6[%swap3A_794, %swap3A_795, %swap3A_796], %swap3A_799 {strides = array<i32>} : memref<2x128x64xf32, #tpu.memory_space<vmem>>, vector<1x1x16xf32>,
      %swap3A_800 = arith.constant 1 : i32
      %swap3A_801 = arith.index_cast %swap3A_800 : i32 to index
      %swap3A_802 = arith.index_cast %scan3A_771 : i32 to index
      %swap3A_803 = arith.constant 0 : index
      %swap3A_804 = tpu.vector_load %arg6[%swap3A_801, %swap3A_802, %swap3A_803] {strides = array<i32>} : memref<2x128x64xf32, #tpu.memory_space<vmem>>, vector<1x1x16xf32>,
      %swap3A_805 = vector.shape_cast %swap3A_804 : vector<1x1x16xf32> to vector<16xf32>
      %swap3A_806 = vector.shape_cast %broadcast_in_dim3A_3 : vector<16xf32> to vector<1x1x16xf32>
      tpu.vector_store %arg6[%swap3A_801, %swap3A_802, %swap3A_803], %swap3A_806 {strides = array<i32>} : memref<2x128x64xf32, #tpu.memory_space<vmem>>, vector<1x1x16xf32>,
      %swap3A_807 = arith.constant 1 : i32
      %swap3A_808 = arith.index_cast %swap3A_807 : i32 to index
      %swap3A_809 = arith.index_cast %scan3A_771 : i32 to index
      %swap3A_810 = arith.constant 16 : index
      %swap3A_811 = tpu.vector_load %arg6[%swap3A_808, %swap3A_809, %swap3A_810] {strides = array<i32>} : memref<2x128x64xf32, #tpu.memory_space<vmem>>, vector<1x1x16xf32>,
      %swap3A_812 = vector.shape_cast %swap3A_811 : vector<1x1x16xf32> to vector<16xf32>
      %swap3A_813 = vector.shape_cast %broadcast_in_dim3A_3 : vector<16xf32> to vector<1x1x16xf32>
      tpu.vector_store %arg6[%swap3A_808, %swap3A_809, %swap3A_810], %swap3A_813 {strides = array<i32>} : memref<2x128x64xf32, #tpu.memory_space<vmem>>, vector<1x1x16xf32>,
      %swap3A_814 = arith.constant 1 : i32
      %swap3A_815 = arith.index_cast %swap3A_814 : i32 to index
      %swap3A_816 = arith.index_cast %scan3A_771 : i32 to index
      %swap3A_817 = arith.constant 32 : index
      %swap3A_818 = tpu.vector_load %arg6[%swap3A_815, %swap3A_816, %swap3A_817] {strides = array<i32>} : memref<2x128x64xf32, #tpu.memory_space<vmem>>, vector<1x1x16xf32>,
      %swap3A_819 = vector.shape_cast %swap3A_818 : vector<1x1x16xf32> to vector<16xf32>
      %swap3A_820 = vector.shape_cast %broadcast_in_dim3A_3 : vector<16xf32> to vector<1x1x16xf32>
      tpu.vector_store %arg6[%swap3A_815, %swap3A_816, %swap3A_817], %swap3A_820 {strides = array<i32>} : memref<2x128x64xf32, #tpu.memory_space<vmem>>, vector<1x1x16xf32>,
      %swap3A_821 = arith.constant 1 : i32
      %swap3A_822 = arith.index_cast %swap3A_821 : i32 to index
      %swap3A_823 = arith.index_cast %scan3A_771 : i32 to index
      %swap3A_824 = arith.constant 48 : index
      %swap3A_825 = tpu.vector_load %arg6[%swap3A_822, %swap3A_823, %swap3A_824] {strides = array<i32>} : memref<2x128x64xf32, #tpu.memory_space<vmem>>, vector<1x1x16xf32>,
      %swap3A_826 = vector.shape_cast %swap3A_825 : vector<1x1x16xf32> to vector<16xf32>
      %swap3A_827 = vector.shape_cast %broadcast_in_dim3A_3 : vector<16xf32> to vector<1x1x16xf32>
      tpu.vector_store %arg6[%swap3A_822, %swap3A_823, %swap3A_824], %swap3A_827 {strides = array<i32>} : memref<2x128x64xf32, #tpu.memory_space<vmem>>, vector<1x1x16xf32>,
      %scan3A_828 = arith.constant 0 : i32
      %scan3A_829 = arith.constant 1 : i32
      %scan3A_830 = arith.addi %scan3A_771, %scan3A_829 : i32
      %swap3A_831 = arith.constant 0 : i32
      %swap3A_832 = arith.index_cast %swap3A_831 : i32 to index
      %swap3A_833 = arith.index_cast %scan3A_830 : i32 to index
      %swap3A_834 = arith.constant 0 : index
      %swap3A_835 = tpu.vector_load %arg6[%swap3A_832, %swap3A_833, %swap3A_834] {strides = array<i32>} : memref<2x128x64xf32, #tpu.memory_space<vmem>>, vector<1x1x16xf32>,
      %swap3A_836 = vector.shape_cast %swap3A_835 : vector<1x1x16xf32> to vector<16xf32>
      %swap3A_837 = vector.shape_cast %broadcast_in_dim3A_3 : vector<16xf32> to vector<1x1x16xf32>
      tpu.vector_store %arg6[%swap3A_832, %swap3A_833, %swap3A_834], %swap3A_837 {strides = array<i32>} : memref<2x128x64xf32, #tpu.memory_space<vmem>>, vector<1x1x16xf32>,
      %swap3A_838 = arith.constant 0 : i32
      %swap3A_839 = arith.index_cast %swap3A_838 : i32 to index
      %swap3A_840 = arith.index_cast %scan3A_830 : i32 to index
      %swap3A_841 = arith.constant 16 : index
      %swap3A_842 = tpu.vector_load %arg6[%swap3A_839, %swap3A_840, %swap3A_841] {strides = array<i32>} : memref<2x128x64xf32, #tpu.memory_space<vmem>>, vector<1x1x16xf32>,
      %swap3A_843 = vector.shape_cast %swap3A_842 : vector<1x1x16xf32> to vector<16xf32>
      %swap3A_844 = vector.shape_cast %broadcast_in_dim3A_3 : vector<16xf32> to vector<1x1x16xf32>
      tpu.vector_store %arg6[%swap3A_839, %swap3A_840, %swap3A_841], %swap3A_844 {strides = array<i32>} : memref<2x128x64xf32, #tpu.memory_space<vmem>>, vector<1x1x16xf32>,
      %swap3A_845 = arith.constant 0 : i32
      %swap3A_846 = arith.index_cast %swap3A_845 : i32 to index
      %swap3A_847 = arith.index_cast %scan3A_830 : i32 to index
      %swap3A_848 = arith.constant 32 : index
      %swap3A_849 = tpu.vector_load %arg6[%swap3A_846, %swap3A_847, %swap3A_848] {strides = array<i32>} : memref<2x128x64xf32, #tpu.memory_space<vmem>>, vector<1x1x16xf32>,
      %swap3A_850 = vector.shape_cast %swap3A_849 : vector<1x1x16xf32> to vector<16xf32>
      %swap3A_851 = vector.shape_cast %broadcast_in_dim3A_3 : vector<16xf32> to vector<1x1x16xf32>
      tpu.vector_store %arg6[%swap3A_846, %swap3A_847, %swap3A_848], %swap3A_851 {strides = array<i32>} : memref<2x128x64xf32, #tpu.memory_space<vmem>>, vector<1x1x16xf32>,
      %swap3A_852 = arith.constant 0 : i32
      %swap3A_853 = arith.index_cast %swap3A_852 : i32 to index
      %swap3A_854 = arith.index_cast %scan3A_830 : i32 to index
      %swap3A_855 = arith.constant 48 : index
      %swap3A_856 = tpu.vector_load %arg6[%swap3A_853, %swap3A_854, %swap3A_855] {strides = array<i32>} : memref<2x128x64xf32, #tpu.memory_space<vmem>>, vector<1x1x16xf32>,
      %swap3A_857 = vector.shape_cast %swap3A_856 : vector<1x1x16xf32> to vector<16xf32>
      %swap3A_858 = vector.shape_cast %broadcast_in_dim3A_3 : vector<16xf32> to vector<1x1x16xf32>
      tpu.vector_store %arg6[%swap3A_853, %swap3A_854, %swap3A_855], %swap3A_858 {strides = array<i32>} : memref<2x128x64xf32, #tpu.memory_space<vmem>>, vector<1x1x16xf32>,
      %swap3A_859 = arith.constant 1 : i32
      %swap3A_860 = arith.index_cast %swap3A_859 : i32 to index
      %swap3A_861 = arith.index_cast %scan3A_830 : i32 to index
      %swap3A_862 = arith.constant 0 : index
      %swap3A_863 = tpu.vector_load %arg6[%swap3A_860, %swap3A_861, %swap3A_862] {strides = array<i32>} : memref<2x128x64xf32, #tpu.memory_space<vmem>>, vector<1x1x16xf32>,
      %swap3A_864 = vector.shape_cast %swap3A_863 : vector<1x1x16xf32> to vector<16xf32>
      %swap3A_865 = vector.shape_cast %broadcast_in_dim3A_3 : vector<16xf32> to vector<1x1x16xf32>
      tpu.vector_store %arg6[%swap3A_860, %swap3A_861, %swap3A_862], %swap3A_865 {strides = array<i32>} : memref<2x128x64xf32, #tpu.memory_space<vmem>>, vector<1x1x16xf32>,
      %swap3A_866 = arith.constant 1 : i32
      %swap3A_867 = arith.index_cast %swap3A_866 : i32 to index
      %swap3A_868 = arith.index_cast %scan3A_830 : i32 to index
      %swap3A_869 = arith.constant 16 : index
      %swap3A_870 = tpu.vector_load %arg6[%swap3A_867, %swap3A_868, %swap3A_869] {strides = array<i32>} : memref<2x128x64xf32, #tpu.memory_space<vmem>>, vector<1x1x16xf32>,
      %swap3A_871 = vector.shape_cast %swap3A_870 : vector<1x1x16xf32> to vector<16xf32>
      %swap3A_872 = vector.shape_cast %broadcast_in_dim3A_3 : vector<16xf32> to vector<1x1x16xf32>
      tpu.vector_store %arg6[%swap3A_867, %swap3A_868, %swap3A_869], %swap3A_872 {strides = array<i32>} : memref<2x128x64xf32, #tpu.memory_space<vmem>>, vector<1x1x16xf32>,
      %swap3A_873 = arith.constant 1 : i32
      %swap3A_874 = arith.index_cast %swap3A_873 : i32 to index
      %swap3A_875 = arith.index_cast %scan3A_830 : i32 to index
      %swap3A_876 = arith.constant 32 : index
      %swap3A_877 = tpu.vector_load %arg6[%swap3A_874, %swap3A_875, %swap3A_876] {strides = array<i32>} : memref<2x128x64xf32, #tpu.memory_space<vmem>>, vector<1x1x16xf32>,
      %swap3A_878 = vector.shape_cast %swap3A_877 : vector<1x1x16xf32> to vector<16xf32>
      %swap3A_879 = vector.shape_cast %broadcast_in_dim3A_3 : vector<16xf32> to vector<1x1x16xf32>
      tpu.vector_store %arg6[%swap3A_874, %swap3A_875, %swap3A_876], %swap3A_879 {strides = array<i32>} : memref<2x128x64xf32, #tpu.memory_space<vmem>>, vector<1x1x16xf32>,
      %swap3A_880 = arith.constant 1 : i32
      %swap3A_881 = arith.index_cast %swap3A_880 : i32 to index
      %swap3A_882 = arith.index_cast %scan3A_830 : i32 to index
      %swap3A_883 = arith.constant 48 : index
      %swap3A_884 = tpu.vector_load %arg6[%swap3A_881, %swap3A_882, %swap3A_883] {strides = array<i32>} : memref<2x128x64xf32, #tpu.memory_space<vmem>>, vector<1x1x16xf32>,
      %swap3A_885 = vector.shape_cast %swap3A_884 : vector<1x1x16xf32> to vector<16xf32>
      %swap3A_886 = vector.shape_cast %broadcast_in_dim3A_3 : vector<16xf32> to vector<1x1x16xf32>
      tpu.vector_store %arg6[%swap3A_881, %swap3A_882, %swap3A_883], %swap3A_886 {strides = array<i32>} : memref<2x128x64xf32, #tpu.memory_space<vmem>>, vector<1x1x16xf32>,
      %scan3A_887 = arith.constant 0 : i32
      %scan3A_888 = arith.constant 2 : i32
      %scan3A_889 = arith.addi %scan3A_771, %scan3A_888 : i32
      %swap3A_890 = arith.constant 0 : i32
      %swap3A_891 = arith.index_cast %swap3A_890 : i32 to index
      %swap3A_892 = arith.index_cast %scan3A_889 : i32 to index
      %swap3A_893 = arith.constant 0 : index
      %swap3A_894 = tpu.vector_load %arg6[%swap3A_891, %swap3A_892, %swap3A_893] {strides = array<i32>} : memref<2x128x64xf32, #tpu.memory_space<vmem>>, vector<1x1x16xf32>,
      %swap3A_895 = vector.shape_cast %swap3A_894 : vector<1x1x16xf32> to vector<16xf32>
      %swap3A_896 = vector.shape_cast %broadcast_in_dim3A_3 : vector<16xf32> to vector<1x1x16xf32>
      tpu.vector_store %arg6[%swap3A_891, %swap3A_892, %swap3A_893], %swap3A_896 {strides = array<i32>} : memref<2x128x64xf32, #tpu.memory_space<vmem>>, vector<1x1x16xf32>,
      %swap3A_897 = arith.constant 0 : i32
      %swap3A_898 = arith.index_cast %swap3A_897 : i32 to index
      %swap3A_899 = arith.index_cast %scan3A_889 : i32 to index
      %swap3A_900 = arith.constant 16 : index
      %swap3A_901 = tpu.vector_load %arg6[%swap3A_898, %swap3A_899, %swap3A_900] {strides = array<i32>} : memref<2x128x64xf32, #tpu.memory_space<vmem>>, vector<1x1x16xf32>,
      %swap3A_902 = vector.shape_cast %swap3A_901 : vector<1x1x16xf32> to vector<16xf32>
      %swap3A_903 = vector.shape_cast %broadcast_in_dim3A_3 : vector<16xf32> to vector<1x1x16xf32>
      tpu.vector_store %arg6[%swap3A_898, %swap3A_899, %swap3A_900], %swap3A_903 {strides = array<i32>} : memref<2x128x64xf32, #tpu.memory_space<vmem>>, vector<1x1x16xf32>,
      %swap3A_904 = arith.constant 0 : i32
      %swap3A_905 = arith.index_cast %swap3A_904 : i32 to index
      %swap3A_906 = arith.index_cast %scan3A_889 : i32 to index
      %swap3A_907 = arith.constant 32 : index
      %swap3A_908 = tpu.vector_load %arg6[%swap3A_905, %swap3A_906, %swap3A_907] {strides = array<i32>} : memref<2x128x64xf32, #tpu.memory_space<vmem>>, vector<1x1x16xf32>,
      %swap3A_909 = vector.shape_cast %swap3A_908 : vector<1x1x16xf32> to vector<16xf32>
      %swap3A_910 = vector.shape_cast %broadcast_in_dim3A_3 : vector<16xf32> to vector<1x1x16xf32>
      tpu.vector_store %arg6[%swap3A_905, %swap3A_906, %swap3A_907], %swap3A_910 {strides = array<i32>} : memref<2x128x64xf32, #tpu.memory_space<vmem>>, vector<1x1x16xf32>,
      %swap3A_911 = arith.constant 0 : i32
      %swap3A_912 = arith.index_cast %swap3A_911 : i32 to index
      %swap3A_913 = arith.index_cast %scan3A_889 : i32 to index
      %swap3A_914 = arith.constant 48 : index
      %swap3A_915 = tpu.vector_load %arg6[%swap3A_912, %swap3A_913, %swap3A_914] {strides = array<i32>} : memref<2x128x64xf32, #tpu.memory_space<vmem>>, vector<1x1x16xf32>,
      %swap3A_916 = vector.shape_cast %swap3A_915 : vector<1x1x16xf32> to vector<16xf32>
      %swap3A_917 = vector.shape_cast %broadcast_in_dim3A_3 : vector<16xf32> to vector<1x1x16xf32>
      tpu.vector_store %arg6[%swap3A_912, %swap3A_913, %swap3A_914], %swap3A_917 {strides = array<i32>} : memref<2x128x64xf32, #tpu.memory_space<vmem>>, vector<1x1x16xf32>,
      %swap3A_918 = arith.constant 1 : i32
      %swap3A_919 = arith.index_cast %swap3A_918 : i32 to index
      %swap3A_920 = arith.index_cast %scan3A_889 : i32 to index
      %swap3A_921 = arith.constant 0 : index
      %swap3A_922 = tpu.vector_load %arg6[%swap3A_919, %swap3A_920, %swap3A_921] {strides = array<i32>} : memref<2x128x64xf32, #tpu.memory_space<vmem>>, vector<1x1x16xf32>,
      %swap3A_923 = vector.shape_cast %swap3A_922 : vector<1x1x16xf32> to vector<16xf32>
      %swap3A_924 = vector.shape_cast %broadcast_in_dim3A_3 : vector<16xf32> to vector<1x1x16xf32>
      tpu.vector_store %arg6[%swap3A_919, %swap3A_920, %swap3A_921], %swap3A_924 {strides = array<i32>} : memref<2x128x64xf32, #tpu.memory_space<vmem>>, vector<1x1x16xf32>,
      %swap3A_925 = arith.constant 1 : i32
      %swap3A_926 = arith.index_cast %swap3A_925 : i32 to index
      %swap3A_927 = arith.index_cast %scan3A_889 : i32 to index
      %swap3A_928 = arith.constant 16 : index
      %swap3A_929 = tpu.vector_load %arg6[%swap3A_926, %swap3A_927, %swap3A_928] {strides = array<i32>} : memref<2x128x64xf32, #tpu.memory_space<vmem>>, vector<1x1x16xf32>,
      %swap3A_930 = vector.shape_cast %swap3A_929 : vector<1x1x16xf32> to vector<16xf32>
      %swap3A_931 = vector.shape_cast %broadcast_in_dim3A_3 : vector<16xf32> to vector<1x1x16xf32>
      tpu.vector_store %arg6[%swap3A_926, %swap3A_927, %swap3A_928], %swap3A_931 {strides = array<i32>} : memref<2x128x64xf32, #tpu.memory_space<vmem>>, vector<1x1x16xf32>,
      %swap3A_932 = arith.constant 1 : i32
      %swap3A_933 = arith.index_cast %swap3A_932 : i32 to index
      %swap3A_934 = arith.index_cast %scan3A_889 : i32 to index
      %swap3A_935 = arith.constant 32 : index
      %swap3A_936 = tpu.vector_load %arg6[%swap3A_933, %swap3A_934, %swap3A_935] {strides = array<i32>} : memref<2x128x64xf32, #tpu.memory_space<vmem>>, vector<1x1x16xf32>,
      %swap3A_937 = vector.shape_cast %swap3A_936 : vector<1x1x16xf32> to vector<16xf32>
      %swap3A_938 = vector.shape_cast %broadcast_in_dim3A_3 : vector<16xf32> to vector<1x1x16xf32>
      tpu.vector_store %arg6[%swap3A_933, %swap3A_934, %swap3A_935], %swap3A_938 {strides = array<i32>} : memref<2x128x64xf32, #tpu.memory_space<vmem>>, vector<1x1x16xf32>,
      %swap3A_939 = arith.constant 1 : i32
      %swap3A_940 = arith.index_cast %swap3A_939 : i32 to index
      %swap3A_941 = arith.index_cast %scan3A_889 : i32 to index
      %swap3A_942 = arith.constant 48 : index
      %swap3A_943 = tpu.vector_load %arg6[%swap3A_940, %swap3A_941, %swap3A_942] {strides = array<i32>} : memref<2x128x64xf32, #tpu.memory_space<vmem>>, vector<1x1x16xf32>,
      %swap3A_944 = vector.shape_cast %swap3A_943 : vector<1x1x16xf32> to vector<16xf32>
      %swap3A_945 = vector.shape_cast %broadcast_in_dim3A_3 : vector<16xf32> to vector<1x1x16xf32>
      tpu.vector_store %arg6[%swap3A_940, %swap3A_941, %swap3A_942], %swap3A_945 {strides = array<i32>} : memref<2x128x64xf32, #tpu.memory_space<vmem>>, vector<1x1x16xf32>,
      %scan3A_946 = arith.constant 0 : i32
      %scan3A_947 = arith.constant 3 : i32
      %scan3A_948 = arith.addi %scan3A_771, %scan3A_947 : i32
      %swap3A_949 = arith.constant 0 : i32
      %swap3A_950 = arith.index_cast %swap3A_949 : i32 to index
      %swap3A_951 = arith.index_cast %scan3A_948 : i32 to index
      %swap3A_952 = arith.constant 0 : index
      %swap3A_953 = tpu.vector_load %arg6[%swap3A_950, %swap3A_951, %swap3A_952] {strides = array<i32>} : memref<2x128x64xf32, #tpu.memory_space<vmem>>, vector<1x1x16xf32>,
      %swap3A_954 = vector.shape_cast %swap3A_953 : vector<1x1x16xf32> to vector<16xf32>
      %swap3A_955 = vector.shape_cast %broadcast_in_dim3A_3 : vector<16xf32> to vector<1x1x16xf32>
      tpu.vector_store %arg6[%swap3A_950, %swap3A_951, %swap3A_952], %swap3A_955 {strides = array<i32>} : memref<2x128x64xf32, #tpu.memory_space<vmem>>, vector<1x1x16xf32>,
      %swap3A_956 = arith.constant 0 : i32
      %swap3A_957 = arith.index_cast %swap3A_956 : i32 to index
      %swap3A_958 = arith.index_cast %scan3A_948 : i32 to index
      %swap3A_959 = arith.constant 16 : index
      %swap3A_960 = tpu.vector_load %arg6[%swap3A_957, %swap3A_958, %swap3A_959] {strides = array<i32>} : memref<2x128x64xf32, #tpu.memory_space<vmem>>, vector<1x1x16xf32>,
      %swap3A_961 = vector.shape_cast %swap3A_960 : vector<1x1x16xf32> to vector<16xf32>
      %swap3A_962 = vector.shape_cast %broadcast_in_dim3A_3 : vector<16xf32> to vector<1x1x16xf32>
      tpu.vector_store %arg6[%swap3A_957, %swap3A_958, %swap3A_959], %swap3A_962 {strides = array<i32>} : memref<2x128x64xf32, #tpu.memory_space<vmem>>, vector<1x1x16xf32>,
      %swap3A_963 = arith.constant 0 : i32
      %swap3A_964 = arith.index_cast %swap3A_963 : i32 to index
      %swap3A_965 = arith.index_cast %scan3A_948 : i32 to index
      %swap3A_966 = arith.constant 32 : index
      %swap3A_967 = tpu.vector_load %arg6[%swap3A_964, %swap3A_965, %swap3A_966] {strides = array<i32>} : memref<2x128x64xf32, #tpu.memory_space<vmem>>, vector<1x1x16xf32>,
      %swap3A_968 = vector.shape_cast %swap3A_967 : vector<1x1x16xf32> to vector<16xf32>
      %swap3A_969 = vector.shape_cast %broadcast_in_dim3A_3 : vector<16xf32> to vector<1x1x16xf32>
      tpu.vector_store %arg6[%swap3A_964, %swap3A_965, %swap3A_966], %swap3A_969 {strides = array<i32>} : memref<2x128x64xf32, #tpu.memory_space<vmem>>, vector<1x1x16xf32>,
      %swap3A_970 = arith.constant 0 : i32
      %swap3A_971 = arith.index_cast %swap3A_970 : i32 to index
      %swap3A_972 = arith.index_cast %scan3A_948 : i32 to index
      %swap3A_973 = arith.constant 48 : index
      %swap3A_974 = tpu.vector_load %arg6[%swap3A_971, %swap3A_972, %swap3A_973] {strides = array<i32>} : memref<2x128x64xf32, #tpu.memory_space<vmem>>, vector<1x1x16xf32>,
      %swap3A_975 = vector.shape_cast %swap3A_974 : vector<1x1x16xf32> to vector<16xf32>
      %swap3A_976 = vector.shape_cast %broadcast_in_dim3A_3 : vector<16xf32> to vector<1x1x16xf32>
      tpu.vector_store %arg6[%swap3A_971, %swap3A_972, %swap3A_973], %swap3A_976 {strides = array<i32>} : memref<2x128x64xf32, #tpu.memory_space<vmem>>, vector<1x1x16xf32>,
      %swap3A_977 = arith.constant 1 : i32
      %swap3A_978 = arith.index_cast %swap3A_977 : i32 to index
      %swap3A_979 = arith.index_cast %scan3A_948 : i32 to index
      %swap3A_980 = arith.constant 0 : index
      %swap3A_981 = tpu.vector_load %arg6[%swap3A_978, %swap3A_979, %swap3A_980] {strides = array<i32>} : memref<2x128x64xf32, #tpu.memory_space<vmem>>, vector<1x1x16xf32>,
      %swap3A_982 = vector.shape_cast %swap3A_981 : vector<1x1x16xf32> to vector<16xf32>
      %swap3A_983 = vector.shape_cast %broadcast_in_dim3A_3 : vector<16xf32> to vector<1x1x16xf32>
      tpu.vector_store %arg6[%swap3A_978, %swap3A_979, %swap3A_980], %swap3A_983 {strides = array<i32>} : memref<2x128x64xf32, #tpu.memory_space<vmem>>, vector<1x1x16xf32>,
      %swap3A_984 = arith.constant 1 : i32
      %swap3A_985 = arith.index_cast %swap3A_984 : i32 to index
      %swap3A_986 = arith.index_cast %scan3A_948 : i32 to index
      %swap3A_987 = arith.constant 16 : index
      %swap3A_988 = tpu.vector_load %arg6[%swap3A_985, %swap3A_986, %swap3A_987] {strides = array<i32>} : memref<2x128x64xf32, #tpu.memory_space<vmem>>, vector<1x1x16xf32>,
      %swap3A_989 = vector.shape_cast %swap3A_988 : vector<1x1x16xf32> to vector<16xf32>
      %swap3A_990 = vector.shape_cast %broadcast_in_dim3A_3 : vector<16xf32> to vector<1x1x16xf32>
      tpu.vector_store %arg6[%swap3A_985, %swap3A_986, %swap3A_987], %swap3A_990 {strides = array<i32>} : memref<2x128x64xf32, #tpu.memory_space<vmem>>, vector<1x1x16xf32>,
      %swap3A_991 = arith.constant 1 : i32
      %swap3A_992 = arith.index_cast %swap3A_991 : i32 to index
      %swap3A_993 = arith.index_cast %scan3A_948 : i32 to index
      %swap3A_994 = arith.constant 32 : index
      %swap3A_995 = tpu.vector_load %arg6[%swap3A_992, %swap3A_993, %swap3A_994] {strides = array<i32>} : memref<2x128x64xf32, #tpu.memory_space<vmem>>, vector<1x1x16xf32>,
      %swap3A_996 = vector.shape_cast %swap3A_995 : vector<1x1x16xf32> to vector<16xf32>
      %swap3A_997 = vector.shape_cast %broadcast_in_dim3A_3 : vector<16xf32> to vector<1x1x16xf32>
      tpu.vector_store %arg6[%swap3A_992, %swap3A_993, %swap3A_994], %swap3A_997 {strides = array<i32>} : memref<2x128x64xf32, #tpu.memory_space<vmem>>, vector<1x1x16xf32>,
      %swap3A_998 = arith.constant 1 : i32
      %swap3A_999 = arith.index_cast %swap3A_998 : i32 to index
      %swap3A_1000 = arith.index_cast %scan3A_948 : i32 to index
      %swap3A_1001 = arith.constant 48 : index
      %swap3A_1002 = tpu.vector_load %arg6[%swap3A_999, %swap3A_1000, %swap3A_1001] {strides = array<i32>} : memref<2x128x64xf32, #tpu.memory_space<vmem>>, vector<1x1x16xf32>,
      %swap3A_1003 = vector.shape_cast %swap3A_1002 : vector<1x1x16xf32> to vector<16xf32>
      %swap3A_1004 = vector.shape_cast %broadcast_in_dim3A_3 : vector<16xf32> to vector<1x1x16xf32>
      tpu.vector_store %arg6[%swap3A_999, %swap3A_1000, %swap3A_1001], %swap3A_1004 {strides = array<i32>} : memref<2x128x64xf32, #tpu.memory_space<vmem>>, vector<1x1x16xf32>,
      %scan3A_1005 = arith.constant 0 : i32
      scf.yield %scan3A_1005 : i32
    }
    %scan3A_368 = arith.constant 128 : i32
    %dma_wait3A = arith.constant 0 : i32
    %dma_wait3A_369 = arith.constant 0 : i32
    %dma_wait3A_370 = arith.constant 0 : i32
    %dma_wait3A_371 = arith.constant 0 : i32
    %dma_wait3A_372 = tpu.memref_slice %arg5[%dma_wait3A_369, %dma_wait3A_370, %dma_wait3A_371] : memref<20x26x128xi32, #tpu.memory_space<vmem>> -> memref<1x26x128xi32, #tpu.memory_space<vmem>>
    %dma_wait3A_373 = tpu.memref_squeeze %dma_wait3A_372 : memref<1x26x128xi32, #tpu.memory_space<vmem>> -> memref<26x128xi32, #tpu.memory_space<vmem>>
    %dma_wait3A_374 = arith.constant 0 : i32
    %dma_wait3A_375 = arith.constant 0 : i32
    %dma_wait3A_376 = tpu.memref_slice %arg2[%dma_wait3A, %add3A, %dma_wait3A_374, %dma_wait3A_375] : memref<20x32x26x128xi32, #tpu.memory_space<hbm>> -> memref<1x1x26x128xi32, #tpu.memory_space<hbm>>
    %dma_wait3A_377 = tpu.memref_squeeze %dma_wait3A_376 : memref<1x1x26x128xi32, #tpu.memory_space<hbm>> -> memref<26x128xi32, #tpu.memory_space<hbm>>
    %dma_wait3A_378 = arith.constant 0 : i32
    %dma_wait3A_379 = arith.constant 0 : i32
    %dma_wait3A_380 = tpu.memref_slice %arg5[%dma_wait3A_369, %dma_wait3A_378, %dma_wait3A_379] : memref<20x26x128xi32, #tpu.memory_space<vmem>> -> memref<1x26x128xi32, #tpu.memory_space<vmem>>
    %dma_wait3A_381 = tpu.memref_squeeze %dma_wait3A_380 : memref<1x26x128xi32, #tpu.memory_space<vmem>> -> memref<26x128xi32, #tpu.memory_space<vmem>>
    %dma_wait3A_382 = arith.constant 0 : i32
    %dma_wait3A_383 = arith.constant 0 : i32
    %dma_wait3A_384 = tpu.memref_slice %arg2[%dma_wait3A, %add3A, %dma_wait3A_382, %dma_wait3A_383] : memref<20x32x26x128xi32, #tpu.memory_space<hbm>> -> memref<1x1x26x128xi32, #tpu.memory_space<hbm>>
    %dma_wait3A_385 = tpu.memref_squeeze %dma_wait3A_384 : memref<1x1x26x128xi32, #tpu.memory_space<hbm>> -> memref<26x128xi32, #tpu.memory_space<hbm>>
    tpu.wait_dma2 semaphore(%arg8 : memref<!tpu.dma_semaphore, #tpu.memory_space<semaphore_mem>>) src(%dma_wait3A_385 : memref<26x128xi32, #tpu.memory_space<hbm>>) dst(%dma_wait3A_381 : memref<26x128xi32, #tpu.memory_space<vmem>>)
    %dma_wait3A_386 = arith.constant 1 : i32
    %dma_wait3A_387 = arith.constant 1 : i32
    %dma_wait3A_388 = arith.constant 0 : i32
    %dma_wait3A_389 = arith.constant 0 : i32
    %dma_wait3A_390 = tpu.memref_slice %arg5[%dma_wait3A_387, %dma_wait3A_388, %dma_wait3A_389] : memref<20x26x128xi32, #tpu.memory_space<vmem>> -> memref<1x26x128xi32, #tpu.memory_space<vmem>>
    %dma_wait3A_391 = tpu.memref_squeeze %dma_wait3A_390 : memref<1x26x128xi32, #tpu.memory_space<vmem>> -> memref<26x128xi32, #tpu.memory_space<vmem>>
    %dma_wait3A_392 = arith.constant 0 : i32
    %dma_wait3A_393 = arith.constant 0 : i32
    %dma_wait3A_394 = tpu.memref_slice %arg2[%dma_wait3A_386, %add3A, %dma_wait3A_392, %dma_wait3A_393] : memref<20x32x26x128xi32, #tpu.memory_space<hbm>> -> memref<1x1x26x128xi32, #tpu.memory_space<hbm>>
    %dma_wait3A_395 = tpu.memref_squeeze %dma_wait3A_394 : memref<1x1x26x128xi32, #tpu.memory_space<hbm>> -> memref<26x128xi32, #tpu.memory_space<hbm>>
    %dma_wait3A_396 = arith.constant 0 : i32
    %dma_wait3A_397 = arith.constant 0 : i32
    %dma_wait3A_398 = tpu.memref_slice %arg5[%dma_wait3A_387, %dma_wait3A_396, %dma_wait3A_397] : memref<20x26x128xi32, #tpu.memory_space<vmem>> -> memref<1x26x128xi32, #tpu.memory_space<vmem>>
    %dma_wait3A_399 = tpu.memref_squeeze %dma_wait3A_398 : memref<1x26x128xi32, #tpu.memory_space<vmem>> -> memref<26x128xi32, #tpu.memory_space<vmem>>
    %dma_wait3A_400 = arith.constant 0 : i32
    %dma_wait3A_401 = arith.constant 0 : i32
    %dma_wait3A_402 = tpu.memref_slice %arg2[%dma_wait3A_386, %add3A, %dma_wait3A_400, %dma_wait3A_401] : memref<20x32x26x128xi32, #tpu.memory_space<hbm>> -> memref<1x1x26x128xi32, #tpu.memory_space<hbm>>
    %dma_wait3A_403 = tpu.memref_squeeze %dma_wait3A_402 : memref<1x1x26x128xi32, #tpu.memory_space<hbm>> -> memref<26x128xi32, #tpu.memory_space<hbm>>
    tpu.wait_dma2 semaphore(%arg8 : memref<!tpu.dma_semaphore, #tpu.memory_space<semaphore_mem>>) src(%dma_wait3A_403 : memref<26x128xi32, #tpu.memory_space<hbm>>) dst(%dma_wait3A_399 : memref<26x128xi32, #tpu.memory_space<vmem>>)
    %dma_wait3A_404 = arith.constant 2 : i32
    %dma_wait3A_405 = arith.constant 2 : i32
    %dma_wait3A_406 = arith.constant 0 : i32
    %dma_wait3A_407 = arith.constant 0 : i32
    %dma_wait3A_408 = tpu.memref_slice %arg5[%dma_wait3A_405, %dma_wait3A_406, %dma_wait3A_407] : memref<20x26x128xi32, #tpu.memory_space<vmem>> -> memref<1x26x128xi32, #tpu.memory_space<vmem>>
    %dma_wait3A_409 = tpu.memref_squeeze %dma_wait3A_408 : memref<1x26x128xi32, #tpu.memory_space<vmem>> -> memref<26x128xi32, #tpu.memory_space<vmem>>
    %dma_wait3A_410 = arith.constant 0 : i32
    %dma_wait3A_411 = arith.constant 0 : i32
    %dma_wait3A_412 = tpu.memref_slice %arg2[%dma_wait3A_404, %add3A, %dma_wait3A_410, %dma_wait3A_411] : memref<20x32x26x128xi32, #tpu.memory_space<hbm>> -> memref<1x1x26x128xi32, #tpu.memory_space<hbm>>
    %dma_wait3A_413 = tpu.memref_squeeze %dma_wait3A_412 : memref<1x1x26x128xi32, #tpu.memory_space<hbm>> -> memref<26x128xi32, #tpu.memory_space<hbm>>
    %dma_wait3A_414 = arith.constant 0 : i32
    %dma_wait3A_415 = arith.constant 0 : i32
    %dma_wait3A_416 = tpu.memref_slice %arg5[%dma_wait3A_405, %dma_wait3A_414, %dma_wait3A_415] : memref<20x26x128xi32, #tpu.memory_space<vmem>> -> memref<1x26x128xi32, #tpu.memory_space<vmem>>
    %dma_wait3A_417 = tpu.memref_squeeze %dma_wait3A_416 : memref<1x26x128xi32, #tpu.memory_space<vmem>> -> memref<26x128xi32, #tpu.memory_space<vmem>>
    %dma_wait3A_418 = arith.constant 0 : i32
    %dma_wait3A_419 = arith.constant 0 : i32
    %dma_wait3A_420 = tpu.memref_slice %arg2[%dma_wait3A_404, %add3A, %dma_wait3A_418, %dma_wait3A_419] : memref<20x32x26x128xi32, #tpu.memory_space<hbm>> -> memref<1x1x26x128xi32, #tpu.memory_space<hbm>>
    %dma_wait3A_421 = tpu.memref_squeeze %dma_wait3A_420 : memref<1x1x26x128xi32, #tpu.memory_space<hbm>> -> memref<26x128xi32, #tpu.memory_space<hbm>>
    tpu.wait_dma2 semaphore(%arg8 : memref<!tpu.dma_semaphore, #tpu.memory_space<semaphore_mem>>) src(%dma_wait3A_421 : memref<26x128xi32, #tpu.memory_space<hbm>>) dst(%dma_wait3A_417 : memref<26x128xi32, #tpu.memory_space<vmem>>)
    %dma_wait3A_422 = arith.constant 3 : i32
    %dma_wait3A_423 = arith.constant 3 : i32
    %dma_wait3A_424 = arith.constant 0 : i32
    %dma_wait3A_425 = arith.constant 0 : i32
    %dma_wait3A_426 = tpu.memref_slice %arg5[%dma_wait3A_423, %dma_wait3A_424, %dma_wait3A_425] : memref<20x26x128xi32, #tpu.memory_space<vmem>> -> memref<1x26x128xi32, #tpu.memory_space<vmem>>
    %dma_wait3A_427 = tpu.memref_squeeze %dma_wait3A_426 : memref<1x26x128xi32, #tpu.memory_space<vmem>> -> memref<26x128xi32, #tpu.memory_space<vmem>>
    %dma_wait3A_428 = arith.constant 0 : i32
    %dma_wait3A_429 = arith.constant 0 : i32
    %dma_wait3A_430 = tpu.memref_slice %arg2[%dma_wait3A_422, %add3A, %dma_wait3A_428, %dma_wait3A_429] : memref<20x32x26x128xi32, #tpu.memory_space<hbm>> -> memref<1x1x26x128xi32, #tpu.memory_space<hbm>>
    %dma_wait3A_431 = tpu.memref_squeeze %dma_wait3A_430 : memref<1x1x26x128xi32, #tpu.memory_space<hbm>> -> memref<26x128xi32, #tpu.memory_space<hbm>>
    %dma_wait3A_432 = arith.constant 0 : i32
    %dma_wait3A_433 = arith.constant 0 : i32
    %dma_wait3A_434 = tpu.memref_slice %arg5[%dma_wait3A_423, %dma_wait3A_432, %dma_wait3A_433] : memref<20x26x128xi32, #tpu.memory_space<vmem>> -> memref<1x26x128xi32, #tpu.memory_space<vmem>>
    %dma_wait3A_435 = tpu.memref_squeeze %dma_wait3A_434 : memref<1x26x128xi32, #tpu.memory_space<vmem>> -> memref<26x128xi32, #tpu.memory_space<vmem>>
    %dma_wait3A_436 = arith.constant 0 : i32
    %dma_wait3A_437 = arith.constant 0 : i32
    %dma_wait3A_438 = tpu.memref_slice %arg2[%dma_wait3A_422, %add3A, %dma_wait3A_436, %dma_wait3A_437] : memref<20x32x26x128xi32, #tpu.memory_space<hbm>> -> memref<1x1x26x128xi32, #tpu.memory_space<hbm>>
    %dma_wait3A_439 = tpu.memref_squeeze %dma_wait3A_438 : memref<1x1x26x128xi32, #tpu.memory_space<hbm>> -> memref<26x128xi32, #tpu.memory_space<hbm>>
    tpu.wait_dma2 semaphore(%arg8 : memref<!tpu.dma_semaphore, #tpu.memory_space<semaphore_mem>>) src(%dma_wait3A_439 : memref<26x128xi32, #tpu.memory_space<hbm>>) dst(%dma_wait3A_435 : memref<26x128xi32, #tpu.memory_space<vmem>>)
    %dma_wait3A_440 = arith.constant 4 : i32
    %dma_wait3A_441 = arith.constant 4 : i32
    %dma_wait3A_442 = arith.constant 0 : i32
    %dma_wait3A_443 = arith.constant 0 : i32
    %dma_wait3A_444 = tpu.memref_slice %arg5[%dma_wait3A_441, %dma_wait3A_442, %dma_wait3A_443] : memref<20x26x128xi32, #tpu.memory_space<vmem>> -> memref<1x26x128xi32, #tpu.memory_space<vmem>>
    %dma_wait3A_445 = tpu.memref_squeeze %dma_wait3A_444 : memref<1x26x128xi32, #tpu.memory_space<vmem>> -> memref<26x128xi32, #tpu.memory_space<vmem>>
    %dma_wait3A_446 = arith.constant 0 : i32
    %dma_wait3A_447 = arith.constant 0 : i32
    %dma_wait3A_448 = tpu.memref_slice %arg2[%dma_wait3A_440, %add3A, %dma_wait3A_446, %dma_wait3A_447] : memref<20x32x26x128xi32, #tpu.memory_space<hbm>> -> memref<1x1x26x128xi32, #tpu.memory_space<hbm>>
    %dma_wait3A_449 = tpu.memref_squeeze %dma_wait3A_448 : memref<1x1x26x128xi32, #tpu.memory_space<hbm>> -> memref<26x128xi32, #tpu.memory_space<hbm>>
    %dma_wait3A_450 = arith.constant 0 : i32
    %dma_wait3A_451 = arith.constant 0 : i32
    %dma_wait3A_452 = tpu.memref_slice %arg5[%dma_wait3A_441, %dma_wait3A_450, %dma_wait3A_451] : memref<20x26x128xi32, #tpu.memory_space<vmem>> -> memref<1x26x128xi32, #tpu.memory_space<vmem>>
    %dma_wait3A_453 = tpu.memref_squeeze %dma_wait3A_452 : memref<1x26x128xi32, #tpu.memory_space<vmem>> -> memref<26x128xi32, #tpu.memory_space<vmem>>
    %dma_wait3A_454 = arith.constant 0 : i32
    %dma_wait3A_455 = arith.constant 0 : i32
    %dma_wait3A_456 = tpu.memref_slice %arg2[%dma_wait3A_440, %add3A, %dma_wait3A_454, %dma_wait3A_455] : memref<20x32x26x128xi32, #tpu.memory_space<hbm>> -> memref<1x1x26x128xi32, #tpu.memory_space<hbm>>
    %dma_wait3A_457 = tpu.memref_squeeze %dma_wait3A_456 : memref<1x1x26x128xi32, #tpu.memory_space<hbm>> -> memref<26x128xi32, #tpu.memory_space<hbm>>
    tpu.wait_dma2 semaphore(%arg8 : memref<!tpu.dma_semaphore, #tpu.memory_space<semaphore_mem>>) src(%dma_wait3A_457 : memref<26x128xi32, #tpu.memory_space<hbm>>) dst(%dma_wait3A_453 : memref<26x128xi32, #tpu.memory_space<vmem>>)
    %dma_wait3A_458 = arith.constant 5 : i32
    %dma_wait3A_459 = arith.constant 5 : i32
    %dma_wait3A_460 = arith.constant 0 : i32
    %dma_wait3A_461 = arith.constant 0 : i32
    %dma_wait3A_462 = tpu.memref_slice %arg5[%dma_wait3A_459, %dma_wait3A_460, %dma_wait3A_461] : memref<20x26x128xi32, #tpu.memory_space<vmem>> -> memref<1x26x128xi32, #tpu.memory_space<vmem>>
    %dma_wait3A_463 = tpu.memref_squeeze %dma_wait3A_462 : memref<1x26x128xi32, #tpu.memory_space<vmem>> -> memref<26x128xi32, #tpu.memory_space<vmem>>
    %dma_wait3A_464 = arith.constant 0 : i32
    %dma_wait3A_465 = arith.constant 0 : i32
    %dma_wait3A_466 = tpu.memref_slice %arg2[%dma_wait3A_458, %add3A, %dma_wait3A_464, %dma_wait3A_465] : memref<20x32x26x128xi32, #tpu.memory_space<hbm>> -> memref<1x1x26x128xi32, #tpu.memory_space<hbm>>
    %dma_wait3A_467 = tpu.memref_squeeze %dma_wait3A_466 : memref<1x1x26x128xi32, #tpu.memory_space<hbm>> -> memref<26x128xi32, #tpu.memory_space<hbm>>
    %dma_wait3A_468 = arith.constant 0 : i32
    %dma_wait3A_469 = arith.constant 0 : i32
    %dma_wait3A_470 = tpu.memref_slice %arg5[%dma_wait3A_459, %dma_wait3A_468, %dma_wait3A_469] : memref<20x26x128xi32, #tpu.memory_space<vmem>> -> memref<1x26x128xi32, #tpu.memory_space<vmem>>
    %dma_wait3A_471 = tpu.memref_squeeze %dma_wait3A_470 : memref<1x26x128xi32, #tpu.memory_space<vmem>> -> memref<26x128xi32, #tpu.memory_space<vmem>>
    %dma_wait3A_472 = arith.constant 0 : i32
    %dma_wait3A_473 = arith.constant 0 : i32
    %dma_wait3A_474 = tpu.memref_slice %arg2[%dma_wait3A_458, %add3A, %dma_wait3A_472, %dma_wait3A_473] : memref<20x32x26x128xi32, #tpu.memory_space<hbm>> -> memref<1x1x26x128xi32, #tpu.memory_space<hbm>>
    %dma_wait3A_475 = tpu.memref_squeeze %dma_wait3A_474 : memref<1x1x26x128xi32, #tpu.memory_space<hbm>> -> memref<26x128xi32, #tpu.memory_space<hbm>>
    tpu.wait_dma2 semaphore(%arg8 : memref<!tpu.dma_semaphore, #tpu.memory_space<semaphore_mem>>) src(%dma_wait3A_475 : memref<26x128xi32, #tpu.memory_space<hbm>>) dst(%dma_wait3A_471 : memref<26x128xi32, #tpu.memory_space<vmem>>)
    %dma_wait3A_476 = arith.constant 6 : i32
    %dma_wait3A_477 = arith.constant 6 : i32
    %dma_wait3A_478 = arith.constant 0 : i32
    %dma_wait3A_479 = arith.constant 0 : i32
    %dma_wait3A_480 = tpu.memref_slice %arg5[%dma_wait3A_477, %dma_wait3A_478, %dma_wait3A_479] : memref<20x26x128xi32, #tpu.memory_space<vmem>> -> memref<1x26x128xi32, #tpu.memory_space<vmem>>
    %dma_wait3A_481 = tpu.memref_squeeze %dma_wait3A_480 : memref<1x26x128xi32, #tpu.memory_space<vmem>> -> memref<26x128xi32, #tpu.memory_space<vmem>>
    %dma_wait3A_482 = arith.constant 0 : i32
    %dma_wait3A_483 = arith.constant 0 : i32
    %dma_wait3A_484 = tpu.memref_slice %arg2[%dma_wait3A_476, %add3A, %dma_wait3A_482, %dma_wait3A_483] : memref<20x32x26x128xi32, #tpu.memory_space<hbm>> -> memref<1x1x26x128xi32, #tpu.memory_space<hbm>>
    %dma_wait3A_485 = tpu.memref_squeeze %dma_wait3A_484 : memref<1x1x26x128xi32, #tpu.memory_space<hbm>> -> memref<26x128xi32, #tpu.memory_space<hbm>>
    %dma_wait3A_486 = arith.constant 0 : i32
    %dma_wait3A_487 = arith.constant 0 : i32
    %dma_wait3A_488 = tpu.memref_slice %arg5[%dma_wait3A_477, %dma_wait3A_486, %dma_wait3A_487] : memref<20x26x128xi32, #tpu.memory_space<vmem>> -> memref<1x26x128xi32, #tpu.memory_space<vmem>>
    %dma_wait3A_489 = tpu.memref_squeeze %dma_wait3A_488 : memref<1x26x128xi32, #tpu.memory_space<vmem>> -> memref<26x128xi32, #tpu.memory_space<vmem>>
    %dma_wait3A_490 = arith.constant 0 : i32
    %dma_wait3A_491 = arith.constant 0 : i32
    %dma_wait3A_492 = tpu.memref_slice %arg2[%dma_wait3A_476, %add3A, %dma_wait3A_490, %dma_wait3A_491] : memref<20x32x26x128xi32, #tpu.memory_space<hbm>> -> memref<1x1x26x128xi32, #tpu.memory_space<hbm>>
    %dma_wait3A_493 = tpu.memref_squeeze %dma_wait3A_492 : memref<1x1x26x128xi32, #tpu.memory_space<hbm>> -> memref<26x128xi32, #tpu.memory_space<hbm>>
    tpu.wait_dma2 semaphore(%arg8 : memref<!tpu.dma_semaphore, #tpu.memory_space<semaphore_mem>>) src(%dma_wait3A_493 : memref<26x128xi32, #tpu.memory_space<hbm>>) dst(%dma_wait3A_489 : memref<26x128xi32, #tpu.memory_space<vmem>>)
    %dma_wait3A_494 = arith.constant 7 : i32
    %dma_wait3A_495 = arith.constant 7 : i32
    %dma_wait3A_496 = arith.constant 0 : i32
    %dma_wait3A_497 = arith.constant 0 : i32
    %dma_wait3A_498 = tpu.memref_slice %arg5[%dma_wait3A_495, %dma_wait3A_496, %dma_wait3A_497] : memref<20x26x128xi32, #tpu.memory_space<vmem>> -> memref<1x26x128xi32, #tpu.memory_space<vmem>>
    %dma_wait3A_499 = tpu.memref_squeeze %dma_wait3A_498 : memref<1x26x128xi32, #tpu.memory_space<vmem>> -> memref<26x128xi32, #tpu.memory_space<vmem>>
    %dma_wait3A_500 = arith.constant 0 : i32
    %dma_wait3A_501 = arith.constant 0 : i32
    %dma_wait3A_502 = tpu.memref_slice %arg2[%dma_wait3A_494, %add3A, %dma_wait3A_500, %dma_wait3A_501] : memref<20x32x26x128xi32, #tpu.memory_space<hbm>> -> memref<1x1x26x128xi32, #tpu.memory_space<hbm>>
    %dma_wait3A_503 = tpu.memref_squeeze %dma_wait3A_502 : memref<1x1x26x128xi32, #tpu.memory_space<hbm>> -> memref<26x128xi32, #tpu.memory_space<hbm>>
    %dma_wait3A_504 = arith.constant 0 : i32
    %dma_wait3A_505 = arith.constant 0 : i32
    %dma_wait3A_506 = tpu.memref_slice %arg5[%dma_wait3A_495, %dma_wait3A_504, %dma_wait3A_505] : memref<20x26x128xi32, #tpu.memory_space<vmem>> -> memref<1x26x128xi32, #tpu.memory_space<vmem>>
    %dma_wait3A_507 = tpu.memref_squeeze %dma_wait3A_506 : memref<1x26x128xi32, #tpu.memory_space<vmem>> -> memref<26x128xi32, #tpu.memory_space<vmem>>
    %dma_wait3A_508 = arith.constant 0 : i32
    %dma_wait3A_509 = arith.constant 0 : i32
    %dma_wait3A_510 = tpu.memref_slice %arg2[%dma_wait3A_494, %add3A, %dma_wait3A_508, %dma_wait3A_509] : memref<20x32x26x128xi32, #tpu.memory_space<hbm>> -> memref<1x1x26x128xi32, #tpu.memory_space<hbm>>
    %dma_wait3A_511 = tpu.memref_squeeze %dma_wait3A_510 : memref<1x1x26x128xi32, #tpu.memory_space<hbm>> -> memref<26x128xi32, #tpu.memory_space<hbm>>
    tpu.wait_dma2 semaphore(%arg8 : memref<!tpu.dma_semaphore, #tpu.memory_space<semaphore_mem>>) src(%dma_wait3A_511 : memref<26x128xi32, #tpu.memory_space<hbm>>) dst(%dma_wait3A_507 : memref<26x128xi32, #tpu.memory_space<vmem>>)
    %dma_wait3A_512 = arith.constant 8 : i32
    %dma_wait3A_513 = arith.constant 8 : i32
    %dma_wait3A_514 = arith.constant 0 : i32
    %dma_wait3A_515 = arith.constant 0 : i32
    %dma_wait3A_516 = tpu.memref_slice %arg5[%dma_wait3A_513, %dma_wait3A_514, %dma_wait3A_515] : memref<20x26x128xi32, #tpu.memory_space<vmem>> -> memref<1x26x128xi32, #tpu.memory_space<vmem>>
    %dma_wait3A_517 = tpu.memref_squeeze %dma_wait3A_516 : memref<1x26x128xi32, #tpu.memory_space<vmem>> -> memref<26x128xi32, #tpu.memory_space<vmem>>
    %dma_wait3A_518 = arith.constant 0 : i32
    %dma_wait3A_519 = arith.constant 0 : i32
    %dma_wait3A_520 = tpu.memref_slice %arg2[%dma_wait3A_512, %add3A, %dma_wait3A_518, %dma_wait3A_519] : memref<20x32x26x128xi32, #tpu.memory_space<hbm>> -> memref<1x1x26x128xi32, #tpu.memory_space<hbm>>
    %dma_wait3A_521 = tpu.memref_squeeze %dma_wait3A_520 : memref<1x1x26x128xi32, #tpu.memory_space<hbm>> -> memref<26x128xi32, #tpu.memory_space<hbm>>
    %dma_wait3A_522 = arith.constant 0 : i32
    %dma_wait3A_523 = arith.constant 0 : i32
    %dma_wait3A_524 = tpu.memref_slice %arg5[%dma_wait3A_513, %dma_wait3A_522, %dma_wait3A_523] : memref<20x26x128xi32, #tpu.memory_space<vmem>> -> memref<1x26x128xi32, #tpu.memory_space<vmem>>
    %dma_wait3A_525 = tpu.memref_squeeze %dma_wait3A_524 : memref<1x26x128xi32, #tpu.memory_space<vmem>> -> memref<26x128xi32, #tpu.memory_space<vmem>>
    %dma_wait3A_526 = arith.constant 0 : i32
    %dma_wait3A_527 = arith.constant 0 : i32
    %dma_wait3A_528 = tpu.memref_slice %arg2[%dma_wait3A_512, %add3A, %dma_wait3A_526, %dma_wait3A_527] : memref<20x32x26x128xi32, #tpu.memory_space<hbm>> -> memref<1x1x26x128xi32, #tpu.memory_space<hbm>>
    %dma_wait3A_529 = tpu.memref_squeeze %dma_wait3A_528 : memref<1x1x26x128xi32, #tpu.memory_space<hbm>> -> memref<26x128xi32, #tpu.memory_space<hbm>>
    tpu.wait_dma2 semaphore(%arg8 : memref<!tpu.dma_semaphore, #tpu.memory_space<semaphore_mem>>) src(%dma_wait3A_529 : memref<26x128xi32, #tpu.memory_space<hbm>>) dst(%dma_wait3A_525 : memref<26x128xi32, #tpu.memory_space<vmem>>)
    %dma_wait3A_530 = arith.constant 9 : i32
    %dma_wait3A_531 = arith.constant 9 : i32
    %dma_wait3A_532 = arith.constant 0 : i32
    %dma_wait3A_533 = arith.constant 0 : i32
    %dma_wait3A_534 = tpu.memref_slice %arg5[%dma_wait3A_531, %dma_wait3A_532, %dma_wait3A_533] : memref<20x26x128xi32, #tpu.memory_space<vmem>> -> memref<1x26x128xi32, #tpu.memory_space<vmem>>
    %dma_wait3A_535 = tpu.memref_squeeze %dma_wait3A_534 : memref<1x26x128xi32, #tpu.memory_space<vmem>> -> memref<26x128xi32, #tpu.memory_space<vmem>>
    %dma_wait3A_536 = arith.constant 0 : i32
    %dma_wait3A_537 = arith.constant 0 : i32
    %dma_wait3A_538 = tpu.memref_slice %arg2[%dma_wait3A_530, %add3A, %dma_wait3A_536, %dma_wait3A_537] : memref<20x32x26x128xi32, #tpu.memory_space<hbm>> -> memref<1x1x26x128xi32, #tpu.memory_space<hbm>>
    %dma_wait3A_539 = tpu.memref_squeeze %dma_wait3A_538 : memref<1x1x26x128xi32, #tpu.memory_space<hbm>> -> memref<26x128xi32, #tpu.memory_space<hbm>>
    %dma_wait3A_540 = arith.constant 0 : i32
    %dma_wait3A_541 = arith.constant 0 : i32
    %dma_wait3A_542 = tpu.memref_slice %arg5[%dma_wait3A_531, %dma_wait3A_540, %dma_wait3A_541] : memref<20x26x128xi32, #tpu.memory_space<vmem>> -> memref<1x26x128xi32, #tpu.memory_space<vmem>>
    %dma_wait3A_543 = tpu.memref_squeeze %dma_wait3A_542 : memref<1x26x128xi32, #tpu.memory_space<vmem>> -> memref<26x128xi32, #tpu.memory_space<vmem>>
    %dma_wait3A_544 = arith.constant 0 : i32
    %dma_wait3A_545 = arith.constant 0 : i32
    %dma_wait3A_546 = tpu.memref_slice %arg2[%dma_wait3A_530, %add3A, %dma_wait3A_544, %dma_wait3A_545] : memref<20x32x26x128xi32, #tpu.memory_space<hbm>> -> memref<1x1x26x128xi32, #tpu.memory_space<hbm>>
    %dma_wait3A_547 = tpu.memref_squeeze %dma_wait3A_546 : memref<1x1x26x128xi32, #tpu.memory_space<hbm>> -> memref<26x128xi32, #tpu.memory_space<hbm>>
    tpu.wait_dma2 semaphore(%arg8 : memref<!tpu.dma_semaphore, #tpu.memory_space<semaphore_mem>>) src(%dma_wait3A_547 : memref<26x128xi32, #tpu.memory_space<hbm>>) dst(%dma_wait3A_543 : memref<26x128xi32, #tpu.memory_space<vmem>>)
    %dma_wait3A_548 = arith.constant 10 : i32
    %dma_wait3A_549 = arith.constant 10 : i32
    %dma_wait3A_550 = arith.constant 0 : i32
    %dma_wait3A_551 = arith.constant 0 : i32
    %dma_wait3A_552 = tpu.memref_slice %arg5[%dma_wait3A_549, %dma_wait3A_550, %dma_wait3A_551] : memref<20x26x128xi32, #tpu.memory_space<vmem>> -> memref<1x26x128xi32, #tpu.memory_space<vmem>>
    %dma_wait3A_553 = tpu.memref_squeeze %dma_wait3A_552 : memref<1x26x128xi32, #tpu.memory_space<vmem>> -> memref<26x128xi32, #tpu.memory_space<vmem>>
    %dma_wait3A_554 = arith.constant 0 : i32
    %dma_wait3A_555 = arith.constant 0 : i32
    %dma_wait3A_556 = tpu.memref_slice %arg2[%dma_wait3A_548, %add3A, %dma_wait3A_554, %dma_wait3A_555] : memref<20x32x26x128xi32, #tpu.memory_space<hbm>> -> memref<1x1x26x128xi32, #tpu.memory_space<hbm>>
    %dma_wait3A_557 = tpu.memref_squeeze %dma_wait3A_556 : memref<1x1x26x128xi32, #tpu.memory_space<hbm>> -> memref<26x128xi32, #tpu.memory_space<hbm>>
    %dma_wait3A_558 = arith.constant 0 : i32
    %dma_wait3A_559 = arith.constant 0 : i32
    %dma_wait3A_560 = tpu.memref_slice %arg5[%dma_wait3A_549, %dma_wait3A_558, %dma_wait3A_559] : memref<20x26x128xi32, #tpu.memory_space<vmem>> -> memref<1x26x128xi32, #tpu.memory_space<vmem>>
    %dma_wait3A_561 = tpu.memref_squeeze %dma_wait3A_560 : memref<1x26x128xi32, #tpu.memory_space<vmem>> -> memref<26x128xi32, #tpu.memory_space<vmem>>
    %dma_wait3A_562 = arith.constant 0 : i32
    %dma_wait3A_563 = arith.constant 0 : i32
    %dma_wait3A_564 = tpu.memref_slice %arg2[%dma_wait3A_548, %add3A, %dma_wait3A_562, %dma_wait3A_563] : memref<20x32x26x128xi32, #tpu.memory_space<hbm>> -> memref<1x1x26x128xi32, #tpu.memory_space<hbm>>
    %dma_wait3A_565 = tpu.memref_squeeze %dma_wait3A_564 : memref<1x1x26x128xi32, #tpu.memory_space<hbm>> -> memref<26x128xi32, #tpu.memory_space<hbm>>
    tpu.wait_dma2 semaphore(%arg8 : memref<!tpu.dma_semaphore, #tpu.memory_space<semaphore_mem>>) src(%dma_wait3A_565 : memref<26x128xi32, #tpu.memory_space<hbm>>) dst(%dma_wait3A_561 : memref<26x128xi32, #tpu.memory_space<vmem>>)
    %dma_wait3A_566 = arith.constant 11 : i32
    %dma_wait3A_567 = arith.constant 11 : i32
    %dma_wait3A_568 = arith.constant 0 : i32
    %dma_wait3A_569 = arith.constant 0 : i32
    %dma_wait3A_570 = tpu.memref_slice %arg5[%dma_wait3A_567, %dma_wait3A_568, %dma_wait3A_569] : memref<20x26x128xi32, #tpu.memory_space<vmem>> -> memref<1x26x128xi32, #tpu.memory_space<vmem>>
    %dma_wait3A_571 = tpu.memref_squeeze %dma_wait3A_570 : memref<1x26x128xi32, #tpu.memory_space<vmem>> -> memref<26x128xi32, #tpu.memory_space<vmem>>
    %dma_wait3A_572 = arith.constant 0 : i32
    %dma_wait3A_573 = arith.constant 0 : i32
    %dma_wait3A_574 = tpu.memref_slice %arg2[%dma_wait3A_566, %add3A, %dma_wait3A_572, %dma_wait3A_573] : memref<20x32x26x128xi32, #tpu.memory_space<hbm>> -> memref<1x1x26x128xi32, #tpu.memory_space<hbm>>
    %dma_wait3A_575 = tpu.memref_squeeze %dma_wait3A_574 : memref<1x1x26x128xi32, #tpu.memory_space<hbm>> -> memref<26x128xi32, #tpu.memory_space<hbm>>
    %dma_wait3A_576 = arith.constant 0 : i32
    %dma_wait3A_577 = arith.constant 0 : i32
    %dma_wait3A_578 = tpu.memref_slice %arg5[%dma_wait3A_567, %dma_wait3A_576, %dma_wait3A_577] : memref<20x26x128xi32, #tpu.memory_space<vmem>> -> memref<1x26x128xi32, #tpu.memory_space<vmem>>
    %dma_wait3A_579 = tpu.memref_squeeze %dma_wait3A_578 : memref<1x26x128xi32, #tpu.memory_space<vmem>> -> memref<26x128xi32, #tpu.memory_space<vmem>>
    %dma_wait3A_580 = arith.constant 0 : i32
    %dma_wait3A_581 = arith.constant 0 : i32
    %dma_wait3A_582 = tpu.memref_slice %arg2[%dma_wait3A_566, %add3A, %dma_wait3A_580, %dma_wait3A_581] : memref<20x32x26x128xi32, #tpu.memory_space<hbm>> -> memref<1x1x26x128xi32, #tpu.memory_space<hbm>>
    %dma_wait3A_583 = tpu.memref_squeeze %dma_wait3A_582 : memref<1x1x26x128xi32, #tpu.memory_space<hbm>> -> memref<26x128xi32, #tpu.memory_space<hbm>>
    tpu.wait_dma2 semaphore(%arg8 : memref<!tpu.dma_semaphore, #tpu.memory_space<semaphore_mem>>) src(%dma_wait3A_583 : memref<26x128xi32, #tpu.memory_space<hbm>>) dst(%dma_wait3A_579 : memref<26x128xi32, #tpu.memory_space<vmem>>)
    %dma_wait3A_584 = arith.constant 12 : i32
    %dma_wait3A_585 = arith.constant 12 : i32
    %dma_wait3A_586 = arith.constant 0 : i32
    %dma_wait3A_587 = arith.constant 0 : i32
    %dma_wait3A_588 = tpu.memref_slice %arg5[%dma_wait3A_585, %dma_wait3A_586, %dma_wait3A_587] : memref<20x26x128xi32, #tpu.memory_space<vmem>> -> memref<1x26x128xi32, #tpu.memory_space<vmem>>
    %dma_wait3A_589 = tpu.memref_squeeze %dma_wait3A_588 : memref<1x26x128xi32, #tpu.memory_space<vmem>> -> memref<26x128xi32, #tpu.memory_space<vmem>>
    %dma_wait3A_590 = arith.constant 0 : i32
    %dma_wait3A_591 = arith.constant 0 : i32
    %dma_wait3A_592 = tpu.memref_slice %arg2[%dma_wait3A_584, %add3A, %dma_wait3A_590, %dma_wait3A_591] : memref<20x32x26x128xi32, #tpu.memory_space<hbm>> -> memref<1x1x26x128xi32, #tpu.memory_space<hbm>>
    %dma_wait3A_593 = tpu.memref_squeeze %dma_wait3A_592 : memref<1x1x26x128xi32, #tpu.memory_space<hbm>> -> memref<26x128xi32, #tpu.memory_space<hbm>>
    %dma_wait3A_594 = arith.constant 0 : i32
    %dma_wait3A_595 = arith.constant 0 : i32
    %dma_wait3A_596 = tpu.memref_slice %arg5[%dma_wait3A_585, %dma_wait3A_594, %dma_wait3A_595] : memref<20x26x128xi32, #tpu.memory_space<vmem>> -> memref<1x26x128xi32, #tpu.memory_space<vmem>>
    %dma_wait3A_597 = tpu.memref_squeeze %dma_wait3A_596 : memref<1x26x128xi32, #tpu.memory_space<vmem>> -> memref<26x128xi32, #tpu.memory_space<vmem>>
    %dma_wait3A_598 = arith.constant 0 : i32
    %dma_wait3A_599 = arith.constant 0 : i32
    %dma_wait3A_600 = tpu.memref_slice %arg2[%dma_wait3A_584, %add3A, %dma_wait3A_598, %dma_wait3A_599] : memref<20x32x26x128xi32, #tpu.memory_space<hbm>> -> memref<1x1x26x128xi32, #tpu.memory_space<hbm>>
    %dma_wait3A_601 = tpu.memref_squeeze %dma_wait3A_600 : memref<1x1x26x128xi32, #tpu.memory_space<hbm>> -> memref<26x128xi32, #tpu.memory_space<hbm>>
    tpu.wait_dma2 semaphore(%arg8 : memref<!tpu.dma_semaphore, #tpu.memory_space<semaphore_mem>>) src(%dma_wait3A_601 : memref<26x128xi32, #tpu.memory_space<hbm>>) dst(%dma_wait3A_597 : memref<26x128xi32, #tpu.memory_space<vmem>>)
    %dma_wait3A_602 = arith.constant 13 : i32
    %dma_wait3A_603 = arith.constant 13 : i32
    %dma_wait3A_604 = arith.constant 0 : i32
    %dma_wait3A_605 = arith.constant 0 : i32
    %dma_wait3A_606 = tpu.memref_slice %arg5[%dma_wait3A_603, %dma_wait3A_604, %dma_wait3A_605] : memref<20x26x128xi32, #tpu.memory_space<vmem>> -> memref<1x26x128xi32, #tpu.memory_space<vmem>>
    %dma_wait3A_607 = tpu.memref_squeeze %dma_wait3A_606 : memref<1x26x128xi32, #tpu.memory_space<vmem>> -> memref<26x128xi32, #tpu.memory_space<vmem>>
    %dma_wait3A_608 = arith.constant 0 : i32
    %dma_wait3A_609 = arith.constant 0 : i32
    %dma_wait3A_610 = tpu.memref_slice %arg2[%dma_wait3A_602, %add3A, %dma_wait3A_608, %dma_wait3A_609] : memref<20x32x26x128xi32, #tpu.memory_space<hbm>> -> memref<1x1x26x128xi32, #tpu.memory_space<hbm>>
    %dma_wait3A_611 = tpu.memref_squeeze %dma_wait3A_610 : memref<1x1x26x128xi32, #tpu.memory_space<hbm>> -> memref<26x128xi32, #tpu.memory_space<hbm>>
    %dma_wait3A_612 = arith.constant 0 : i32
    %dma_wait3A_613 = arith.constant 0 : i32
    %dma_wait3A_614 = tpu.memref_slice %arg5[%dma_wait3A_603, %dma_wait3A_612, %dma_wait3A_613] : memref<20x26x128xi32, #tpu.memory_space<vmem>> -> memref<1x26x128xi32, #tpu.memory_space<vmem>>
    %dma_wait3A_615 = tpu.memref_squeeze %dma_wait3A_614 : memref<1x26x128xi32, #tpu.memory_space<vmem>> -> memref<26x128xi32, #tpu.memory_space<vmem>>
    %dma_wait3A_616 = arith.constant 0 : i32
    %dma_wait3A_617 = arith.constant 0 : i32
    %dma_wait3A_618 = tpu.memref_slice %arg2[%dma_wait3A_602, %add3A, %dma_wait3A_616, %dma_wait3A_617] : memref<20x32x26x128xi32, #tpu.memory_space<hbm>> -> memref<1x1x26x128xi32, #tpu.memory_space<hbm>>
    %dma_wait3A_619 = tpu.memref_squeeze %dma_wait3A_618 : memref<1x1x26x128xi32, #tpu.memory_space<hbm>> -> memref<26x128xi32, #tpu.memory_space<hbm>>
    tpu.wait_dma2 semaphore(%arg8 : memref<!tpu.dma_semaphore, #tpu.memory_space<semaphore_mem>>) src(%dma_wait3A_619 : memref<26x128xi32, #tpu.memory_space<hbm>>) dst(%dma_wait3A_615 : memref<26x128xi32, #tpu.memory_space<vmem>>)
    %dma_wait3A_620 = arith.constant 14 : i32
    %dma_wait3A_621 = arith.constant 14 : i32
    %dma_wait3A_622 = arith.constant 0 : i32
    %dma_wait3A_623 = arith.constant 0 : i32
    %dma_wait3A_624 = tpu.memref_slice %arg5[%dma_wait3A_621, %dma_wait3A_622, %dma_wait3A_623] : memref<20x26x128xi32, #tpu.memory_space<vmem>> -> memref<1x26x128xi32, #tpu.memory_space<vmem>>
    %dma_wait3A_625 = tpu.memref_squeeze %dma_wait3A_624 : memref<1x26x128xi32, #tpu.memory_space<vmem>> -> memref<26x128xi32, #tpu.memory_space<vmem>>
    %dma_wait3A_626 = arith.constant 0 : i32
    %dma_wait3A_627 = arith.constant 0 : i32
    %dma_wait3A_628 = tpu.memref_slice %arg2[%dma_wait3A_620, %add3A, %dma_wait3A_626, %dma_wait3A_627] : memref<20x32x26x128xi32, #tpu.memory_space<hbm>> -> memref<1x1x26x128xi32, #tpu.memory_space<hbm>>
    %dma_wait3A_629 = tpu.memref_squeeze %dma_wait3A_628 : memref<1x1x26x128xi32, #tpu.memory_space<hbm>> -> memref<26x128xi32, #tpu.memory_space<hbm>>
    %dma_wait3A_630 = arith.constant 0 : i32
    %dma_wait3A_631 = arith.constant 0 : i32
    %dma_wait3A_632 = tpu.memref_slice %arg5[%dma_wait3A_621, %dma_wait3A_630, %dma_wait3A_631] : memref<20x26x128xi32, #tpu.memory_space<vmem>> -> memref<1x26x128xi32, #tpu.memory_space<vmem>>
    %dma_wait3A_633 = tpu.memref_squeeze %dma_wait3A_632 : memref<1x26x128xi32, #tpu.memory_space<vmem>> -> memref<26x128xi32, #tpu.memory_space<vmem>>
    %dma_wait3A_634 = arith.constant 0 : i32
    %dma_wait3A_635 = arith.constant 0 : i32
    %dma_wait3A_636 = tpu.memref_slice %arg2[%dma_wait3A_620, %add3A, %dma_wait3A_634, %dma_wait3A_635] : memref<20x32x26x128xi32, #tpu.memory_space<hbm>> -> memref<1x1x26x128xi32, #tpu.memory_space<hbm>>
    %dma_wait3A_637 = tpu.memref_squeeze %dma_wait3A_636 : memref<1x1x26x128xi32, #tpu.memory_space<hbm>> -> memref<26x128xi32, #tpu.memory_space<hbm>>
    tpu.wait_dma2 semaphore(%arg8 : memref<!tpu.dma_semaphore, #tpu.memory_space<semaphore_mem>>) src(%dma_wait3A_637 : memref<26x128xi32, #tpu.memory_space<hbm>>) dst(%dma_wait3A_633 : memref<26x128xi32, #tpu.memory_space<vmem>>)
    %dma_wait3A_638 = arith.constant 15 : i32
    %dma_wait3A_639 = arith.constant 15 : i32
    %dma_wait3A_640 = arith.constant 0 : i32
    %dma_wait3A_641 = arith.constant 0 : i32
    %dma_wait3A_642 = tpu.memref_slice %arg5[%dma_wait3A_639, %dma_wait3A_640, %dma_wait3A_641] : memref<20x26x128xi32, #tpu.memory_space<vmem>> -> memref<1x26x128xi32, #tpu.memory_space<vmem>>
    %dma_wait3A_643 = tpu.memref_squeeze %dma_wait3A_642 : memref<1x26x128xi32, #tpu.memory_space<vmem>> -> memref<26x128xi32, #tpu.memory_space<vmem>>
    %dma_wait3A_644 = arith.constant 0 : i32
    %dma_wait3A_645 = arith.constant 0 : i32
    %dma_wait3A_646 = tpu.memref_slice %arg2[%dma_wait3A_638, %add3A, %dma_wait3A_644, %dma_wait3A_645] : memref<20x32x26x128xi32, #tpu.memory_space<hbm>> -> memref<1x1x26x128xi32, #tpu.memory_space<hbm>>
    %dma_wait3A_647 = tpu.memref_squeeze %dma_wait3A_646 : memref<1x1x26x128xi32, #tpu.memory_space<hbm>> -> memref<26x128xi32, #tpu.memory_space<hbm>>
    %dma_wait3A_648 = arith.constant 0 : i32
    %dma_wait3A_649 = arith.constant 0 : i32
    %dma_wait3A_650 = tpu.memref_slice %arg5[%dma_wait3A_639, %dma_wait3A_648, %dma_wait3A_649] : memref<20x26x128xi32, #tpu.memory_space<vmem>> -> memref<1x26x128xi32, #tpu.memory_space<vmem>>
    %dma_wait3A_651 = tpu.memref_squeeze %dma_wait3A_650 : memref<1x26x128xi32, #tpu.memory_space<vmem>> -> memref<26x128xi32, #tpu.memory_space<vmem>>
    %dma_wait3A_652 = arith.constant 0 : i32
    %dma_wait3A_653 = arith.constant 0 : i32
    %dma_wait3A_654 = tpu.memref_slice %arg2[%dma_wait3A_638, %add3A, %dma_wait3A_652, %dma_wait3A_653] : memref<20x32x26x128xi32, #tpu.memory_space<hbm>> -> memref<1x1x26x128xi32, #tpu.memory_space<hbm>>
    %dma_wait3A_655 = tpu.memref_squeeze %dma_wait3A_654 : memref<1x1x26x128xi32, #tpu.memory_space<hbm>> -> memref<26x128xi32, #tpu.memory_space<hbm>>
    tpu.wait_dma2 semaphore(%arg8 : memref<!tpu.dma_semaphore, #tpu.memory_space<semaphore_mem>>) src(%dma_wait3A_655 : memref<26x128xi32, #tpu.memory_space<hbm>>) dst(%dma_wait3A_651 : memref<26x128xi32, #tpu.memory_space<vmem>>)
    %dma_wait3A_656 = arith.constant 16 : i32
    %dma_wait3A_657 = arith.constant 16 : i32
    %dma_wait3A_658 = arith.constant 0 : i32
    %dma_wait3A_659 = arith.constant 0 : i32
    %dma_wait3A_660 = tpu.memref_slice %arg5[%dma_wait3A_657, %dma_wait3A_658, %dma_wait3A_659] : memref<20x26x128xi32, #tpu.memory_space<vmem>> -> memref<1x26x128xi32, #tpu.memory_space<vmem>>
    %dma_wait3A_661 = tpu.memref_squeeze %dma_wait3A_660 : memref<1x26x128xi32, #tpu.memory_space<vmem>> -> memref<26x128xi32, #tpu.memory_space<vmem>>
    %dma_wait3A_662 = arith.constant 0 : i32
    %dma_wait3A_663 = arith.constant 0 : i32
    %dma_wait3A_664 = tpu.memref_slice %arg2[%dma_wait3A_656, %add3A, %dma_wait3A_662, %dma_wait3A_663] : memref<20x32x26x128xi32, #tpu.memory_space<hbm>> -> memref<1x1x26x128xi32, #tpu.memory_space<hbm>>
    %dma_wait3A_665 = tpu.memref_squeeze %dma_wait3A_664 : memref<1x1x26x128xi32, #tpu.memory_space<hbm>> -> memref<26x128xi32, #tpu.memory_space<hbm>>
    %dma_wait3A_666 = arith.constant 0 : i32
    %dma_wait3A_667 = arith.constant 0 : i32
    %dma_wait3A_668 = tpu.memref_slice %arg5[%dma_wait3A_657, %dma_wait3A_666, %dma_wait3A_667] : memref<20x26x128xi32, #tpu.memory_space<vmem>> -> memref<1x26x128xi32, #tpu.memory_space<vmem>>
    %dma_wait3A_669 = tpu.memref_squeeze %dma_wait3A_668 : memref<1x26x128xi32, #tpu.memory_space<vmem>> -> memref<26x128xi32, #tpu.memory_space<vmem>>
    %dma_wait3A_670 = arith.constant 0 : i32
    %dma_wait3A_671 = arith.constant 0 : i32
    %dma_wait3A_672 = tpu.memref_slice %arg2[%dma_wait3A_656, %add3A, %dma_wait3A_670, %dma_wait3A_671] : memref<20x32x26x128xi32, #tpu.memory_space<hbm>> -> memref<1x1x26x128xi32, #tpu.memory_space<hbm>>
    %dma_wait3A_673 = tpu.memref_squeeze %dma_wait3A_672 : memref<1x1x26x128xi32, #tpu.memory_space<hbm>> -> memref<26x128xi32, #tpu.memory_space<hbm>>
    tpu.wait_dma2 semaphore(%arg8 : memref<!tpu.dma_semaphore, #tpu.memory_space<semaphore_mem>>) src(%dma_wait3A_673 : memref<26x128xi32, #tpu.memory_space<hbm>>) dst(%dma_wait3A_669 : memref<26x128xi32, #tpu.memory_space<vmem>>)
    %dma_wait3A_674 = arith.constant 17 : i32
    %dma_wait3A_675 = arith.constant 17 : i32
    %dma_wait3A_676 = arith.constant 0 : i32
    %dma_wait3A_677 = arith.constant 0 : i32
    %dma_wait3A_678 = tpu.memref_slice %arg5[%dma_wait3A_675, %dma_wait3A_676, %dma_wait3A_677] : memref<20x26x128xi32, #tpu.memory_space<vmem>> -> memref<1x26x128xi32, #tpu.memory_space<vmem>>
    %dma_wait3A_679 = tpu.memref_squeeze %dma_wait3A_678 : memref<1x26x128xi32, #tpu.memory_space<vmem>> -> memref<26x128xi32, #tpu.memory_space<vmem>>
    %dma_wait3A_680 = arith.constant 0 : i32
    %dma_wait3A_681 = arith.constant 0 : i32
    %dma_wait3A_682 = tpu.memref_slice %arg2[%dma_wait3A_674, %add3A, %dma_wait3A_680, %dma_wait3A_681] : memref<20x32x26x128xi32, #tpu.memory_space<hbm>> -> memref<1x1x26x128xi32, #tpu.memory_space<hbm>>
    %dma_wait3A_683 = tpu.memref_squeeze %dma_wait3A_682 : memref<1x1x26x128xi32, #tpu.memory_space<hbm>> -> memref<26x128xi32, #tpu.memory_space<hbm>>
    %dma_wait3A_684 = arith.constant 0 : i32
    %dma_wait3A_685 = arith.constant 0 : i32
    %dma_wait3A_686 = tpu.memref_slice %arg5[%dma_wait3A_675, %dma_wait3A_684, %dma_wait3A_685] : memref<20x26x128xi32, #tpu.memory_space<vmem>> -> memref<1x26x128xi32, #tpu.memory_space<vmem>>
    %dma_wait3A_687 = tpu.memref_squeeze %dma_wait3A_686 : memref<1x26x128xi32, #tpu.memory_space<vmem>> -> memref<26x128xi32, #tpu.memory_space<vmem>>
    %dma_wait3A_688 = arith.constant 0 : i32
    %dma_wait3A_689 = arith.constant 0 : i32
    %dma_wait3A_690 = tpu.memref_slice %arg2[%dma_wait3A_674, %add3A, %dma_wait3A_688, %dma_wait3A_689] : memref<20x32x26x128xi32, #tpu.memory_space<hbm>> -> memref<1x1x26x128xi32, #tpu.memory_space<hbm>>
    %dma_wait3A_691 = tpu.memref_squeeze %dma_wait3A_690 : memref<1x1x26x128xi32, #tpu.memory_space<hbm>> -> memref<26x128xi32, #tpu.memory_space<hbm>>
    tpu.wait_dma2 semaphore(%arg8 : memref<!tpu.dma_semaphore, #tpu.memory_space<semaphore_mem>>) src(%dma_wait3A_691 : memref<26x128xi32, #tpu.memory_space<hbm>>) dst(%dma_wait3A_687 : memref<26x128xi32, #tpu.memory_space<vmem>>)
    %dma_wait3A_692 = arith.constant 18 : i32
    %dma_wait3A_693 = arith.constant 18 : i32
    %dma_wait3A_694 = arith.constant 0 : i32
    %dma_wait3A_695 = arith.constant 0 : i32
    %dma_wait3A_696 = tpu.memref_slice %arg5[%dma_wait3A_693, %dma_wait3A_694, %dma_wait3A_695] : memref<20x26x128xi32, #tpu.memory_space<vmem>> -> memref<1x26x128xi32, #tpu.memory_space<vmem>>
    %dma_wait3A_697 = tpu.memref_squeeze %dma_wait3A_696 : memref<1x26x128xi32, #tpu.memory_space<vmem>> -> memref<26x128xi32, #tpu.memory_space<vmem>>
    %dma_wait3A_698 = arith.constant 0 : i32
    %dma_wait3A_699 = arith.constant 0 : i32
    %dma_wait3A_700 = tpu.memref_slice %arg2[%dma_wait3A_692, %add3A, %dma_wait3A_698, %dma_wait3A_699] : memref<20x32x26x128xi32, #tpu.memory_space<hbm>> -> memref<1x1x26x128xi32, #tpu.memory_space<hbm>>
    %dma_wait3A_701 = tpu.memref_squeeze %dma_wait3A_700 : memref<1x1x26x128xi32, #tpu.memory_space<hbm>> -> memref<26x128xi32, #tpu.memory_space<hbm>>
    %dma_wait3A_702 = arith.constant 0 : i32
    %dma_wait3A_703 = arith.constant 0 : i32
    %dma_wait3A_704 = tpu.memref_slice %arg5[%dma_wait3A_693, %dma_wait3A_702, %dma_wait3A_703] : memref<20x26x128xi32, #tpu.memory_space<vmem>> -> memref<1x26x128xi32, #tpu.memory_space<vmem>>
    %dma_wait3A_705 = tpu.memref_squeeze %dma_wait3A_704 : memref<1x26x128xi32, #tpu.memory_space<vmem>> -> memref<26x128xi32, #tpu.memory_space<vmem>>
    %dma_wait3A_706 = arith.constant 0 : i32
    %dma_wait3A_707 = arith.constant 0 : i32
    %dma_wait3A_708 = tpu.memref_slice %arg2[%dma_wait3A_692, %add3A, %dma_wait3A_706, %dma_wait3A_707] : memref<20x32x26x128xi32, #tpu.memory_space<hbm>> -> memref<1x1x26x128xi32, #tpu.memory_space<hbm>>
    %dma_wait3A_709 = tpu.memref_squeeze %dma_wait3A_708 : memref<1x1x26x128xi32, #tpu.memory_space<hbm>> -> memref<26x128xi32, #tpu.memory_space<hbm>>
    tpu.wait_dma2 semaphore(%arg8 : memref<!tpu.dma_semaphore, #tpu.memory_space<semaphore_mem>>) src(%dma_wait3A_709 : memref<26x128xi32, #tpu.memory_space<hbm>>) dst(%dma_wait3A_705 : memref<26x128xi32, #tpu.memory_space<vmem>>)
    %dma_wait3A_710 = arith.constant 19 : i32
    %dma_wait3A_711 = arith.constant 19 : i32
    %dma_wait3A_712 = arith.constant 0 : i32
    %dma_wait3A_713 = arith.constant 0 : i32
    %dma_wait3A_714 = tpu.memref_slice %arg5[%dma_wait3A_711, %dma_wait3A_712, %dma_wait3A_713] : memref<20x26x128xi32, #tpu.memory_space<vmem>> -> memref<1x26x128xi32, #tpu.memory_space<vmem>>
    %dma_wait3A_715 = tpu.memref_squeeze %dma_wait3A_714 : memref<1x26x128xi32, #tpu.memory_space<vmem>> -> memref<26x128xi32, #tpu.memory_space<vmem>>
    %dma_wait3A_716 = arith.constant 0 : i32
    %dma_wait3A_717 = arith.constant 0 : i32
    %dma_wait3A_718 = tpu.memref_slice %arg2[%dma_wait3A_710, %add3A, %dma_wait3A_716, %dma_wait3A_717] : memref<20x32x26x128xi32, #tpu.memory_space<hbm>> -> memref<1x1x26x128xi32, #tpu.memory_space<hbm>>
    %dma_wait3A_719 = tpu.memref_squeeze %dma_wait3A_718 : memref<1x1x26x128xi32, #tpu.memory_space<hbm>> -> memref<26x128xi32, #tpu.memory_space<hbm>>
    %dma_wait3A_720 = arith.constant 0 : i32
    %dma_wait3A_721 = arith.constant 0 : i32
    %dma_wait3A_722 = tpu.memref_slice %arg5[%dma_wait3A_711, %dma_wait3A_720, %dma_wait3A_721] : memref<20x26x128xi32, #tpu.memory_space<vmem>> -> memref<1x26x128xi32, #tpu.memory_space<vmem>>
    %dma_wait3A_723 = tpu.memref_squeeze %dma_wait3A_722 : memref<1x26x128xi32, #tpu.memory_space<vmem>> -> memref<26x128xi32, #tpu.memory_space<vmem>>
    %dma_wait3A_724 = arith.constant 0 : i32
    %dma_wait3A_725 = arith.constant 0 : i32
    %dma_wait3A_726 = tpu.memref_slice %arg2[%dma_wait3A_710, %add3A, %dma_wait3A_724, %dma_wait3A_725] : memref<20x32x26x128xi32, #tpu.memory_space<hbm>> -> memref<1x1x26x128xi32, #tpu.memory_space<hbm>>
    %dma_wait3A_727 = tpu.memref_squeeze %dma_wait3A_726 : memref<1x1x26x128xi32, #tpu.memory_space<hbm>> -> memref<26x128xi32, #tpu.memory_space<hbm>>
    tpu.wait_dma2 semaphore(%arg8 : memref<!tpu.dma_semaphore, #tpu.memory_space<semaphore_mem>>) src(%dma_wait3A_727 : memref<26x128xi32, #tpu.memory_space<hbm>>) dst(%dma_wait3A_723 : memref<26x128xi32, #tpu.memory_space<vmem>>)
    %scan3A_728 = arith.constant 0 : i32
    %scan3A_729 = arith.constant 0 : i32
    %scan3A_730 = arith.constant 27 : i32
    %scan3A_731 = arith.addi %scan3A_729, %scan3A_730 : i32
    %scan3A_732 = arith.constant 1 : i32
    %scan3A_733 = scf.for %scan3A_771 = %scan3A_729 to %scan3A_731 step %scan3A_732 iter_args(%scan3A_772 = %scan3A_728) -> (i32)  : i32 {
      %rem3A = arith.constant 2 : i32
      %rem3A_773 = arith.remsi %scan3A_771, %rem3A : i32
      %sub3A = arith.constant 1 : i32
      %sub3A_774 = arith.subi %sub3A, %rem3A_773 : i32
      %lt3A = arith.constant 26 : i32
      %lt3A_775 = arith.cmpi slt, %scan3A_771, %lt3A : i32
      %convert_element_type3A = arith.extui %lt3A_775 : i1 to i32
      %cond3A = arith.constant 0 : i32
      %cond3A_776 = arith.cmpi ne, %convert_element_type3A, %cond3A : i32
      scf.if %cond3A_776 {
        %dma_start3A_782 = arith.constant 0 : i32
        %dma_start3A_783 = arith.constant 0 : i32
        %dma_start3A_784 = arith.constant 0 : i32
        %dma_start3A_785 = tpu.memref_slice %arg6[%rem3A_773, %dma_start3A_783, %dma_start3A_784] : memref<2x128x64xf32, #tpu.memory_space<vmem>> -> memref<1x128x64xf32, #tpu.memory_space<vmem>>
        %dma_start3A_786 = tpu.memref_squeeze %dma_start3A_785 : memref<1x128x64xf32, #tpu.memory_space<vmem>> -> memref<128x64xf32, #tpu.memory_space<vmem>>
        %dma_start3A_787 = arith.constant 0 : i32
        %dma_start3A_788 = tpu.memref_slice %arg5[%dma_start3A_782, %scan3A_771, %dma_start3A_787] : memref<20x26x128xi32, #tpu.memory_space<vmem>> -> memref<1x1x128xi32, #tpu.memory_space<vmem>>
        %dma_start3A_789 = tpu.memref_squeeze %dma_start3A_788 : memref<1x1x128xi32, #tpu.memory_space<vmem>> -> memref<128xi32, #tpu.memory_space<vmem>>
        %dma_start3A_790 = arith.constant 0 : i32
        %dma_start3A_791 = arith.constant 0 : i32
        %dma_start3A_792 = tpu.memref_slice %arg3[%dma_start3A_790, %dma_start3A_791] : memref<1000000x64xf32, #tpu.memory_space<hbm>> -> memref<1000000x64xf32, #tpu.memory_space<hbm>>
        %dma_start3A_793 = tpu.memref_slice %arg9[%rem3A_773] : memref<2x!tpu.dma_semaphore, #tpu.memory_space<semaphore_mem>> -> memref<1x!tpu.dma_semaphore, #tpu.memory_space<semaphore_mem>>
        %dma_start3A_794 = tpu.memref_squeeze %dma_start3A_793 : memref<1x!tpu.dma_semaphore, #tpu.memory_space<semaphore_mem>> -> memref<!tpu.dma_semaphore, #tpu.memory_space<semaphore_mem>>
        tpu.enqueue_indirect_dma source(%dma_start3A_792 : memref<1000000x64xf32, #tpu.memory_space<hbm>>) target(%dma_start3A_786 : memref<128x64xf32, #tpu.memory_space<vmem>>) offsets(%dma_start3A_789 : memref<128xi32, #tpu.memory_space<vmem>>) semaphore(%dma_start3A_794 : memref<!tpu.dma_semaphore, #tpu.memory_space<semaphore_mem>>) {add = true}
        %dma_start3A_795 = arith.constant 1 : i32
        %dma_start3A_796 = arith.constant 0 : i32
        %dma_start3A_797 = arith.constant 0 : i32
        %dma_start3A_798 = tpu.memref_slice %arg6[%rem3A_773, %dma_start3A_796, %dma_start3A_797] : memref<2x128x64xf32, #tpu.memory_space<vmem>> -> memref<1x128x64xf32, #tpu.memory_space<vmem>>
        %dma_start3A_799 = tpu.memref_squeeze %dma_start3A_798 : memref<1x128x64xf32, #tpu.memory_space<vmem>> -> memref<128x64xf32, #tpu.memory_space<vmem>>
        %dma_start3A_800 = arith.constant 0 : i32
        %dma_start3A_801 = tpu.memref_slice %arg5[%dma_start3A_795, %scan3A_771, %dma_start3A_800] : memref<20x26x128xi32, #tpu.memory_space<vmem>> -> memref<1x1x128xi32, #tpu.memory_space<vmem>>
        %dma_start3A_802 = tpu.memref_squeeze %dma_start3A_801 : memref<1x1x128xi32, #tpu.memory_space<vmem>> -> memref<128xi32, #tpu.memory_space<vmem>>
        %dma_start3A_803 = arith.constant 0 : i32
        %dma_start3A_804 = arith.constant 0 : i32
        %dma_start3A_805 = tpu.memref_slice %arg3[%dma_start3A_803, %dma_start3A_804] : memref<1000000x64xf32, #tpu.memory_space<hbm>> -> memref<1000000x64xf32, #tpu.memory_space<hbm>>
        %dma_start3A_806 = tpu.memref_slice %arg9[%rem3A_773] : memref<2x!tpu.dma_semaphore, #tpu.memory_space<semaphore_mem>> -> memref<1x!tpu.dma_semaphore, #tpu.memory_space<semaphore_mem>>
        %dma_start3A_807 = tpu.memref_squeeze %dma_start3A_806 : memref<1x!tpu.dma_semaphore, #tpu.memory_space<semaphore_mem>> -> memref<!tpu.dma_semaphore, #tpu.memory_space<semaphore_mem>>
        tpu.enqueue_indirect_dma source(%dma_start3A_805 : memref<1000000x64xf32, #tpu.memory_space<hbm>>) target(%dma_start3A_799 : memref<128x64xf32, #tpu.memory_space<vmem>>) offsets(%dma_start3A_802 : memref<128xi32, #tpu.memory_space<vmem>>) semaphore(%dma_start3A_807 : memref<!tpu.dma_semaphore, #tpu.memory_space<semaphore_mem>>) {add = true}
        %dma_start3A_808 = arith.constant 2 : i32
        %dma_start3A_809 = arith.constant 0 : i32
        %dma_start3A_810 = arith.constant 0 : i32
        %dma_start3A_811 = tpu.memref_slice %arg6[%rem3A_773, %dma_start3A_809, %dma_start3A_810] : memref<2x128x64xf32, #tpu.memory_space<vmem>> -> memref<1x128x64xf32, #tpu.memory_space<vmem>>
        %dma_start3A_812 = tpu.memref_squeeze %dma_start3A_811 : memref<1x128x64xf32, #tpu.memory_space<vmem>> -> memref<128x64xf32, #tpu.memory_space<vmem>>
        %dma_start3A_813 = arith.constant 0 : i32
        %dma_start3A_814 = tpu.memref_slice %arg5[%dma_start3A_808, %scan3A_771, %dma_start3A_813] : memref<20x26x128xi32, #tpu.memory_space<vmem>> -> memref<1x1x128xi32, #tpu.memory_space<vmem>>
        %dma_start3A_815 = tpu.memref_squeeze %dma_start3A_814 : memref<1x1x128xi32, #tpu.memory_space<vmem>> -> memref<128xi32, #tpu.memory_space<vmem>>
        %dma_start3A_816 = arith.constant 0 : i32
        %dma_start3A_817 = arith.constant 0 : i32
        %dma_start3A_818 = tpu.memref_slice %arg3[%dma_start3A_816, %dma_start3A_817] : memref<1000000x64xf32, #tpu.memory_space<hbm>> -> memref<1000000x64xf32, #tpu.memory_space<hbm>>
        %dma_start3A_819 = tpu.memref_slice %arg9[%rem3A_773] : memref<2x!tpu.dma_semaphore, #tpu.memory_space<semaphore_mem>> -> memref<1x!tpu.dma_semaphore, #tpu.memory_space<semaphore_mem>>
        %dma_start3A_820 = tpu.memref_squeeze %dma_start3A_819 : memref<1x!tpu.dma_semaphore, #tpu.memory_space<semaphore_mem>> -> memref<!tpu.dma_semaphore, #tpu.memory_space<semaphore_mem>>
        tpu.enqueue_indirect_dma source(%dma_start3A_818 : memref<1000000x64xf32, #tpu.memory_space<hbm>>) target(%dma_start3A_812 : memref<128x64xf32, #tpu.memory_space<vmem>>) offsets(%dma_start3A_815 : memref<128xi32, #tpu.memory_space<vmem>>) semaphore(%dma_start3A_820 : memref<!tpu.dma_semaphore, #tpu.memory_space<semaphore_mem>>) {add = true}
        %dma_start3A_821 = arith.constant 3 : i32
        %dma_start3A_822 = arith.constant 0 : i32
        %dma_start3A_823 = arith.constant 0 : i32
        %dma_start3A_824 = tpu.memref_slice %arg6[%rem3A_773, %dma_start3A_822, %dma_start3A_823] : memref<2x128x64xf32, #tpu.memory_space<vmem>> -> memref<1x128x64xf32, #tpu.memory_space<vmem>>
        %dma_start3A_825 = tpu.memref_squeeze %dma_start3A_824 : memref<1x128x64xf32, #tpu.memory_space<vmem>> -> memref<128x64xf32, #tpu.memory_space<vmem>>
        %dma_start3A_826 = arith.constant 0 : i32
        %dma_start3A_827 = tpu.memref_slice %arg5[%dma_start3A_821, %scan3A_771, %dma_start3A_826] : memref<20x26x128xi32, #tpu.memory_space<vmem>> -> memref<1x1x128xi32, #tpu.memory_space<vmem>>
        %dma_start3A_828 = tpu.memref_squeeze %dma_start3A_827 : memref<1x1x128xi32, #tpu.memory_space<vmem>> -> memref<128xi32, #tpu.memory_space<vmem>>
        %dma_start3A_829 = arith.constant 0 : i32
        %dma_start3A_830 = arith.constant 0 : i32
        %dma_start3A_831 = tpu.memref_slice %arg3[%dma_start3A_829, %dma_start3A_830] : memref<1000000x64xf32, #tpu.memory_space<hbm>> -> memref<1000000x64xf32, #tpu.memory_space<hbm>>
        %dma_start3A_832 = tpu.memref_slice %arg9[%rem3A_773] : memref<2x!tpu.dma_semaphore, #tpu.memory_space<semaphore_mem>> -> memref<1x!tpu.dma_semaphore, #tpu.memory_space<semaphore_mem>>
        %dma_start3A_833 = tpu.memref_squeeze %dma_start3A_832 : memref<1x!tpu.dma_semaphore, #tpu.memory_space<semaphore_mem>> -> memref<!tpu.dma_semaphore, #tpu.memory_space<semaphore_mem>>
        tpu.enqueue_indirect_dma source(%dma_start3A_831 : memref<1000000x64xf32, #tpu.memory_space<hbm>>) target(%dma_start3A_825 : memref<128x64xf32, #tpu.memory_space<vmem>>) offsets(%dma_start3A_828 : memref<128xi32, #tpu.memory_space<vmem>>) semaphore(%dma_start3A_833 : memref<!tpu.dma_semaphore, #tpu.memory_space<semaphore_mem>>) {add = true}
        %dma_start3A_834 = arith.constant 4 : i32
        %dma_start3A_835 = arith.constant 0 : i32
        %dma_start3A_836 = arith.constant 0 : i32
        %dma_start3A_837 = tpu.memref_slice %arg6[%rem3A_773, %dma_start3A_835, %dma_start3A_836] : memref<2x128x64xf32, #tpu.memory_space<vmem>> -> memref<1x128x64xf32, #tpu.memory_space<vmem>>
        %dma_start3A_838 = tpu.memref_squeeze %dma_start3A_837 : memref<1x128x64xf32, #tpu.memory_space<vmem>> -> memref<128x64xf32, #tpu.memory_space<vmem>>
        %dma_start3A_839 = arith.constant 0 : i32
        %dma_start3A_840 = tpu.memref_slice %arg5[%dma_start3A_834, %scan3A_771, %dma_start3A_839] : memref<20x26x128xi32, #tpu.memory_space<vmem>> -> memref<1x1x128xi32, #tpu.memory_space<vmem>>
        %dma_start3A_841 = tpu.memref_squeeze %dma_start3A_840 : memref<1x1x128xi32, #tpu.memory_space<vmem>> -> memref<128xi32, #tpu.memory_space<vmem>>
        %dma_start3A_842 = arith.constant 0 : i32
        %dma_start3A_843 = arith.constant 0 : i32
        %dma_start3A_844 = tpu.memref_slice %arg3[%dma_start3A_842, %dma_start3A_843] : memref<1000000x64xf32, #tpu.memory_space<hbm>> -> memref<1000000x64xf32, #tpu.memory_space<hbm>>
        %dma_start3A_845 = tpu.memref_slice %arg9[%rem3A_773] : memref<2x!tpu.dma_semaphore, #tpu.memory_space<semaphore_mem>> -> memref<1x!tpu.dma_semaphore, #tpu.memory_space<semaphore_mem>>
        %dma_start3A_846 = tpu.memref_squeeze %dma_start3A_845 : memref<1x!tpu.dma_semaphore, #tpu.memory_space<semaphore_mem>> -> memref<!tpu.dma_semaphore, #tpu.memory_space<semaphore_mem>>
        tpu.enqueue_indirect_dma source(%dma_start3A_844 : memref<1000000x64xf32, #tpu.memory_space<hbm>>) target(%dma_start3A_838 : memref<128x64xf32, #tpu.memory_space<vmem>>) offsets(%dma_start3A_841 : memref<128xi32, #tpu.memory_space<vmem>>) semaphore(%dma_start3A_846 : memref<!tpu.dma_semaphore, #tpu.memory_space<semaphore_mem>>) {add = true}
        %dma_start3A_847 = arith.constant 5 : i32
        %dma_start3A_848 = arith.constant 0 : i32
        %dma_start3A_849 = arith.constant 0 : i32
        %dma_start3A_850 = tpu.memref_slice %arg6[%rem3A_773, %dma_start3A_848, %dma_start3A_849] : memref<2x128x64xf32, #tpu.memory_space<vmem>> -> memref<1x128x64xf32, #tpu.memory_space<vmem>>
        %dma_start3A_851 = tpu.memref_squeeze %dma_start3A_850 : memref<1x128x64xf32, #tpu.memory_space<vmem>> -> memref<128x64xf32, #tpu.memory_space<vmem>>
        %dma_start3A_852 = arith.constant 0 : i32
        %dma_start3A_853 = tpu.memref_slice %arg5[%dma_start3A_847, %scan3A_771, %dma_start3A_852] : memref<20x26x128xi32, #tpu.memory_space<vmem>> -> memref<1x1x128xi32, #tpu.memory_space<vmem>>
        %dma_start3A_854 = tpu.memref_squeeze %dma_start3A_853 : memref<1x1x128xi32, #tpu.memory_space<vmem>> -> memref<128xi32, #tpu.memory_space<vmem>>
        %dma_start3A_855 = arith.constant 0 : i32
        %dma_start3A_856 = arith.constant 0 : i32
        %dma_start3A_857 = tpu.memref_slice %arg3[%dma_start3A_855, %dma_start3A_856] : memref<1000000x64xf32, #tpu.memory_space<hbm>> -> memref<1000000x64xf32, #tpu.memory_space<hbm>>
        %dma_start3A_858 = tpu.memref_slice %arg9[%rem3A_773] : memref<2x!tpu.dma_semaphore, #tpu.memory_space<semaphore_mem>> -> memref<1x!tpu.dma_semaphore, #tpu.memory_space<semaphore_mem>>
        %dma_start3A_859 = tpu.memref_squeeze %dma_start3A_858 : memref<1x!tpu.dma_semaphore, #tpu.memory_space<semaphore_mem>> -> memref<!tpu.dma_semaphore, #tpu.memory_space<semaphore_mem>>
        tpu.enqueue_indirect_dma source(%dma_start3A_857 : memref<1000000x64xf32, #tpu.memory_space<hbm>>) target(%dma_start3A_851 : memref<128x64xf32, #tpu.memory_space<vmem>>) offsets(%dma_start3A_854 : memref<128xi32, #tpu.memory_space<vmem>>) semaphore(%dma_start3A_859 : memref<!tpu.dma_semaphore, #tpu.memory_space<semaphore_mem>>) {add = true}
        %dma_start3A_860 = arith.constant 6 : i32
        %dma_start3A_861 = arith.constant 0 : i32
        %dma_start3A_862 = arith.constant 0 : i32
        %dma_start3A_863 = tpu.memref_slice %arg6[%rem3A_773, %dma_start3A_861, %dma_start3A_862] : memref<2x128x64xf32, #tpu.memory_space<vmem>> -> memref<1x128x64xf32, #tpu.memory_space<vmem>>
        %dma_start3A_864 = tpu.memref_squeeze %dma_start3A_863 : memref<1x128x64xf32, #tpu.memory_space<vmem>> -> memref<128x64xf32, #tpu.memory_space<vmem>>
        %dma_start3A_865 = arith.constant 0 : i32
        %dma_start3A_866 = tpu.memref_slice %arg5[%dma_start3A_860, %scan3A_771, %dma_start3A_865] : memref<20x26x128xi32, #tpu.memory_space<vmem>> -> memref<1x1x128xi32, #tpu.memory_space<vmem>>
        %dma_start3A_867 = tpu.memref_squeeze %dma_start3A_866 : memref<1x1x128xi32, #tpu.memory_space<vmem>> -> memref<128xi32, #tpu.memory_space<vmem>>
        %dma_start3A_868 = arith.constant 0 : i32
        %dma_start3A_869 = arith.constant 0 : i32
        %dma_start3A_870 = tpu.memref_slice %arg3[%dma_start3A_868, %dma_start3A_869] : memref<1000000x64xf32, #tpu.memory_space<hbm>> -> memref<1000000x64xf32, #tpu.memory_space<hbm>>
        %dma_start3A_871 = tpu.memref_slice %arg9[%rem3A_773] : memref<2x!tpu.dma_semaphore, #tpu.memory_space<semaphore_mem>> -> memref<1x!tpu.dma_semaphore, #tpu.memory_space<semaphore_mem>>
        %dma_start3A_872 = tpu.memref_squeeze %dma_start3A_871 : memref<1x!tpu.dma_semaphore, #tpu.memory_space<semaphore_mem>> -> memref<!tpu.dma_semaphore, #tpu.memory_space<semaphore_mem>>
        tpu.enqueue_indirect_dma source(%dma_start3A_870 : memref<1000000x64xf32, #tpu.memory_space<hbm>>) target(%dma_start3A_864 : memref<128x64xf32, #tpu.memory_space<vmem>>) offsets(%dma_start3A_867 : memref<128xi32, #tpu.memory_space<vmem>>) semaphore(%dma_start3A_872 : memref<!tpu.dma_semaphore, #tpu.memory_space<semaphore_mem>>) {add = true}
        %dma_start3A_873 = arith.constant 7 : i32
        %dma_start3A_874 = arith.constant 0 : i32
        %dma_start3A_875 = arith.constant 0 : i32
        %dma_start3A_876 = tpu.memref_slice %arg6[%rem3A_773, %dma_start3A_874, %dma_start3A_875] : memref<2x128x64xf32, #tpu.memory_space<vmem>> -> memref<1x128x64xf32, #tpu.memory_space<vmem>>
        %dma_start3A_877 = tpu.memref_squeeze %dma_start3A_876 : memref<1x128x64xf32, #tpu.memory_space<vmem>> -> memref<128x64xf32, #tpu.memory_space<vmem>>
        %dma_start3A_878 = arith.constant 0 : i32
        %dma_start3A_879 = tpu.memref_slice %arg5[%dma_start3A_873, %scan3A_771, %dma_start3A_878] : memref<20x26x128xi32, #tpu.memory_space<vmem>> -> memref<1x1x128xi32, #tpu.memory_space<vmem>>
        %dma_start3A_880 = tpu.memref_squeeze %dma_start3A_879 : memref<1x1x128xi32, #tpu.memory_space<vmem>> -> memref<128xi32, #tpu.memory_space<vmem>>
        %dma_start3A_881 = arith.constant 0 : i32
        %dma_start3A_882 = arith.constant 0 : i32
        %dma_start3A_883 = tpu.memref_slice %arg3[%dma_start3A_881, %dma_start3A_882] : memref<1000000x64xf32, #tpu.memory_space<hbm>> -> memref<1000000x64xf32, #tpu.memory_space<hbm>>
        %dma_start3A_884 = tpu.memref_slice %arg9[%rem3A_773] : memref<2x!tpu.dma_semaphore, #tpu.memory_space<semaphore_mem>> -> memref<1x!tpu.dma_semaphore, #tpu.memory_space<semaphore_mem>>
        %dma_start3A_885 = tpu.memref_squeeze %dma_start3A_884 : memref<1x!tpu.dma_semaphore, #tpu.memory_space<semaphore_mem>> -> memref<!tpu.dma_semaphore, #tpu.memory_space<semaphore_mem>>
        tpu.enqueue_indirect_dma source(%dma_start3A_883 : memref<1000000x64xf32, #tpu.memory_space<hbm>>) target(%dma_start3A_877 : memref<128x64xf32, #tpu.memory_space<vmem>>) offsets(%dma_start3A_880 : memref<128xi32, #tpu.memory_space<vmem>>) semaphore(%dma_start3A_885 : memref<!tpu.dma_semaphore, #tpu.memory_space<semaphore_mem>>) {add = true}
        %dma_start3A_886 = arith.constant 8 : i32
        %dma_start3A_887 = arith.constant 0 : i32
        %dma_start3A_888 = arith.constant 0 : i32
        %dma_start3A_889 = tpu.memref_slice %arg6[%rem3A_773, %dma_start3A_887, %dma_start3A_888] : memref<2x128x64xf32, #tpu.memory_space<vmem>> -> memref<1x128x64xf32, #tpu.memory_space<vmem>>
        %dma_start3A_890 = tpu.memref_squeeze %dma_start3A_889 : memref<1x128x64xf32, #tpu.memory_space<vmem>> -> memref<128x64xf32, #tpu.memory_space<vmem>>
        %dma_start3A_891 = arith.constant 0 : i32
        %dma_start3A_892 = tpu.memref_slice %arg5[%dma_start3A_886, %scan3A_771, %dma_start3A_891] : memref<20x26x128xi32, #tpu.memory_space<vmem>> -> memref<1x1x128xi32, #tpu.memory_space<vmem>>
        %dma_start3A_893 = tpu.memref_squeeze %dma_start3A_892 : memref<1x1x128xi32, #tpu.memory_space<vmem>> -> memref<128xi32, #tpu.memory_space<vmem>>
        %dma_start3A_894 = arith.constant 0 : i32
        %dma_start3A_895 = arith.constant 0 : i32
        %dma_start3A_896 = tpu.memref_slice %arg3[%dma_start3A_894, %dma_start3A_895] : memref<1000000x64xf32, #tpu.memory_space<hbm>> -> memref<1000000x64xf32, #tpu.memory_space<hbm>>
        %dma_start3A_897 = tpu.memref_slice %arg9[%rem3A_773] : memref<2x!tpu.dma_semaphore, #tpu.memory_space<semaphore_mem>> -> memref<1x!tpu.dma_semaphore, #tpu.memory_space<semaphore_mem>>
        %dma_start3A_898 = tpu.memref_squeeze %dma_start3A_897 : memref<1x!tpu.dma_semaphore, #tpu.memory_space<semaphore_mem>> -> memref<!tpu.dma_semaphore, #tpu.memory_space<semaphore_mem>>
        tpu.enqueue_indirect_dma source(%dma_start3A_896 : memref<1000000x64xf32, #tpu.memory_space<hbm>>) target(%dma_start3A_890 : memref<128x64xf32, #tpu.memory_space<vmem>>) offsets(%dma_start3A_893 : memref<128xi32, #tpu.memory_space<vmem>>) semaphore(%dma_start3A_898 : memref<!tpu.dma_semaphore, #tpu.memory_space<semaphore_mem>>) {add = true}
        %dma_start3A_899 = arith.constant 9 : i32
        %dma_start3A_900 = arith.constant 0 : i32
        %dma_start3A_901 = arith.constant 0 : i32
        %dma_start3A_902 = tpu.memref_slice %arg6[%rem3A_773, %dma_start3A_900, %dma_start3A_901] : memref<2x128x64xf32, #tpu.memory_space<vmem>> -> memref<1x128x64xf32, #tpu.memory_space<vmem>>
        %dma_start3A_903 = tpu.memref_squeeze %dma_start3A_902 : memref<1x128x64xf32, #tpu.memory_space<vmem>> -> memref<128x64xf32, #tpu.memory_space<vmem>>
        %dma_start3A_904 = arith.constant 0 : i32
        %dma_start3A_905 = tpu.memref_slice %arg5[%dma_start3A_899, %scan3A_771, %dma_start3A_904] : memref<20x26x128xi32, #tpu.memory_space<vmem>> -> memref<1x1x128xi32, #tpu.memory_space<vmem>>
        %dma_start3A_906 = tpu.memref_squeeze %dma_start3A_905 : memref<1x1x128xi32, #tpu.memory_space<vmem>> -> memref<128xi32, #tpu.memory_space<vmem>>
        %dma_start3A_907 = arith.constant 0 : i32
        %dma_start3A_908 = arith.constant 0 : i32
        %dma_start3A_909 = tpu.memref_slice %arg3[%dma_start3A_907, %dma_start3A_908] : memref<1000000x64xf32, #tpu.memory_space<hbm>> -> memref<1000000x64xf32, #tpu.memory_space<hbm>>
        %dma_start3A_910 = tpu.memref_slice %arg9[%rem3A_773] : memref<2x!tpu.dma_semaphore, #tpu.memory_space<semaphore_mem>> -> memref<1x!tpu.dma_semaphore, #tpu.memory_space<semaphore_mem>>
        %dma_start3A_911 = tpu.memref_squeeze %dma_start3A_910 : memref<1x!tpu.dma_semaphore, #tpu.memory_space<semaphore_mem>> -> memref<!tpu.dma_semaphore, #tpu.memory_space<semaphore_mem>>
        tpu.enqueue_indirect_dma source(%dma_start3A_909 : memref<1000000x64xf32, #tpu.memory_space<hbm>>) target(%dma_start3A_903 : memref<128x64xf32, #tpu.memory_space<vmem>>) offsets(%dma_start3A_906 : memref<128xi32, #tpu.memory_space<vmem>>) semaphore(%dma_start3A_911 : memref<!tpu.dma_semaphore, #tpu.memory_space<semaphore_mem>>) {add = true}
        %dma_start3A_912 = arith.constant 10 : i32
        %dma_start3A_913 = arith.constant 0 : i32
        %dma_start3A_914 = arith.constant 0 : i32
        %dma_start3A_915 = tpu.memref_slice %arg6[%rem3A_773, %dma_start3A_913, %dma_start3A_914] : memref<2x128x64xf32, #tpu.memory_space<vmem>> -> memref<1x128x64xf32, #tpu.memory_space<vmem>>
        %dma_start3A_916 = tpu.memref_squeeze %dma_start3A_915 : memref<1x128x64xf32, #tpu.memory_space<vmem>> -> memref<128x64xf32, #tpu.memory_space<vmem>>
        %dma_start3A_917 = arith.constant 0 : i32
        %dma_start3A_918 = tpu.memref_slice %arg5[%dma_start3A_912, %scan3A_771, %dma_start3A_917] : memref<20x26x128xi32, #tpu.memory_space<vmem>> -> memref<1x1x128xi32, #tpu.memory_space<vmem>>
        %dma_start3A_919 = tpu.memref_squeeze %dma_start3A_918 : memref<1x1x128xi32, #tpu.memory_space<vmem>> -> memref<128xi32, #tpu.memory_space<vmem>>
        %dma_start3A_920 = arith.constant 0 : i32
        %dma_start3A_921 = arith.constant 0 : i32
        %dma_start3A_922 = tpu.memref_slice %arg3[%dma_start3A_920, %dma_start3A_921] : memref<1000000x64xf32, #tpu.memory_space<hbm>> -> memref<1000000x64xf32, #tpu.memory_space<hbm>>
        %dma_start3A_923 = tpu.memref_slice %arg9[%rem3A_773] : memref<2x!tpu.dma_semaphore, #tpu.memory_space<semaphore_mem>> -> memref<1x!tpu.dma_semaphore, #tpu.memory_space<semaphore_mem>>
        %dma_start3A_924 = tpu.memref_squeeze %dma_start3A_923 : memref<1x!tpu.dma_semaphore, #tpu.memory_space<semaphore_mem>> -> memref<!tpu.dma_semaphore, #tpu.memory_space<semaphore_mem>>
        tpu.enqueue_indirect_dma source(%dma_start3A_922 : memref<1000000x64xf32, #tpu.memory_space<hbm>>) target(%dma_start3A_916 : memref<128x64xf32, #tpu.memory_space<vmem>>) offsets(%dma_start3A_919 : memref<128xi32, #tpu.memory_space<vmem>>) semaphore(%dma_start3A_924 : memref<!tpu.dma_semaphore, #tpu.memory_space<semaphore_mem>>) {add = true}
        %dma_start3A_925 = arith.constant 11 : i32
        %dma_start3A_926 = arith.constant 0 : i32
        %dma_start3A_927 = arith.constant 0 : i32
        %dma_start3A_928 = tpu.memref_slice %arg6[%rem3A_773, %dma_start3A_926, %dma_start3A_927] : memref<2x128x64xf32, #tpu.memory_space<vmem>> -> memref<1x128x64xf32, #tpu.memory_space<vmem>>
        %dma_start3A_929 = tpu.memref_squeeze %dma_start3A_928 : memref<1x128x64xf32, #tpu.memory_space<vmem>> -> memref<128x64xf32, #tpu.memory_space<vmem>>
        %dma_start3A_930 = arith.constant 0 : i32
        %dma_start3A_931 = tpu.memref_slice %arg5[%dma_start3A_925, %scan3A_771, %dma_start3A_930] : memref<20x26x128xi32, #tpu.memory_space<vmem>> -> memref<1x1x128xi32, #tpu.memory_space<vmem>>
        %dma_start3A_932 = tpu.memref_squeeze %dma_start3A_931 : memref<1x1x128xi32, #tpu.memory_space<vmem>> -> memref<128xi32, #tpu.memory_space<vmem>>
        %dma_start3A_933 = arith.constant 0 : i32
        %dma_start3A_934 = arith.constant 0 : i32
        %dma_start3A_935 = tpu.memref_slice %arg3[%dma_start3A_933, %dma_start3A_934] : memref<1000000x64xf32, #tpu.memory_space<hbm>> -> memref<1000000x64xf32, #tpu.memory_space<hbm>>
        %dma_start3A_936 = tpu.memref_slice %arg9[%rem3A_773] : memref<2x!tpu.dma_semaphore, #tpu.memory_space<semaphore_mem>> -> memref<1x!tpu.dma_semaphore, #tpu.memory_space<semaphore_mem>>
        %dma_start3A_937 = tpu.memref_squeeze %dma_start3A_936 : memref<1x!tpu.dma_semaphore, #tpu.memory_space<semaphore_mem>> -> memref<!tpu.dma_semaphore, #tpu.memory_space<semaphore_mem>>
        tpu.enqueue_indirect_dma source(%dma_start3A_935 : memref<1000000x64xf32, #tpu.memory_space<hbm>>) target(%dma_start3A_929 : memref<128x64xf32, #tpu.memory_space<vmem>>) offsets(%dma_start3A_932 : memref<128xi32, #tpu.memory_space<vmem>>) semaphore(%dma_start3A_937 : memref<!tpu.dma_semaphore, #tpu.memory_space<semaphore_mem>>) {add = true}
        %dma_start3A_938 = arith.constant 12 : i32
        %dma_start3A_939 = arith.constant 0 : i32
        %dma_start3A_940 = arith.constant 0 : i32
        %dma_start3A_941 = tpu.memref_slice %arg6[%rem3A_773, %dma_start3A_939, %dma_start3A_940] : memref<2x128x64xf32, #tpu.memory_space<vmem>> -> memref<1x128x64xf32, #tpu.memory_space<vmem>>
        %dma_start3A_942 = tpu.memref_squeeze %dma_start3A_941 : memref<1x128x64xf32, #tpu.memory_space<vmem>> -> memref<128x64xf32, #tpu.memory_space<vmem>>
        %dma_start3A_943 = arith.constant 0 : i32
        %dma_start3A_944 = tpu.memref_slice %arg5[%dma_start3A_938, %scan3A_771, %dma_start3A_943] : memref<20x26x128xi32, #tpu.memory_space<vmem>> -> memref<1x1x128xi32, #tpu.memory_space<vmem>>
        %dma_start3A_945 = tpu.memref_squeeze %dma_start3A_944 : memref<1x1x128xi32, #tpu.memory_space<vmem>> -> memref<128xi32, #tpu.memory_space<vmem>>
        %dma_start3A_946 = arith.constant 0 : i32
        %dma_start3A_947 = arith.constant 0 : i32
        %dma_start3A_948 = tpu.memref_slice %arg3[%dma_start3A_946, %dma_start3A_947] : memref<1000000x64xf32, #tpu.memory_space<hbm>> -> memref<1000000x64xf32, #tpu.memory_space<hbm>>
        %dma_start3A_949 = tpu.memref_slice %arg9[%rem3A_773] : memref<2x!tpu.dma_semaphore, #tpu.memory_space<semaphore_mem>> -> memref<1x!tpu.dma_semaphore, #tpu.memory_space<semaphore_mem>>
        %dma_start3A_950 = tpu.memref_squeeze %dma_start3A_949 : memref<1x!tpu.dma_semaphore, #tpu.memory_space<semaphore_mem>> -> memref<!tpu.dma_semaphore, #tpu.memory_space<semaphore_mem>>
        tpu.enqueue_indirect_dma source(%dma_start3A_948 : memref<1000000x64xf32, #tpu.memory_space<hbm>>) target(%dma_start3A_942 : memref<128x64xf32, #tpu.memory_space<vmem>>) offsets(%dma_start3A_945 : memref<128xi32, #tpu.memory_space<vmem>>) semaphore(%dma_start3A_950 : memref<!tpu.dma_semaphore, #tpu.memory_space<semaphore_mem>>) {add = true}
        %dma_start3A_951 = arith.constant 13 : i32
        %dma_start3A_952 = arith.constant 0 : i32
        %dma_start3A_953 = arith.constant 0 : i32
        %dma_start3A_954 = tpu.memref_slice %arg6[%rem3A_773, %dma_start3A_952, %dma_start3A_953] : memref<2x128x64xf32, #tpu.memory_space<vmem>> -> memref<1x128x64xf32, #tpu.memory_space<vmem>>
        %dma_start3A_955 = tpu.memref_squeeze %dma_start3A_954 : memref<1x128x64xf32, #tpu.memory_space<vmem>> -> memref<128x64xf32, #tpu.memory_space<vmem>>
        %dma_start3A_956 = arith.constant 0 : i32
        %dma_start3A_957 = tpu.memref_slice %arg5[%dma_start3A_951, %scan3A_771, %dma_start3A_956] : memref<20x26x128xi32, #tpu.memory_space<vmem>> -> memref<1x1x128xi32, #tpu.memory_space<vmem>>
        %dma_start3A_958 = tpu.memref_squeeze %dma_start3A_957 : memref<1x1x128xi32, #tpu.memory_space<vmem>> -> memref<128xi32, #tpu.memory_space<vmem>>
        %dma_start3A_959 = arith.constant 0 : i32
        %dma_start3A_960 = arith.constant 0 : i32
        %dma_start3A_961 = tpu.memref_slice %arg3[%dma_start3A_959, %dma_start3A_960] : memref<1000000x64xf32, #tpu.memory_space<hbm>> -> memref<1000000x64xf32, #tpu.memory_space<hbm>>
        %dma_start3A_962 = tpu.memref_slice %arg9[%rem3A_773] : memref<2x!tpu.dma_semaphore, #tpu.memory_space<semaphore_mem>> -> memref<1x!tpu.dma_semaphore, #tpu.memory_space<semaphore_mem>>
        %dma_start3A_963 = tpu.memref_squeeze %dma_start3A_962 : memref<1x!tpu.dma_semaphore, #tpu.memory_space<semaphore_mem>> -> memref<!tpu.dma_semaphore, #tpu.memory_space<semaphore_mem>>
        tpu.enqueue_indirect_dma source(%dma_start3A_961 : memref<1000000x64xf32, #tpu.memory_space<hbm>>) target(%dma_start3A_955 : memref<128x64xf32, #tpu.memory_space<vmem>>) offsets(%dma_start3A_958 : memref<128xi32, #tpu.memory_space<vmem>>) semaphore(%dma_start3A_963 : memref<!tpu.dma_semaphore, #tpu.memory_space<semaphore_mem>>) {add = true}
        %dma_start3A_964 = arith.constant 14 : i32
        %dma_start3A_965 = arith.constant 0 : i32
        %dma_start3A_966 = arith.constant 0 : i32
        %dma_start3A_967 = tpu.memref_slice %arg6[%rem3A_773, %dma_start3A_965, %dma_start3A_966] : memref<2x128x64xf32, #tpu.memory_space<vmem>> -> memref<1x128x64xf32, #tpu.memory_space<vmem>>
        %dma_start3A_968 = tpu.memref_squeeze %dma_start3A_967 : memref<1x128x64xf32, #tpu.memory_space<vmem>> -> memref<128x64xf32, #tpu.memory_space<vmem>>
        %dma_start3A_969 = arith.constant 0 : i32
        %dma_start3A_970 = tpu.memref_slice %arg5[%dma_start3A_964, %scan3A_771, %dma_start3A_969] : memref<20x26x128xi32, #tpu.memory_space<vmem>> -> memref<1x1x128xi32, #tpu.memory_space<vmem>>
        %dma_start3A_971 = tpu.memref_squeeze %dma_start3A_970 : memref<1x1x128xi32, #tpu.memory_space<vmem>> -> memref<128xi32, #tpu.memory_space<vmem>>
        %dma_start3A_972 = arith.constant 0 : i32
        %dma_start3A_973 = arith.constant 0 : i32
        %dma_start3A_974 = tpu.memref_slice %arg3[%dma_start3A_972, %dma_start3A_973] : memref<1000000x64xf32, #tpu.memory_space<hbm>> -> memref<1000000x64xf32, #tpu.memory_space<hbm>>
        %dma_start3A_975 = tpu.memref_slice %arg9[%rem3A_773] : memref<2x!tpu.dma_semaphore, #tpu.memory_space<semaphore_mem>> -> memref<1x!tpu.dma_semaphore, #tpu.memory_space<semaphore_mem>>
        %dma_start3A_976 = tpu.memref_squeeze %dma_start3A_975 : memref<1x!tpu.dma_semaphore, #tpu.memory_space<semaphore_mem>> -> memref<!tpu.dma_semaphore, #tpu.memory_space<semaphore_mem>>
        tpu.enqueue_indirect_dma source(%dma_start3A_974 : memref<1000000x64xf32, #tpu.memory_space<hbm>>) target(%dma_start3A_968 : memref<128x64xf32, #tpu.memory_space<vmem>>) offsets(%dma_start3A_971 : memref<128xi32, #tpu.memory_space<vmem>>) semaphore(%dma_start3A_976 : memref<!tpu.dma_semaphore, #tpu.memory_space<semaphore_mem>>) {add = true}
        %dma_start3A_977 = arith.constant 15 : i32
        %dma_start3A_978 = arith.constant 0 : i32
        %dma_start3A_979 = arith.constant 0 : i32
        %dma_start3A_980 = tpu.memref_slice %arg6[%rem3A_773, %dma_start3A_978, %dma_start3A_979] : memref<2x128x64xf32, #tpu.memory_space<vmem>> -> memref<1x128x64xf32, #tpu.memory_space<vmem>>
        %dma_start3A_981 = tpu.memref_squeeze %dma_start3A_980 : memref<1x128x64xf32, #tpu.memory_space<vmem>> -> memref<128x64xf32, #tpu.memory_space<vmem>>
        %dma_start3A_982 = arith.constant 0 : i32
        %dma_start3A_983 = tpu.memref_slice %arg5[%dma_start3A_977, %scan3A_771, %dma_start3A_982] : memref<20x26x128xi32, #tpu.memory_space<vmem>> -> memref<1x1x128xi32, #tpu.memory_space<vmem>>
        %dma_start3A_984 = tpu.memref_squeeze %dma_start3A_983 : memref<1x1x128xi32, #tpu.memory_space<vmem>> -> memref<128xi32, #tpu.memory_space<vmem>>
        %dma_start3A_985 = arith.constant 0 : i32
        %dma_start3A_986 = arith.constant 0 : i32
        %dma_start3A_987 = tpu.memref_slice %arg3[%dma_start3A_985, %dma_start3A_986] : memref<1000000x64xf32, #tpu.memory_space<hbm>> -> memref<1000000x64xf32, #tpu.memory_space<hbm>>
        %dma_start3A_988 = tpu.memref_slice %arg9[%rem3A_773] : memref<2x!tpu.dma_semaphore, #tpu.memory_space<semaphore_mem>> -> memref<1x!tpu.dma_semaphore, #tpu.memory_space<semaphore_mem>>
        %dma_start3A_989 = tpu.memref_squeeze %dma_start3A_988 : memref<1x!tpu.dma_semaphore, #tpu.memory_space<semaphore_mem>> -> memref<!tpu.dma_semaphore, #tpu.memory_space<semaphore_mem>>
        tpu.enqueue_indirect_dma source(%dma_start3A_987 : memref<1000000x64xf32, #tpu.memory_space<hbm>>) target(%dma_start3A_981 : memref<128x64xf32, #tpu.memory_space<vmem>>) offsets(%dma_start3A_984 : memref<128xi32, #tpu.memory_space<vmem>>) semaphore(%dma_start3A_989 : memref<!tpu.dma_semaphore, #tpu.memory_space<semaphore_mem>>) {add = true}
        %dma_start3A_990 = arith.constant 16 : i32
        %dma_start3A_991 = arith.constant 0 : i32
        %dma_start3A_992 = arith.constant 0 : i32
        %dma_start3A_993 = tpu.memref_slice %arg6[%rem3A_773, %dma_start3A_991, %dma_start3A_992] : memref<2x128x64xf32, #tpu.memory_space<vmem>> -> memref<1x128x64xf32, #tpu.memory_space<vmem>>
        %dma_start3A_994 = tpu.memref_squeeze %dma_start3A_993 : memref<1x128x64xf32, #tpu.memory_space<vmem>> -> memref<128x64xf32, #tpu.memory_space<vmem>>
        %dma_start3A_995 = arith.constant 0 : i32
        %dma_start3A_996 = tpu.memref_slice %arg5[%dma_start3A_990, %scan3A_771, %dma_start3A_995] : memref<20x26x128xi32, #tpu.memory_space<vmem>> -> memref<1x1x128xi32, #tpu.memory_space<vmem>>
        %dma_start3A_997 = tpu.memref_squeeze %dma_start3A_996 : memref<1x1x128xi32, #tpu.memory_space<vmem>> -> memref<128xi32, #tpu.memory_space<vmem>>
        %dma_start3A_998 = arith.constant 0 : i32
        %dma_start3A_999 = arith.constant 0 : i32
        %dma_start3A_1000 = tpu.memref_slice %arg3[%dma_start3A_998, %dma_start3A_999] : memref<1000000x64xf32, #tpu.memory_space<hbm>> -> memref<1000000x64xf32, #tpu.memory_space<hbm>>
        %dma_start3A_1001 = tpu.memref_slice %arg9[%rem3A_773] : memref<2x!tpu.dma_semaphore, #tpu.memory_space<semaphore_mem>> -> memref<1x!tpu.dma_semaphore, #tpu.memory_space<semaphore_mem>>
        %dma_start3A_1002 = tpu.memref_squeeze %dma_start3A_1001 : memref<1x!tpu.dma_semaphore, #tpu.memory_space<semaphore_mem>> -> memref<!tpu.dma_semaphore, #tpu.memory_space<semaphore_mem>>
        tpu.enqueue_indirect_dma source(%dma_start3A_1000 : memref<1000000x64xf32, #tpu.memory_space<hbm>>) target(%dma_start3A_994 : memref<128x64xf32, #tpu.memory_space<vmem>>) offsets(%dma_start3A_997 : memref<128xi32, #tpu.memory_space<vmem>>) semaphore(%dma_start3A_1002 : memref<!tpu.dma_semaphore, #tpu.memory_space<semaphore_mem>>) {add = true}
        %dma_start3A_1003 = arith.constant 17 : i32
        %dma_start3A_1004 = arith.constant 0 : i32
        %dma_start3A_1005 = arith.constant 0 : i32
        %dma_start3A_1006 = tpu.memref_slice %arg6[%rem3A_773, %dma_start3A_1004, %dma_start3A_1005] : memref<2x128x64xf32, #tpu.memory_space<vmem>> -> memref<1x128x64xf32, #tpu.memory_space<vmem>>
        %dma_start3A_1007 = tpu.memref_squeeze %dma_start3A_1006 : memref<1x128x64xf32, #tpu.memory_space<vmem>> -> memref<128x64xf32, #tpu.memory_space<vmem>>
        %dma_start3A_1008 = arith.constant 0 : i32
        %dma_start3A_1009 = tpu.memref_slice %arg5[%dma_start3A_1003, %scan3A_771, %dma_start3A_1008] : memref<20x26x128xi32, #tpu.memory_space<vmem>> -> memref<1x1x128xi32, #tpu.memory_space<vmem>>
        %dma_start3A_1010 = tpu.memref_squeeze %dma_start3A_1009 : memref<1x1x128xi32, #tpu.memory_space<vmem>> -> memref<128xi32, #tpu.memory_space<vmem>>
        %dma_start3A_1011 = arith.constant 0 : i32
        %dma_start3A_1012 = arith.constant 0 : i32
        %dma_start3A_1013 = tpu.memref_slice %arg3[%dma_start3A_1011, %dma_start3A_1012] : memref<1000000x64xf32, #tpu.memory_space<hbm>> -> memref<1000000x64xf32, #tpu.memory_space<hbm>>
        %dma_start3A_1014 = tpu.memref_slice %arg9[%rem3A_773] : memref<2x!tpu.dma_semaphore, #tpu.memory_space<semaphore_mem>> -> memref<1x!tpu.dma_semaphore, #tpu.memory_space<semaphore_mem>>
        %dma_start3A_1015 = tpu.memref_squeeze %dma_start3A_1014 : memref<1x!tpu.dma_semaphore, #tpu.memory_space<semaphore_mem>> -> memref<!tpu.dma_semaphore, #tpu.memory_space<semaphore_mem>>
        tpu.enqueue_indirect_dma source(%dma_start3A_1013 : memref<1000000x64xf32, #tpu.memory_space<hbm>>) target(%dma_start3A_1007 : memref<128x64xf32, #tpu.memory_space<vmem>>) offsets(%dma_start3A_1010 : memref<128xi32, #tpu.memory_space<vmem>>) semaphore(%dma_start3A_1015 : memref<!tpu.dma_semaphore, #tpu.memory_space<semaphore_mem>>) {add = true}
        %dma_start3A_1016 = arith.constant 18 : i32
        %dma_start3A_1017 = arith.constant 0 : i32
        %dma_start3A_1018 = arith.constant 0 : i32
        %dma_start3A_1019 = tpu.memref_slice %arg6[%rem3A_773, %dma_start3A_1017, %dma_start3A_1018] : memref<2x128x64xf32, #tpu.memory_space<vmem>> -> memref<1x128x64xf32, #tpu.memory_space<vmem>>
        %dma_start3A_1020 = tpu.memref_squeeze %dma_start3A_1019 : memref<1x128x64xf32, #tpu.memory_space<vmem>> -> memref<128x64xf32, #tpu.memory_space<vmem>>
        %dma_start3A_1021 = arith.constant 0 : i32
        %dma_start3A_1022 = tpu.memref_slice %arg5[%dma_start3A_1016, %scan3A_771, %dma_start3A_1021] : memref<20x26x128xi32, #tpu.memory_space<vmem>> -> memref<1x1x128xi32, #tpu.memory_space<vmem>>
        %dma_start3A_1023 = tpu.memref_squeeze %dma_start3A_1022 : memref<1x1x128xi32, #tpu.memory_space<vmem>> -> memref<128xi32, #tpu.memory_space<vmem>>
        %dma_start3A_1024 = arith.constant 0 : i32
        %dma_start3A_1025 = arith.constant 0 : i32
        %dma_start3A_1026 = tpu.memref_slice %arg3[%dma_start3A_1024, %dma_start3A_1025] : memref<1000000x64xf32, #tpu.memory_space<hbm>> -> memref<1000000x64xf32, #tpu.memory_space<hbm>>
        %dma_start3A_1027 = tpu.memref_slice %arg9[%rem3A_773] : memref<2x!tpu.dma_semaphore, #tpu.memory_space<semaphore_mem>> -> memref<1x!tpu.dma_semaphore, #tpu.memory_space<semaphore_mem>>
        %dma_start3A_1028 = tpu.memref_squeeze %dma_start3A_1027 : memref<1x!tpu.dma_semaphore, #tpu.memory_space<semaphore_mem>> -> memref<!tpu.dma_semaphore, #tpu.memory_space<semaphore_mem>>
        tpu.enqueue_indirect_dma source(%dma_start3A_1026 : memref<1000000x64xf32, #tpu.memory_space<hbm>>) target(%dma_start3A_1020 : memref<128x64xf32, #tpu.memory_space<vmem>>) offsets(%dma_start3A_1023 : memref<128xi32, #tpu.memory_space<vmem>>) semaphore(%dma_start3A_1028 : memref<!tpu.dma_semaphore, #tpu.memory_space<semaphore_mem>>) {add = true}
        %dma_start3A_1029 = arith.constant 19 : i32
        %dma_start3A_1030 = arith.constant 0 : i32
        %dma_start3A_1031 = arith.constant 0 : i32
        %dma_start3A_1032 = tpu.memref_slice %arg6[%rem3A_773, %dma_start3A_1030, %dma_start3A_1031] : memref<2x128x64xf32, #tpu.memory_space<vmem>> -> memref<1x128x64xf32, #tpu.memory_space<vmem>>
        %dma_start3A_1033 = tpu.memref_squeeze %dma_start3A_1032 : memref<1x128x64xf32, #tpu.memory_space<vmem>> -> memref<128x64xf32, #tpu.memory_space<vmem>>
        %dma_start3A_1034 = arith.constant 0 : i32
        %dma_start3A_1035 = tpu.memref_slice %arg5[%dma_start3A_1029, %scan3A_771, %dma_start3A_1034] : memref<20x26x128xi32, #tpu.memory_space<vmem>> -> memref<1x1x128xi32, #tpu.memory_space<vmem>>
        %dma_start3A_1036 = tpu.memref_squeeze %dma_start3A_1035 : memref<1x1x128xi32, #tpu.memory_space<vmem>> -> memref<128xi32, #tpu.memory_space<vmem>>
        %dma_start3A_1037 = arith.constant 0 : i32
        %dma_start3A_1038 = arith.constant 0 : i32
        %dma_start3A_1039 = tpu.memref_slice %arg3[%dma_start3A_1037, %dma_start3A_1038] : memref<1000000x64xf32, #tpu.memory_space<hbm>> -> memref<1000000x64xf32, #tpu.memory_space<hbm>>
        %dma_start3A_1040 = tpu.memref_slice %arg9[%rem3A_773] : memref<2x!tpu.dma_semaphore, #tpu.memory_space<semaphore_mem>> -> memref<1x!tpu.dma_semaphore, #tpu.memory_space<semaphore_mem>>
        %dma_start3A_1041 = tpu.memref_squeeze %dma_start3A_1040 : memref<1x!tpu.dma_semaphore, #tpu.memory_space<semaphore_mem>> -> memref<!tpu.dma_semaphore, #tpu.memory_space<semaphore_mem>>
        tpu.enqueue_indirect_dma source(%dma_start3A_1039 : memref<1000000x64xf32, #tpu.memory_space<hbm>>) target(%dma_start3A_1033 : memref<128x64xf32, #tpu.memory_space<vmem>>) offsets(%dma_start3A_1036 : memref<128xi32, #tpu.memory_space<vmem>>) semaphore(%dma_start3A_1041 : memref<!tpu.dma_semaphore, #tpu.memory_space<semaphore_mem>>) {add = true}
      } else {
      }
      %ge3A = arith.constant 1 : i32
      %ge3A_777 = arith.cmpi sge, %scan3A_771, %ge3A : i32
      %convert_element_type3A_778 = arith.extui %ge3A_777 : i1 to i32
      %cond3A_779 = arith.constant 0 : i32
      %cond3A_780 = arith.cmpi ne, %convert_element_type3A_778, %cond3A_779 : i32
      scf.if %cond3A_780 {
        %sub3A_782 = arith.constant 1 : i32
        %sub3A_783 = arith.subi %scan3A_771, %sub3A_782 : i32
        %dma_wait3A_784 = arith.constant 0 : i32
        %dma_wait3A_785 = arith.constant 0 : i32
        %dma_wait3A_786 = arith.constant 0 : i32
        %dma_wait3A_787 = tpu.memref_slice %arg6[%sub3A_774, %dma_wait3A_785, %dma_wait3A_786] : memref<2x128x64xf32, #tpu.memory_space<vmem>> -> memref<1x128x64xf32, #tpu.memory_space<vmem>>
        %dma_wait3A_788 = tpu.memref_squeeze %dma_wait3A_787 : memref<1x128x64xf32, #tpu.memory_space<vmem>> -> memref<128x64xf32, #tpu.memory_space<vmem>>
        %dma_wait3A_789 = arith.constant 0 : i32
        %dma_wait3A_790 = tpu.memref_slice %arg5[%dma_wait3A_784, %sub3A_783, %dma_wait3A_789] : memref<20x26x128xi32, #tpu.memory_space<vmem>> -> memref<1x1x128xi32, #tpu.memory_space<vmem>>
        %dma_wait3A_791 = tpu.memref_squeeze %dma_wait3A_790 : memref<1x1x128xi32, #tpu.memory_space<vmem>> -> memref<128xi32, #tpu.memory_space<vmem>>
        %dma_wait3A_792 = arith.constant 0 : i32
        %dma_wait3A_793 = arith.constant 0 : i32
        %dma_wait3A_794 = tpu.memref_slice %arg3[%dma_wait3A_792, %dma_wait3A_793] : memref<1000000x64xf32, #tpu.memory_space<hbm>> -> memref<1000000x64xf32, #tpu.memory_space<hbm>>
        %dma_wait3A_795 = tpu.memref_slice %arg9[%sub3A_774] : memref<2x!tpu.dma_semaphore, #tpu.memory_space<semaphore_mem>> -> memref<1x!tpu.dma_semaphore, #tpu.memory_space<semaphore_mem>>
        %dma_wait3A_796 = tpu.memref_squeeze %dma_wait3A_795 : memref<1x!tpu.dma_semaphore, #tpu.memory_space<semaphore_mem>> -> memref<!tpu.dma_semaphore, #tpu.memory_space<semaphore_mem>>
        tpu.wait_indirect_dma semaphore(%dma_wait3A_796 : memref<!tpu.dma_semaphore, #tpu.memory_space<semaphore_mem>>) src(%dma_wait3A_794 : memref<1000000x64xf32, #tpu.memory_space<hbm>>) dst(%dma_wait3A_788 : memref<128x64xf32, #tpu.memory_space<vmem>>)
        %dma_wait3A_797 = arith.constant 1 : i32
        %dma_wait3A_798 = arith.constant 0 : i32
        %dma_wait3A_799 = arith.constant 0 : i32
        %dma_wait3A_800 = tpu.memref_slice %arg6[%sub3A_774, %dma_wait3A_798, %dma_wait3A_799] : memref<2x128x64xf32, #tpu.memory_space<vmem>> -> memref<1x128x64xf32, #tpu.memory_space<vmem>>
        %dma_wait3A_801 = tpu.memref_squeeze %dma_wait3A_800 : memref<1x128x64xf32, #tpu.memory_space<vmem>> -> memref<128x64xf32, #tpu.memory_space<vmem>>
        %dma_wait3A_802 = arith.constant 0 : i32
        %dma_wait3A_803 = tpu.memref_slice %arg5[%dma_wait3A_797, %sub3A_783, %dma_wait3A_802] : memref<20x26x128xi32, #tpu.memory_space<vmem>> -> memref<1x1x128xi32, #tpu.memory_space<vmem>>
        %dma_wait3A_804 = tpu.memref_squeeze %dma_wait3A_803 : memref<1x1x128xi32, #tpu.memory_space<vmem>> -> memref<128xi32, #tpu.memory_space<vmem>>
        %dma_wait3A_805 = arith.constant 0 : i32
        %dma_wait3A_806 = arith.constant 0 : i32
        %dma_wait3A_807 = tpu.memref_slice %arg3[%dma_wait3A_805, %dma_wait3A_806] : memref<1000000x64xf32, #tpu.memory_space<hbm>> -> memref<1000000x64xf32, #tpu.memory_space<hbm>>
        %dma_wait3A_808 = tpu.memref_slice %arg9[%sub3A_774] : memref<2x!tpu.dma_semaphore, #tpu.memory_space<semaphore_mem>> -> memref<1x!tpu.dma_semaphore, #tpu.memory_space<semaphore_mem>>
        %dma_wait3A_809 = tpu.memref_squeeze %dma_wait3A_808 : memref<1x!tpu.dma_semaphore, #tpu.memory_space<semaphore_mem>> -> memref<!tpu.dma_semaphore, #tpu.memory_space<semaphore_mem>>
        tpu.wait_indirect_dma semaphore(%dma_wait3A_809 : memref<!tpu.dma_semaphore, #tpu.memory_space<semaphore_mem>>) src(%dma_wait3A_807 : memref<1000000x64xf32, #tpu.memory_space<hbm>>) dst(%dma_wait3A_801 : memref<128x64xf32, #tpu.memory_space<vmem>>)
        %dma_wait3A_810 = arith.constant 2 : i32
        %dma_wait3A_811 = arith.constant 0 : i32
        %dma_wait3A_812 = arith.constant 0 : i32
        %dma_wait3A_813 = tpu.memref_slice %arg6[%sub3A_774, %dma_wait3A_811, %dma_wait3A_812] : memref<2x128x64xf32, #tpu.memory_space<vmem>> -> memref<1x128x64xf32, #tpu.memory_space<vmem>>
        %dma_wait3A_814 = tpu.memref_squeeze %dma_wait3A_813 : memref<1x128x64xf32, #tpu.memory_space<vmem>> -> memref<128x64xf32, #tpu.memory_space<vmem>>
        %dma_wait3A_815 = arith.constant 0 : i32
        %dma_wait3A_816 = tpu.memref_slice %arg5[%dma_wait3A_810, %sub3A_783, %dma_wait3A_815] : memref<20x26x128xi32, #tpu.memory_space<vmem>> -> memref<1x1x128xi32, #tpu.memory_space<vmem>>
        %dma_wait3A_817 = tpu.memref_squeeze %dma_wait3A_816 : memref<1x1x128xi32, #tpu.memory_space<vmem>> -> memref<128xi32, #tpu.memory_space<vmem>>
        %dma_wait3A_818 = arith.constant 0 : i32
        %dma_wait3A_819 = arith.constant 0 : i32
        %dma_wait3A_820 = tpu.memref_slice %arg3[%dma_wait3A_818, %dma_wait3A_819] : memref<1000000x64xf32, #tpu.memory_space<hbm>> -> memref<1000000x64xf32, #tpu.memory_space<hbm>>
        %dma_wait3A_821 = tpu.memref_slice %arg9[%sub3A_774] : memref<2x!tpu.dma_semaphore, #tpu.memory_space<semaphore_mem>> -> memref<1x!tpu.dma_semaphore, #tpu.memory_space<semaphore_mem>>
        %dma_wait3A_822 = tpu.memref_squeeze %dma_wait3A_821 : memref<1x!tpu.dma_semaphore, #tpu.memory_space<semaphore_mem>> -> memref<!tpu.dma_semaphore, #tpu.memory_space<semaphore_mem>>
        tpu.wait_indirect_dma semaphore(%dma_wait3A_822 : memref<!tpu.dma_semaphore, #tpu.memory_space<semaphore_mem>>) src(%dma_wait3A_820 : memref<1000000x64xf32, #tpu.memory_space<hbm>>) dst(%dma_wait3A_814 : memref<128x64xf32, #tpu.memory_space<vmem>>)
        %dma_wait3A_823 = arith.constant 3 : i32
        %dma_wait3A_824 = arith.constant 0 : i32
        %dma_wait3A_825 = arith.constant 0 : i32
        %dma_wait3A_826 = tpu.memref_slice %arg6[%sub3A_774, %dma_wait3A_824, %dma_wait3A_825] : memref<2x128x64xf32, #tpu.memory_space<vmem>> -> memref<1x128x64xf32, #tpu.memory_space<vmem>>
        %dma_wait3A_827 = tpu.memref_squeeze %dma_wait3A_826 : memref<1x128x64xf32, #tpu.memory_space<vmem>> -> memref<128x64xf32, #tpu.memory_space<vmem>>
        %dma_wait3A_828 = arith.constant 0 : i32
        %dma_wait3A_829 = tpu.memref_slice %arg5[%dma_wait3A_823, %sub3A_783, %dma_wait3A_828] : memref<20x26x128xi32, #tpu.memory_space<vmem>> -> memref<1x1x128xi32, #tpu.memory_space<vmem>>
        %dma_wait3A_830 = tpu.memref_squeeze %dma_wait3A_829 : memref<1x1x128xi32, #tpu.memory_space<vmem>> -> memref<128xi32, #tpu.memory_space<vmem>>
        %dma_wait3A_831 = arith.constant 0 : i32
        %dma_wait3A_832 = arith.constant 0 : i32
        %dma_wait3A_833 = tpu.memref_slice %arg3[%dma_wait3A_831, %dma_wait3A_832] : memref<1000000x64xf32, #tpu.memory_space<hbm>> -> memref<1000000x64xf32, #tpu.memory_space<hbm>>
        %dma_wait3A_834 = tpu.memref_slice %arg9[%sub3A_774] : memref<2x!tpu.dma_semaphore, #tpu.memory_space<semaphore_mem>> -> memref<1x!tpu.dma_semaphore, #tpu.memory_space<semaphore_mem>>
        %dma_wait3A_835 = tpu.memref_squeeze %dma_wait3A_834 : memref<1x!tpu.dma_semaphore, #tpu.memory_space<semaphore_mem>> -> memref<!tpu.dma_semaphore, #tpu.memory_space<semaphore_mem>>
        tpu.wait_indirect_dma semaphore(%dma_wait3A_835 : memref<!tpu.dma_semaphore, #tpu.memory_space<semaphore_mem>>) src(%dma_wait3A_833 : memref<1000000x64xf32, #tpu.memory_space<hbm>>) dst(%dma_wait3A_827 : memref<128x64xf32, #tpu.memory_space<vmem>>)
        %dma_wait3A_836 = arith.constant 4 : i32
        %dma_wait3A_837 = arith.constant 0 : i32
        %dma_wait3A_838 = arith.constant 0 : i32
        %dma_wait3A_839 = tpu.memref_slice %arg6[%sub3A_774, %dma_wait3A_837, %dma_wait3A_838] : memref<2x128x64xf32, #tpu.memory_space<vmem>> -> memref<1x128x64xf32, #tpu.memory_space<vmem>>
        %dma_wait3A_840 = tpu.memref_squeeze %dma_wait3A_839 : memref<1x128x64xf32, #tpu.memory_space<vmem>> -> memref<128x64xf32, #tpu.memory_space<vmem>>
        %dma_wait3A_841 = arith.constant 0 : i32
        %dma_wait3A_842 = tpu.memref_slice %arg5[%dma_wait3A_836, %sub3A_783, %dma_wait3A_841] : memref<20x26x128xi32, #tpu.memory_space<vmem>> -> memref<1x1x128xi32, #tpu.memory_space<vmem>>
        %dma_wait3A_843 = tpu.memref_squeeze %dma_wait3A_842 : memref<1x1x128xi32, #tpu.memory_space<vmem>> -> memref<128xi32, #tpu.memory_space<vmem>>
        %dma_wait3A_844 = arith.constant 0 : i32
        %dma_wait3A_845 = arith.constant 0 : i32
        %dma_wait3A_846 = tpu.memref_slice %arg3[%dma_wait3A_844, %dma_wait3A_845] : memref<1000000x64xf32, #tpu.memory_space<hbm>> -> memref<1000000x64xf32, #tpu.memory_space<hbm>>
        %dma_wait3A_847 = tpu.memref_slice %arg9[%sub3A_774] : memref<2x!tpu.dma_semaphore, #tpu.memory_space<semaphore_mem>> -> memref<1x!tpu.dma_semaphore, #tpu.memory_space<semaphore_mem>>
        %dma_wait3A_848 = tpu.memref_squeeze %dma_wait3A_847 : memref<1x!tpu.dma_semaphore, #tpu.memory_space<semaphore_mem>> -> memref<!tpu.dma_semaphore, #tpu.memory_space<semaphore_mem>>
        tpu.wait_indirect_dma semaphore(%dma_wait3A_848 : memref<!tpu.dma_semaphore, #tpu.memory_space<semaphore_mem>>) src(%dma_wait3A_846 : memref<1000000x64xf32, #tpu.memory_space<hbm>>) dst(%dma_wait3A_840 : memref<128x64xf32, #tpu.memory_space<vmem>>)
        %dma_wait3A_849 = arith.constant 5 : i32
        %dma_wait3A_850 = arith.constant 0 : i32
        %dma_wait3A_851 = arith.constant 0 : i32
        %dma_wait3A_852 = tpu.memref_slice %arg6[%sub3A_774, %dma_wait3A_850, %dma_wait3A_851] : memref<2x128x64xf32, #tpu.memory_space<vmem>> -> memref<1x128x64xf32, #tpu.memory_space<vmem>>
        %dma_wait3A_853 = tpu.memref_squeeze %dma_wait3A_852 : memref<1x128x64xf32, #tpu.memory_space<vmem>> -> memref<128x64xf32, #tpu.memory_space<vmem>>
        %dma_wait3A_854 = arith.constant 0 : i32
        %dma_wait3A_855 = tpu.memref_slice %arg5[%dma_wait3A_849, %sub3A_783, %dma_wait3A_854] : memref<20x26x128xi32, #tpu.memory_space<vmem>> -> memref<1x1x128xi32, #tpu.memory_space<vmem>>
        %dma_wait3A_856 = tpu.memref_squeeze %dma_wait3A_855 : memref<1x1x128xi32, #tpu.memory_space<vmem>> -> memref<128xi32, #tpu.memory_space<vmem>>
        %dma_wait3A_857 = arith.constant 0 : i32
        %dma_wait3A_858 = arith.constant 0 : i32
        %dma_wait3A_859 = tpu.memref_slice %arg3[%dma_wait3A_857, %dma_wait3A_858] : memref<1000000x64xf32, #tpu.memory_space<hbm>> -> memref<1000000x64xf32, #tpu.memory_space<hbm>>
        %dma_wait3A_860 = tpu.memref_slice %arg9[%sub3A_774] : memref<2x!tpu.dma_semaphore, #tpu.memory_space<semaphore_mem>> -> memref<1x!tpu.dma_semaphore, #tpu.memory_space<semaphore_mem>>
        %dma_wait3A_861 = tpu.memref_squeeze %dma_wait3A_860 : memref<1x!tpu.dma_semaphore, #tpu.memory_space<semaphore_mem>> -> memref<!tpu.dma_semaphore, #tpu.memory_space<semaphore_mem>>
        tpu.wait_indirect_dma semaphore(%dma_wait3A_861 : memref<!tpu.dma_semaphore, #tpu.memory_space<semaphore_mem>>) src(%dma_wait3A_859 : memref<1000000x64xf32, #tpu.memory_space<hbm>>) dst(%dma_wait3A_853 : memref<128x64xf32, #tpu.memory_space<vmem>>)
        %dma_wait3A_862 = arith.constant 6 : i32
        %dma_wait3A_863 = arith.constant 0 : i32
        %dma_wait3A_864 = arith.constant 0 : i32
        %dma_wait3A_865 = tpu.memref_slice %arg6[%sub3A_774, %dma_wait3A_863, %dma_wait3A_864] : memref<2x128x64xf32, #tpu.memory_space<vmem>> -> memref<1x128x64xf32, #tpu.memory_space<vmem>>
        %dma_wait3A_866 = tpu.memref_squeeze %dma_wait3A_865 : memref<1x128x64xf32, #tpu.memory_space<vmem>> -> memref<128x64xf32, #tpu.memory_space<vmem>>
        %dma_wait3A_867 = arith.constant 0 : i32
        %dma_wait3A_868 = tpu.memref_slice %arg5[%dma_wait3A_862, %sub3A_783, %dma_wait3A_867] : memref<20x26x128xi32, #tpu.memory_space<vmem>> -> memref<1x1x128xi32, #tpu.memory_space<vmem>>
        %dma_wait3A_869 = tpu.memref_squeeze %dma_wait3A_868 : memref<1x1x128xi32, #tpu.memory_space<vmem>> -> memref<128xi32, #tpu.memory_space<vmem>>
        %dma_wait3A_870 = arith.constant 0 : i32
        %dma_wait3A_871 = arith.constant 0 : i32
        %dma_wait3A_872 = tpu.memref_slice %arg3[%dma_wait3A_870, %dma_wait3A_871] : memref<1000000x64xf32, #tpu.memory_space<hbm>> -> memref<1000000x64xf32, #tpu.memory_space<hbm>>
        %dma_wait3A_873 = tpu.memref_slice %arg9[%sub3A_774] : memref<2x!tpu.dma_semaphore, #tpu.memory_space<semaphore_mem>> -> memref<1x!tpu.dma_semaphore, #tpu.memory_space<semaphore_mem>>
        %dma_wait3A_874 = tpu.memref_squeeze %dma_wait3A_873 : memref<1x!tpu.dma_semaphore, #tpu.memory_space<semaphore_mem>> -> memref<!tpu.dma_semaphore, #tpu.memory_space<semaphore_mem>>
        tpu.wait_indirect_dma semaphore(%dma_wait3A_874 : memref<!tpu.dma_semaphore, #tpu.memory_space<semaphore_mem>>) src(%dma_wait3A_872 : memref<1000000x64xf32, #tpu.memory_space<hbm>>) dst(%dma_wait3A_866 : memref<128x64xf32, #tpu.memory_space<vmem>>)
        %dma_wait3A_875 = arith.constant 7 : i32
        %dma_wait3A_876 = arith.constant 0 : i32
        %dma_wait3A_877 = arith.constant 0 : i32
        %dma_wait3A_878 = tpu.memref_slice %arg6[%sub3A_774, %dma_wait3A_876, %dma_wait3A_877] : memref<2x128x64xf32, #tpu.memory_space<vmem>> -> memref<1x128x64xf32, #tpu.memory_space<vmem>>
        %dma_wait3A_879 = tpu.memref_squeeze %dma_wait3A_878 : memref<1x128x64xf32, #tpu.memory_space<vmem>> -> memref<128x64xf32, #tpu.memory_space<vmem>>
        %dma_wait3A_880 = arith.constant 0 : i32
        %dma_wait3A_881 = tpu.memref_slice %arg5[%dma_wait3A_875, %sub3A_783, %dma_wait3A_880] : memref<20x26x128xi32, #tpu.memory_space<vmem>> -> memref<1x1x128xi32, #tpu.memory_space<vmem>>
        %dma_wait3A_882 = tpu.memref_squeeze %dma_wait3A_881 : memref<1x1x128xi32, #tpu.memory_space<vmem>> -> memref<128xi32, #tpu.memory_space<vmem>>
        %dma_wait3A_883 = arith.constant 0 : i32
        %dma_wait3A_884 = arith.constant 0 : i32
        %dma_wait3A_885 = tpu.memref_slice %arg3[%dma_wait3A_883, %dma_wait3A_884] : memref<1000000x64xf32, #tpu.memory_space<hbm>> -> memref<1000000x64xf32, #tpu.memory_space<hbm>>
        %dma_wait3A_886 = tpu.memref_slice %arg9[%sub3A_774] : memref<2x!tpu.dma_semaphore, #tpu.memory_space<semaphore_mem>> -> memref<1x!tpu.dma_semaphore, #tpu.memory_space<semaphore_mem>>
        %dma_wait3A_887 = tpu.memref_squeeze %dma_wait3A_886 : memref<1x!tpu.dma_semaphore, #tpu.memory_space<semaphore_mem>> -> memref<!tpu.dma_semaphore, #tpu.memory_space<semaphore_mem>>
        tpu.wait_indirect_dma semaphore(%dma_wait3A_887 : memref<!tpu.dma_semaphore, #tpu.memory_space<semaphore_mem>>) src(%dma_wait3A_885 : memref<1000000x64xf32, #tpu.memory_space<hbm>>) dst(%dma_wait3A_879 : memref<128x64xf32, #tpu.memory_space<vmem>>)
        %dma_wait3A_888 = arith.constant 8 : i32
        %dma_wait3A_889 = arith.constant 0 : i32
        %dma_wait3A_890 = arith.constant 0 : i32
        %dma_wait3A_891 = tpu.memref_slice %arg6[%sub3A_774, %dma_wait3A_889, %dma_wait3A_890] : memref<2x128x64xf32, #tpu.memory_space<vmem>> -> memref<1x128x64xf32, #tpu.memory_space<vmem>>
        %dma_wait3A_892 = tpu.memref_squeeze %dma_wait3A_891 : memref<1x128x64xf32, #tpu.memory_space<vmem>> -> memref<128x64xf32, #tpu.memory_space<vmem>>
        %dma_wait3A_893 = arith.constant 0 : i32
        %dma_wait3A_894 = tpu.memref_slice %arg5[%dma_wait3A_888, %sub3A_783, %dma_wait3A_893] : memref<20x26x128xi32, #tpu.memory_space<vmem>> -> memref<1x1x128xi32, #tpu.memory_space<vmem>>
        %dma_wait3A_895 = tpu.memref_squeeze %dma_wait3A_894 : memref<1x1x128xi32, #tpu.memory_space<vmem>> -> memref<128xi32, #tpu.memory_space<vmem>>
        %dma_wait3A_896 = arith.constant 0 : i32
        %dma_wait3A_897 = arith.constant 0 : i32
        %dma_wait3A_898 = tpu.memref_slice %arg3[%dma_wait3A_896, %dma_wait3A_897] : memref<1000000x64xf32, #tpu.memory_space<hbm>> -> memref<1000000x64xf32, #tpu.memory_space<hbm>>
        %dma_wait3A_899 = tpu.memref_slice %arg9[%sub3A_774] : memref<2x!tpu.dma_semaphore, #tpu.memory_space<semaphore_mem>> -> memref<1x!tpu.dma_semaphore, #tpu.memory_space<semaphore_mem>>
        %dma_wait3A_900 = tpu.memref_squeeze %dma_wait3A_899 : memref<1x!tpu.dma_semaphore, #tpu.memory_space<semaphore_mem>> -> memref<!tpu.dma_semaphore, #tpu.memory_space<semaphore_mem>>
        tpu.wait_indirect_dma semaphore(%dma_wait3A_900 : memref<!tpu.dma_semaphore, #tpu.memory_space<semaphore_mem>>) src(%dma_wait3A_898 : memref<1000000x64xf32, #tpu.memory_space<hbm>>) dst(%dma_wait3A_892 : memref<128x64xf32, #tpu.memory_space<vmem>>)
        %dma_wait3A_901 = arith.constant 9 : i32
        %dma_wait3A_902 = arith.constant 0 : i32
        %dma_wait3A_903 = arith.constant 0 : i32
        %dma_wait3A_904 = tpu.memref_slice %arg6[%sub3A_774, %dma_wait3A_902, %dma_wait3A_903] : memref<2x128x64xf32, #tpu.memory_space<vmem>> -> memref<1x128x64xf32, #tpu.memory_space<vmem>>
        %dma_wait3A_905 = tpu.memref_squeeze %dma_wait3A_904 : memref<1x128x64xf32, #tpu.memory_space<vmem>> -> memref<128x64xf32, #tpu.memory_space<vmem>>
        %dma_wait3A_906 = arith.constant 0 : i32
        %dma_wait3A_907 = tpu.memref_slice %arg5[%dma_wait3A_901, %sub3A_783, %dma_wait3A_906] : memref<20x26x128xi32, #tpu.memory_space<vmem>> -> memref<1x1x128xi32, #tpu.memory_space<vmem>>
        %dma_wait3A_908 = tpu.memref_squeeze %dma_wait3A_907 : memref<1x1x128xi32, #tpu.memory_space<vmem>> -> memref<128xi32, #tpu.memory_space<vmem>>
        %dma_wait3A_909 = arith.constant 0 : i32
        %dma_wait3A_910 = arith.constant 0 : i32
        %dma_wait3A_911 = tpu.memref_slice %arg3[%dma_wait3A_909, %dma_wait3A_910] : memref<1000000x64xf32, #tpu.memory_space<hbm>> -> memref<1000000x64xf32, #tpu.memory_space<hbm>>
        %dma_wait3A_912 = tpu.memref_slice %arg9[%sub3A_774] : memref<2x!tpu.dma_semaphore, #tpu.memory_space<semaphore_mem>> -> memref<1x!tpu.dma_semaphore, #tpu.memory_space<semaphore_mem>>
        %dma_wait3A_913 = tpu.memref_squeeze %dma_wait3A_912 : memref<1x!tpu.dma_semaphore, #tpu.memory_space<semaphore_mem>> -> memref<!tpu.dma_semaphore, #tpu.memory_space<semaphore_mem>>
        tpu.wait_indirect_dma semaphore(%dma_wait3A_913 : memref<!tpu.dma_semaphore, #tpu.memory_space<semaphore_mem>>) src(%dma_wait3A_911 : memref<1000000x64xf32, #tpu.memory_space<hbm>>) dst(%dma_wait3A_905 : memref<128x64xf32, #tpu.memory_space<vmem>>)
        %dma_wait3A_914 = arith.constant 10 : i32
        %dma_wait3A_915 = arith.constant 0 : i32
        %dma_wait3A_916 = arith.constant 0 : i32
        %dma_wait3A_917 = tpu.memref_slice %arg6[%sub3A_774, %dma_wait3A_915, %dma_wait3A_916] : memref<2x128x64xf32, #tpu.memory_space<vmem>> -> memref<1x128x64xf32, #tpu.memory_space<vmem>>
        %dma_wait3A_918 = tpu.memref_squeeze %dma_wait3A_917 : memref<1x128x64xf32, #tpu.memory_space<vmem>> -> memref<128x64xf32, #tpu.memory_space<vmem>>
        %dma_wait3A_919 = arith.constant 0 : i32
        %dma_wait3A_920 = tpu.memref_slice %arg5[%dma_wait3A_914, %sub3A_783, %dma_wait3A_919] : memref<20x26x128xi32, #tpu.memory_space<vmem>> -> memref<1x1x128xi32, #tpu.memory_space<vmem>>
        %dma_wait3A_921 = tpu.memref_squeeze %dma_wait3A_920 : memref<1x1x128xi32, #tpu.memory_space<vmem>> -> memref<128xi32, #tpu.memory_space<vmem>>
        %dma_wait3A_922 = arith.constant 0 : i32
        %dma_wait3A_923 = arith.constant 0 : i32
        %dma_wait3A_924 = tpu.memref_slice %arg3[%dma_wait3A_922, %dma_wait3A_923] : memref<1000000x64xf32, #tpu.memory_space<hbm>> -> memref<1000000x64xf32, #tpu.memory_space<hbm>>
        %dma_wait3A_925 = tpu.memref_slice %arg9[%sub3A_774] : memref<2x!tpu.dma_semaphore, #tpu.memory_space<semaphore_mem>> -> memref<1x!tpu.dma_semaphore, #tpu.memory_space<semaphore_mem>>
        %dma_wait3A_926 = tpu.memref_squeeze %dma_wait3A_925 : memref<1x!tpu.dma_semaphore, #tpu.memory_space<semaphore_mem>> -> memref<!tpu.dma_semaphore, #tpu.memory_space<semaphore_mem>>
        tpu.wait_indirect_dma semaphore(%dma_wait3A_926 : memref<!tpu.dma_semaphore, #tpu.memory_space<semaphore_mem>>) src(%dma_wait3A_924 : memref<1000000x64xf32, #tpu.memory_space<hbm>>) dst(%dma_wait3A_918 : memref<128x64xf32, #tpu.memory_space<vmem>>)
        %dma_wait3A_927 = arith.constant 11 : i32
        %dma_wait3A_928 = arith.constant 0 : i32
        %dma_wait3A_929 = arith.constant 0 : i32
        %dma_wait3A_930 = tpu.memref_slice %arg6[%sub3A_774, %dma_wait3A_928, %dma_wait3A_929] : memref<2x128x64xf32, #tpu.memory_space<vmem>> -> memref<1x128x64xf32, #tpu.memory_space<vmem>>
        %dma_wait3A_931 = tpu.memref_squeeze %dma_wait3A_930 : memref<1x128x64xf32, #tpu.memory_space<vmem>> -> memref<128x64xf32, #tpu.memory_space<vmem>>
        %dma_wait3A_932 = arith.constant 0 : i32
        %dma_wait3A_933 = tpu.memref_slice %arg5[%dma_wait3A_927, %sub3A_783, %dma_wait3A_932] : memref<20x26x128xi32, #tpu.memory_space<vmem>> -> memref<1x1x128xi32, #tpu.memory_space<vmem>>
        %dma_wait3A_934 = tpu.memref_squeeze %dma_wait3A_933 : memref<1x1x128xi32, #tpu.memory_space<vmem>> -> memref<128xi32, #tpu.memory_space<vmem>>
        %dma_wait3A_935 = arith.constant 0 : i32
        %dma_wait3A_936 = arith.constant 0 : i32
        %dma_wait3A_937 = tpu.memref_slice %arg3[%dma_wait3A_935, %dma_wait3A_936] : memref<1000000x64xf32, #tpu.memory_space<hbm>> -> memref<1000000x64xf32, #tpu.memory_space<hbm>>
        %dma_wait3A_938 = tpu.memref_slice %arg9[%sub3A_774] : memref<2x!tpu.dma_semaphore, #tpu.memory_space<semaphore_mem>> -> memref<1x!tpu.dma_semaphore, #tpu.memory_space<semaphore_mem>>
        %dma_wait3A_939 = tpu.memref_squeeze %dma_wait3A_938 : memref<1x!tpu.dma_semaphore, #tpu.memory_space<semaphore_mem>> -> memref<!tpu.dma_semaphore, #tpu.memory_space<semaphore_mem>>
        tpu.wait_indirect_dma semaphore(%dma_wait3A_939 : memref<!tpu.dma_semaphore, #tpu.memory_space<semaphore_mem>>) src(%dma_wait3A_937 : memref<1000000x64xf32, #tpu.memory_space<hbm>>) dst(%dma_wait3A_931 : memref<128x64xf32, #tpu.memory_space<vmem>>)
        %dma_wait3A_940 = arith.constant 12 : i32
        %dma_wait3A_941 = arith.constant 0 : i32
        %dma_wait3A_942 = arith.constant 0 : i32
        %dma_wait3A_943 = tpu.memref_slice %arg6[%sub3A_774, %dma_wait3A_941, %dma_wait3A_942] : memref<2x128x64xf32, #tpu.memory_space<vmem>> -> memref<1x128x64xf32, #tpu.memory_space<vmem>>
        %dma_wait3A_944 = tpu.memref_squeeze %dma_wait3A_943 : memref<1x128x64xf32, #tpu.memory_space<vmem>> -> memref<128x64xf32, #tpu.memory_space<vmem>>
        %dma_wait3A_945 = arith.constant 0 : i32
        %dma_wait3A_946 = tpu.memref_slice %arg5[%dma_wait3A_940, %sub3A_783, %dma_wait3A_945] : memref<20x26x128xi32, #tpu.memory_space<vmem>> -> memref<1x1x128xi32, #tpu.memory_space<vmem>>
        %dma_wait3A_947 = tpu.memref_squeeze %dma_wait3A_946 : memref<1x1x128xi32, #tpu.memory_space<vmem>> -> memref<128xi32, #tpu.memory_space<vmem>>
        %dma_wait3A_948 = arith.constant 0 : i32
        %dma_wait3A_949 = arith.constant 0 : i32
        %dma_wait3A_950 = tpu.memref_slice %arg3[%dma_wait3A_948, %dma_wait3A_949] : memref<1000000x64xf32, #tpu.memory_space<hbm>> -> memref<1000000x64xf32, #tpu.memory_space<hbm>>
        %dma_wait3A_951 = tpu.memref_slice %arg9[%sub3A_774] : memref<2x!tpu.dma_semaphore, #tpu.memory_space<semaphore_mem>> -> memref<1x!tpu.dma_semaphore, #tpu.memory_space<semaphore_mem>>
        %dma_wait3A_952 = tpu.memref_squeeze %dma_wait3A_951 : memref<1x!tpu.dma_semaphore, #tpu.memory_space<semaphore_mem>> -> memref<!tpu.dma_semaphore, #tpu.memory_space<semaphore_mem>>
        tpu.wait_indirect_dma semaphore(%dma_wait3A_952 : memref<!tpu.dma_semaphore, #tpu.memory_space<semaphore_mem>>) src(%dma_wait3A_950 : memref<1000000x64xf32, #tpu.memory_space<hbm>>) dst(%dma_wait3A_944 : memref<128x64xf32, #tpu.memory_space<vmem>>)
        %dma_wait3A_953 = arith.constant 13 : i32
        %dma_wait3A_954 = arith.constant 0 : i32
        %dma_wait3A_955 = arith.constant 0 : i32
        %dma_wait3A_956 = tpu.memref_slice %arg6[%sub3A_774, %dma_wait3A_954, %dma_wait3A_955] : memref<2x128x64xf32, #tpu.memory_space<vmem>> -> memref<1x128x64xf32, #tpu.memory_space<vmem>>
        %dma_wait3A_957 = tpu.memref_squeeze %dma_wait3A_956 : memref<1x128x64xf32, #tpu.memory_space<vmem>> -> memref<128x64xf32, #tpu.memory_space<vmem>>
        %dma_wait3A_958 = arith.constant 0 : i32
        %dma_wait3A_959 = tpu.memref_slice %arg5[%dma_wait3A_953, %sub3A_783, %dma_wait3A_958] : memref<20x26x128xi32, #tpu.memory_space<vmem>> -> memref<1x1x128xi32, #tpu.memory_space<vmem>>
        %dma_wait3A_960 = tpu.memref_squeeze %dma_wait3A_959 : memref<1x1x128xi32, #tpu.memory_space<vmem>> -> memref<128xi32, #tpu.memory_space<vmem>>
        %dma_wait3A_961 = arith.constant 0 : i32
        %dma_wait3A_962 = arith.constant 0 : i32
        %dma_wait3A_963 = tpu.memref_slice %arg3[%dma_wait3A_961, %dma_wait3A_962] : memref<1000000x64xf32, #tpu.memory_space<hbm>> -> memref<1000000x64xf32, #tpu.memory_space<hbm>>
        %dma_wait3A_964 = tpu.memref_slice %arg9[%sub3A_774] : memref<2x!tpu.dma_semaphore, #tpu.memory_space<semaphore_mem>> -> memref<1x!tpu.dma_semaphore, #tpu.memory_space<semaphore_mem>>
        %dma_wait3A_965 = tpu.memref_squeeze %dma_wait3A_964 : memref<1x!tpu.dma_semaphore, #tpu.memory_space<semaphore_mem>> -> memref<!tpu.dma_semaphore, #tpu.memory_space<semaphore_mem>>
        tpu.wait_indirect_dma semaphore(%dma_wait3A_965 : memref<!tpu.dma_semaphore, #tpu.memory_space<semaphore_mem>>) src(%dma_wait3A_963 : memref<1000000x64xf32, #tpu.memory_space<hbm>>) dst(%dma_wait3A_957 : memref<128x64xf32, #tpu.memory_space<vmem>>)
        %dma_wait3A_966 = arith.constant 14 : i32
        %dma_wait3A_967 = arith.constant 0 : i32
        %dma_wait3A_968 = arith.constant 0 : i32
        %dma_wait3A_969 = tpu.memref_slice %arg6[%sub3A_774, %dma_wait3A_967, %dma_wait3A_968] : memref<2x128x64xf32, #tpu.memory_space<vmem>> -> memref<1x128x64xf32, #tpu.memory_space<vmem>>
        %dma_wait3A_970 = tpu.memref_squeeze %dma_wait3A_969 : memref<1x128x64xf32, #tpu.memory_space<vmem>> -> memref<128x64xf32, #tpu.memory_space<vmem>>
        %dma_wait3A_971 = arith.constant 0 : i32
        %dma_wait3A_972 = tpu.memref_slice %arg5[%dma_wait3A_966, %sub3A_783, %dma_wait3A_971] : memref<20x26x128xi32, #tpu.memory_space<vmem>> -> memref<1x1x128xi32, #tpu.memory_space<vmem>>
        %dma_wait3A_973 = tpu.memref_squeeze %dma_wait3A_972 : memref<1x1x128xi32, #tpu.memory_space<vmem>> -> memref<128xi32, #tpu.memory_space<vmem>>
        %dma_wait3A_974 = arith.constant 0 : i32
        %dma_wait3A_975 = arith.constant 0 : i32
        %dma_wait3A_976 = tpu.memref_slice %arg3[%dma_wait3A_974, %dma_wait3A_975] : memref<1000000x64xf32, #tpu.memory_space<hbm>> -> memref<1000000x64xf32, #tpu.memory_space<hbm>>
        %dma_wait3A_977 = tpu.memref_slice %arg9[%sub3A_774] : memref<2x!tpu.dma_semaphore, #tpu.memory_space<semaphore_mem>> -> memref<1x!tpu.dma_semaphore, #tpu.memory_space<semaphore_mem>>
        %dma_wait3A_978 = tpu.memref_squeeze %dma_wait3A_977 : memref<1x!tpu.dma_semaphore, #tpu.memory_space<semaphore_mem>> -> memref<!tpu.dma_semaphore, #tpu.memory_space<semaphore_mem>>
        tpu.wait_indirect_dma semaphore(%dma_wait3A_978 : memref<!tpu.dma_semaphore, #tpu.memory_space<semaphore_mem>>) src(%dma_wait3A_976 : memref<1000000x64xf32, #tpu.memory_space<hbm>>) dst(%dma_wait3A_970 : memref<128x64xf32, #tpu.memory_space<vmem>>)
        %dma_wait3A_979 = arith.constant 15 : i32
        %dma_wait3A_980 = arith.constant 0 : i32
        %dma_wait3A_981 = arith.constant 0 : i32
        %dma_wait3A_982 = tpu.memref_slice %arg6[%sub3A_774, %dma_wait3A_980, %dma_wait3A_981] : memref<2x128x64xf32, #tpu.memory_space<vmem>> -> memref<1x128x64xf32, #tpu.memory_space<vmem>>
        %dma_wait3A_983 = tpu.memref_squeeze %dma_wait3A_982 : memref<1x128x64xf32, #tpu.memory_space<vmem>> -> memref<128x64xf32, #tpu.memory_space<vmem>>
        %dma_wait3A_984 = arith.constant 0 : i32
        %dma_wait3A_985 = tpu.memref_slice %arg5[%dma_wait3A_979, %sub3A_783, %dma_wait3A_984] : memref<20x26x128xi32, #tpu.memory_space<vmem>> -> memref<1x1x128xi32, #tpu.memory_space<vmem>>
        %dma_wait3A_986 = tpu.memref_squeeze %dma_wait3A_985 : memref<1x1x128xi32, #tpu.memory_space<vmem>> -> memref<128xi32, #tpu.memory_space<vmem>>
        %dma_wait3A_987 = arith.constant 0 : i32
        %dma_wait3A_988 = arith.constant 0 : i32
        %dma_wait3A_989 = tpu.memref_slice %arg3[%dma_wait3A_987, %dma_wait3A_988] : memref<1000000x64xf32, #tpu.memory_space<hbm>> -> memref<1000000x64xf32, #tpu.memory_space<hbm>>
        %dma_wait3A_990 = tpu.memref_slice %arg9[%sub3A_774] : memref<2x!tpu.dma_semaphore, #tpu.memory_space<semaphore_mem>> -> memref<1x!tpu.dma_semaphore, #tpu.memory_space<semaphore_mem>>
        %dma_wait3A_991 = tpu.memref_squeeze %dma_wait3A_990 : memref<1x!tpu.dma_semaphore, #tpu.memory_space<semaphore_mem>> -> memref<!tpu.dma_semaphore, #tpu.memory_space<semaphore_mem>>
        tpu.wait_indirect_dma semaphore(%dma_wait3A_991 : memref<!tpu.dma_semaphore, #tpu.memory_space<semaphore_mem>>) src(%dma_wait3A_989 : memref<1000000x64xf32, #tpu.memory_space<hbm>>) dst(%dma_wait3A_983 : memref<128x64xf32, #tpu.memory_space<vmem>>)
        %dma_wait3A_992 = arith.constant 16 : i32
        %dma_wait3A_993 = arith.constant 0 : i32
        %dma_wait3A_994 = arith.constant 0 : i32
        %dma_wait3A_995 = tpu.memref_slice %arg6[%sub3A_774, %dma_wait3A_993, %dma_wait3A_994] : memref<2x128x64xf32, #tpu.memory_space<vmem>> -> memref<1x128x64xf32, #tpu.memory_space<vmem>>
        %dma_wait3A_996 = tpu.memref_squeeze %dma_wait3A_995 : memref<1x128x64xf32, #tpu.memory_space<vmem>> -> memref<128x64xf32, #tpu.memory_space<vmem>>
        %dma_wait3A_997 = arith.constant 0 : i32
        %dma_wait3A_998 = tpu.memref_slice %arg5[%dma_wait3A_992, %sub3A_783, %dma_wait3A_997] : memref<20x26x128xi32, #tpu.memory_space<vmem>> -> memref<1x1x128xi32, #tpu.memory_space<vmem>>
        %dma_wait3A_999 = tpu.memref_squeeze %dma_wait3A_998 : memref<1x1x128xi32, #tpu.memory_space<vmem>> -> memref<128xi32, #tpu.memory_space<vmem>>
        %dma_wait3A_1000 = arith.constant 0 : i32
        %dma_wait3A_1001 = arith.constant 0 : i32
        %dma_wait3A_1002 = tpu.memref_slice %arg3[%dma_wait3A_1000, %dma_wait3A_1001] : memref<1000000x64xf32, #tpu.memory_space<hbm>> -> memref<1000000x64xf32, #tpu.memory_space<hbm>>
        %dma_wait3A_1003 = tpu.memref_slice %arg9[%sub3A_774] : memref<2x!tpu.dma_semaphore, #tpu.memory_space<semaphore_mem>> -> memref<1x!tpu.dma_semaphore, #tpu.memory_space<semaphore_mem>>
        %dma_wait3A_1004 = tpu.memref_squeeze %dma_wait3A_1003 : memref<1x!tpu.dma_semaphore, #tpu.memory_space<semaphore_mem>> -> memref<!tpu.dma_semaphore, #tpu.memory_space<semaphore_mem>>
        tpu.wait_indirect_dma semaphore(%dma_wait3A_1004 : memref<!tpu.dma_semaphore, #tpu.memory_space<semaphore_mem>>) src(%dma_wait3A_1002 : memref<1000000x64xf32, #tpu.memory_space<hbm>>) dst(%dma_wait3A_996 : memref<128x64xf32, #tpu.memory_space<vmem>>)
        %dma_wait3A_1005 = arith.constant 17 : i32
        %dma_wait3A_1006 = arith.constant 0 : i32
        %dma_wait3A_1007 = arith.constant 0 : i32
        %dma_wait3A_1008 = tpu.memref_slice %arg6[%sub3A_774, %dma_wait3A_1006, %dma_wait3A_1007] : memref<2x128x64xf32, #tpu.memory_space<vmem>> -> memref<1x128x64xf32, #tpu.memory_space<vmem>>
        %dma_wait3A_1009 = tpu.memref_squeeze %dma_wait3A_1008 : memref<1x128x64xf32, #tpu.memory_space<vmem>> -> memref<128x64xf32, #tpu.memory_space<vmem>>
        %dma_wait3A_1010 = arith.constant 0 : i32
        %dma_wait3A_1011 = tpu.memref_slice %arg5[%dma_wait3A_1005, %sub3A_783, %dma_wait3A_1010] : memref<20x26x128xi32, #tpu.memory_space<vmem>> -> memref<1x1x128xi32, #tpu.memory_space<vmem>>
        %dma_wait3A_1012 = tpu.memref_squeeze %dma_wait3A_1011 : memref<1x1x128xi32, #tpu.memory_space<vmem>> -> memref<128xi32, #tpu.memory_space<vmem>>
        %dma_wait3A_1013 = arith.constant 0 : i32
        %dma_wait3A_1014 = arith.constant 0 : i32
        %dma_wait3A_1015 = tpu.memref_slice %arg3[%dma_wait3A_1013, %dma_wait3A_1014] : memref<1000000x64xf32, #tpu.memory_space<hbm>> -> memref<1000000x64xf32, #tpu.memory_space<hbm>>
        %dma_wait3A_1016 = tpu.memref_slice %arg9[%sub3A_774] : memref<2x!tpu.dma_semaphore, #tpu.memory_space<semaphore_mem>> -> memref<1x!tpu.dma_semaphore, #tpu.memory_space<semaphore_mem>>
        %dma_wait3A_1017 = tpu.memref_squeeze %dma_wait3A_1016 : memref<1x!tpu.dma_semaphore, #tpu.memory_space<semaphore_mem>> -> memref<!tpu.dma_semaphore, #tpu.memory_space<semaphore_mem>>
        tpu.wait_indirect_dma semaphore(%dma_wait3A_1017 : memref<!tpu.dma_semaphore, #tpu.memory_space<semaphore_mem>>) src(%dma_wait3A_1015 : memref<1000000x64xf32, #tpu.memory_space<hbm>>) dst(%dma_wait3A_1009 : memref<128x64xf32, #tpu.memory_space<vmem>>)
        %dma_wait3A_1018 = arith.constant 18 : i32
        %dma_wait3A_1019 = arith.constant 0 : i32
        %dma_wait3A_1020 = arith.constant 0 : i32
        %dma_wait3A_1021 = tpu.memref_slice %arg6[%sub3A_774, %dma_wait3A_1019, %dma_wait3A_1020] : memref<2x128x64xf32, #tpu.memory_space<vmem>> -> memref<1x128x64xf32, #tpu.memory_space<vmem>>
        %dma_wait3A_1022 = tpu.memref_squeeze %dma_wait3A_1021 : memref<1x128x64xf32, #tpu.memory_space<vmem>> -> memref<128x64xf32, #tpu.memory_space<vmem>>
        %dma_wait3A_1023 = arith.constant 0 : i32
        %dma_wait3A_1024 = tpu.memref_slice %arg5[%dma_wait3A_1018, %sub3A_783, %dma_wait3A_1023] : memref<20x26x128xi32, #tpu.memory_space<vmem>> -> memref<1x1x128xi32, #tpu.memory_space<vmem>>
        %dma_wait3A_1025 = tpu.memref_squeeze %dma_wait3A_1024 : memref<1x1x128xi32, #tpu.memory_space<vmem>> -> memref<128xi32, #tpu.memory_space<vmem>>
        %dma_wait3A_1026 = arith.constant 0 : i32
        %dma_wait3A_1027 = arith.constant 0 : i32
        %dma_wait3A_1028 = tpu.memref_slice %arg3[%dma_wait3A_1026, %dma_wait3A_1027] : memref<1000000x64xf32, #tpu.memory_space<hbm>> -> memref<1000000x64xf32, #tpu.memory_space<hbm>>
        %dma_wait3A_1029 = tpu.memref_slice %arg9[%sub3A_774] : memref<2x!tpu.dma_semaphore, #tpu.memory_space<semaphore_mem>> -> memref<1x!tpu.dma_semaphore, #tpu.memory_space<semaphore_mem>>
        %dma_wait3A_1030 = tpu.memref_squeeze %dma_wait3A_1029 : memref<1x!tpu.dma_semaphore, #tpu.memory_space<semaphore_mem>> -> memref<!tpu.dma_semaphore, #tpu.memory_space<semaphore_mem>>
        tpu.wait_indirect_dma semaphore(%dma_wait3A_1030 : memref<!tpu.dma_semaphore, #tpu.memory_space<semaphore_mem>>) src(%dma_wait3A_1028 : memref<1000000x64xf32, #tpu.memory_space<hbm>>) dst(%dma_wait3A_1022 : memref<128x64xf32, #tpu.memory_space<vmem>>)
        %dma_wait3A_1031 = arith.constant 19 : i32
        %dma_wait3A_1032 = arith.constant 0 : i32
        %dma_wait3A_1033 = arith.constant 0 : i32
        %dma_wait3A_1034 = tpu.memref_slice %arg6[%sub3A_774, %dma_wait3A_1032, %dma_wait3A_1033] : memref<2x128x64xf32, #tpu.memory_space<vmem>> -> memref<1x128x64xf32, #tpu.memory_space<vmem>>
        %dma_wait3A_1035 = tpu.memref_squeeze %dma_wait3A_1034 : memref<1x128x64xf32, #tpu.memory_space<vmem>> -> memref<128x64xf32, #tpu.memory_space<vmem>>
        %dma_wait3A_1036 = arith.constant 0 : i32
        %dma_wait3A_1037 = tpu.memref_slice %arg5[%dma_wait3A_1031, %sub3A_783, %dma_wait3A_1036] : memref<20x26x128xi32, #tpu.memory_space<vmem>> -> memref<1x1x128xi32, #tpu.memory_space<vmem>>
        %dma_wait3A_1038 = tpu.memref_squeeze %dma_wait3A_1037 : memref<1x1x128xi32, #tpu.memory_space<vmem>> -> memref<128xi32, #tpu.memory_space<vmem>>
        %dma_wait3A_1039 = arith.constant 0 : i32
        %dma_wait3A_1040 = arith.constant 0 : i32
        %dma_wait3A_1041 = tpu.memref_slice %arg3[%dma_wait3A_1039, %dma_wait3A_1040] : memref<1000000x64xf32, #tpu.memory_space<hbm>> -> memref<1000000x64xf32, #tpu.memory_space<hbm>>
        %dma_wait3A_1042 = tpu.memref_slice %arg9[%sub3A_774] : memref<2x!tpu.dma_semaphore, #tpu.memory_space<semaphore_mem>> -> memref<1x!tpu.dma_semaphore, #tpu.memory_space<semaphore_mem>>
        %dma_wait3A_1043 = tpu.memref_squeeze %dma_wait3A_1042 : memref<1x!tpu.dma_semaphore, #tpu.memory_space<semaphore_mem>> -> memref<!tpu.dma_semaphore, #tpu.memory_space<semaphore_mem>>
        tpu.wait_indirect_dma semaphore(%dma_wait3A_1043 : memref<!tpu.dma_semaphore, #tpu.memory_space<semaphore_mem>>) src(%dma_wait3A_1041 : memref<1000000x64xf32, #tpu.memory_space<hbm>>) dst(%dma_wait3A_1035 : memref<128x64xf32, #tpu.memory_space<vmem>>)
        %ge3A_1044 = arith.constant 3 : i32
        %ge3A_1045 = arith.cmpi sge, %scan3A_771, %ge3A_1044 : i32
        %convert_element_type3A_1046 = arith.extui %ge3A_1045 : i1 to i32
        %cond3A_1047 = arith.constant 0 : i32
        %cond3A_1048 = arith.cmpi ne, %convert_element_type3A_1046, %cond3A_1047 : i32
        scf.if %cond3A_1048 {
          %sub3A_1073 = arith.constant 2 : i32
          %sub3A_1074 = arith.subi %sub3A_783, %sub3A_1073 : i32
          %mul3A_1075 = arith.constant 128 : i32
          %mul3A_1076 = arith.muli %sub3A_1074, %mul3A_1075 : i32
          %add3A_1077 = arith.addi %mul3A_2, %mul3A_1076 : i32
          %dma_wait3A_1078 = arith.constant 0 : i32
          %dma_wait3A_1079 = arith.constant 0 : i32
          %dma_wait3A_1080 = tpu.memref_slice %arg7[%sub3A_774, %dma_wait3A_1078, %dma_wait3A_1079] : memref<2x128x64xf32, #tpu.memory_space<vmem>> -> memref<1x128x64xf32, #tpu.memory_space<vmem>>
          %dma_wait3A_1081 = tpu.memref_squeeze %dma_wait3A_1080 : memref<1x128x64xf32, #tpu.memory_space<vmem>> -> memref<128x64xf32, #tpu.memory_space<vmem>>
          %dma_wait3A_1082 = arith.constant 0 : i32
          %dma_wait3A_1083 = tpu.memref_slice %arg4[%add3A_1077, %dma_wait3A_1082] : memref<106496x64xf32, #tpu.memory_space<hbm>> -> memref<128x64xf32, #tpu.memory_space<hbm>>
          %dma_wait3A_1084 = tpu.memref_slice %arg10[%sub3A_774] : memref<2x!tpu.dma_semaphore, #tpu.memory_space<semaphore_mem>> -> memref<1x!tpu.dma_semaphore, #tpu.memory_space<semaphore_mem>>
          %dma_wait3A_1085 = tpu.memref_squeeze %dma_wait3A_1084 : memref<1x!tpu.dma_semaphore, #tpu.memory_space<semaphore_mem>> -> memref<!tpu.dma_semaphore, #tpu.memory_space<semaphore_mem>>
          %dma_wait3A_1086 = arith.constant 0 : i32
          %dma_wait3A_1087 = tpu.memref_slice %arg4[%add3A_1077, %dma_wait3A_1086] : memref<106496x64xf32, #tpu.memory_space<hbm>> -> memref<128x64xf32, #tpu.memory_space<hbm>>
          %dma_wait3A_1088 = arith.constant 0 : i32
          %dma_wait3A_1089 = arith.constant 0 : i32
          %dma_wait3A_1090 = tpu.memref_slice %arg7[%sub3A_774, %dma_wait3A_1088, %dma_wait3A_1089] : memref<2x128x64xf32, #tpu.memory_space<vmem>> -> memref<1x128x64xf32, #tpu.memory_space<vmem>>
          %dma_wait3A_1091 = tpu.memref_squeeze %dma_wait3A_1090 : memref<1x128x64xf32, #tpu.memory_space<vmem>> -> memref<128x64xf32, #tpu.memory_space<vmem>>
          tpu.wait_dma2 semaphore(%dma_wait3A_1085 : memref<!tpu.dma_semaphore, #tpu.memory_space<semaphore_mem>>) src(%dma_wait3A_1091 : memref<128x64xf32, #tpu.memory_space<vmem>>) dst(%dma_wait3A_1087 : memref<128x64xf32, #tpu.memory_space<hbm>>)
        } else {
        }
        %scan3A_1049 = arith.constant 0 : i32
        %scan3A_1050 = arith.constant 0 : i32
        %scan3A_1051 = arith.constant 128 : i32
        %scan3A_1052 = arith.addi %scan3A_1050, %scan3A_1051 : i32
        %scan3A_1053 = arith.constant 4 : i32
        %scan3A_1054 = scf.for %scan3A_1073 = %scan3A_1050 to %scan3A_1052 step %scan3A_1053 iter_args(%scan3A_1074 = %scan3A_1049) -> (i32)  : i32 {
          %get3A = arith.index_cast %sub3A_774 : i32 to index
          %get3A_1075 = arith.index_cast %scan3A_1073 : i32 to index
          %get3A_1076 = arith.constant 0 : index
          %get3A_1077 = tpu.vector_load %arg6[%get3A, %get3A_1075, %get3A_1076] {strides = array<i32>} : memref<2x128x64xf32, #tpu.memory_space<vmem>>, vector<1x1x16xf32>,
          %get3A_1078 = vector.shape_cast %get3A_1077 : vector<1x1x16xf32> to vector<16xf32>
          %mul3A_1079 = arith.constant 5.000000e-02 : f32
          %mul3A_1080 = vector.broadcast %mul3A_1079 : f32 to vector<16xf32>
          %mul3A_1081 = arith.mulf %get3A_1078, %mul3A_1080 : vector<16xf32>
          %swap3A = arith.index_cast %sub3A_774 : i32 to index
          %swap3A_1082 = arith.index_cast %scan3A_1073 : i32 to index
          %swap3A_1083 = arith.constant 0 : index
          %swap3A_1084 = tpu.vector_load %arg7[%swap3A, %swap3A_1082, %swap3A_1083] {strides = array<i32>} : memref<2x128x64xf32, #tpu.memory_space<vmem>>, vector<1x1x16xf32>,
          %swap3A_1085 = vector.shape_cast %swap3A_1084 : vector<1x1x16xf32> to vector<16xf32>
          %swap3A_1086 = vector.shape_cast %mul3A_1081 : vector<16xf32> to vector<1x1x16xf32>
          tpu.vector_store %arg7[%swap3A, %swap3A_1082, %swap3A_1083], %swap3A_1086 {strides = array<i32>} : memref<2x128x64xf32, #tpu.memory_space<vmem>>, vector<1x1x16xf32>,
          %swap3A_1087 = arith.index_cast %sub3A_774 : i32 to index
          %swap3A_1088 = arith.index_cast %scan3A_1073 : i32 to index
          %swap3A_1089 = arith.constant 0 : index
          %swap3A_1090 = tpu.vector_load %arg6[%swap3A_1087, %swap3A_1088, %swap3A_1089] {strides = array<i32>} : memref<2x128x64xf32, #tpu.memory_space<vmem>>, vector<1x1x16xf32>,
          %swap3A_1091 = vector.shape_cast %swap3A_1090 : vector<1x1x16xf32> to vector<16xf32>
          %swap3A_1092 = vector.shape_cast %broadcast_in_dim3A_3 : vector<16xf32> to vector<1x1x16xf32>
          tpu.vector_store %arg6[%swap3A_1087, %swap3A_1088, %swap3A_1089], %swap3A_1092 {strides = array<i32>} : memref<2x128x64xf32, #tpu.memory_space<vmem>>, vector<1x1x16xf32>,
          %get3A_1093 = arith.index_cast %sub3A_774 : i32 to index
          %get3A_1094 = arith.index_cast %scan3A_1073 : i32 to index
          %get3A_1095 = arith.constant 16 : index
          %get3A_1096 = tpu.vector_load %arg6[%get3A_1093, %get3A_1094, %get3A_1095] {strides = array<i32>} : memref<2x128x64xf32, #tpu.memory_space<vmem>>, vector<1x1x16xf32>,
          %get3A_1097 = vector.shape_cast %get3A_1096 : vector<1x1x16xf32> to vector<16xf32>
          %mul3A_1098 = arith.constant 5.000000e-02 : f32
          %mul3A_1099 = vector.broadcast %mul3A_1098 : f32 to vector<16xf32>
          %mul3A_1100 = arith.mulf %get3A_1097, %mul3A_1099 : vector<16xf32>
          %swap3A_1101 = arith.index_cast %sub3A_774 : i32 to index
          %swap3A_1102 = arith.index_cast %scan3A_1073 : i32 to index
          %swap3A_1103 = arith.constant 16 : index
          %swap3A_1104 = tpu.vector_load %arg7[%swap3A_1101, %swap3A_1102, %swap3A_1103] {strides = array<i32>} : memref<2x128x64xf32, #tpu.memory_space<vmem>>, vector<1x1x16xf32>,
          %swap3A_1105 = vector.shape_cast %swap3A_1104 : vector<1x1x16xf32> to vector<16xf32>
          %swap3A_1106 = vector.shape_cast %mul3A_1100 : vector<16xf32> to vector<1x1x16xf32>
          tpu.vector_store %arg7[%swap3A_1101, %swap3A_1102, %swap3A_1103], %swap3A_1106 {strides = array<i32>} : memref<2x128x64xf32, #tpu.memory_space<vmem>>, vector<1x1x16xf32>,
          %swap3A_1107 = arith.index_cast %sub3A_774 : i32 to index
          %swap3A_1108 = arith.index_cast %scan3A_1073 : i32 to index
          %swap3A_1109 = arith.constant 16 : index
          %swap3A_1110 = tpu.vector_load %arg6[%swap3A_1107, %swap3A_1108, %swap3A_1109] {strides = array<i32>} : memref<2x128x64xf32, #tpu.memory_space<vmem>>, vector<1x1x16xf32>,
          %swap3A_1111 = vector.shape_cast %swap3A_1110 : vector<1x1x16xf32> to vector<16xf32>
          %swap3A_1112 = vector.shape_cast %broadcast_in_dim3A_3 : vector<16xf32> to vector<1x1x16xf32>
          tpu.vector_store %arg6[%swap3A_1107, %swap3A_1108, %swap3A_1109], %swap3A_1112 {strides = array<i32>} : memref<2x128x64xf32, #tpu.memory_space<vmem>>, vector<1x1x16xf32>,
          %get3A_1113 = arith.index_cast %sub3A_774 : i32 to index
          %get3A_1114 = arith.index_cast %scan3A_1073 : i32 to index
          %get3A_1115 = arith.constant 32 : index
          %get3A_1116 = tpu.vector_load %arg6[%get3A_1113, %get3A_1114, %get3A_1115] {strides = array<i32>} : memref<2x128x64xf32, #tpu.memory_space<vmem>>, vector<1x1x16xf32>,
          %get3A_1117 = vector.shape_cast %get3A_1116 : vector<1x1x16xf32> to vector<16xf32>
          %mul3A_1118 = arith.constant 5.000000e-02 : f32
          %mul3A_1119 = vector.broadcast %mul3A_1118 : f32 to vector<16xf32>
          %mul3A_1120 = arith.mulf %get3A_1117, %mul3A_1119 : vector<16xf32>
          %swap3A_1121 = arith.index_cast %sub3A_774 : i32 to index
          %swap3A_1122 = arith.index_cast %scan3A_1073 : i32 to index
          %swap3A_1123 = arith.constant 32 : index
          %swap3A_1124 = tpu.vector_load %arg7[%swap3A_1121, %swap3A_1122, %swap3A_1123] {strides = array<i32>} : memref<2x128x64xf32, #tpu.memory_space<vmem>>, vector<1x1x16xf32>,
          %swap3A_1125 = vector.shape_cast %swap3A_1124 : vector<1x1x16xf32> to vector<16xf32>
          %swap3A_1126 = vector.shape_cast %mul3A_1120 : vector<16xf32> to vector<1x1x16xf32>
          tpu.vector_store %arg7[%swap3A_1121, %swap3A_1122, %swap3A_1123], %swap3A_1126 {strides = array<i32>} : memref<2x128x64xf32, #tpu.memory_space<vmem>>, vector<1x1x16xf32>,
          %swap3A_1127 = arith.index_cast %sub3A_774 : i32 to index
          %swap3A_1128 = arith.index_cast %scan3A_1073 : i32 to index
          %swap3A_1129 = arith.constant 32 : index
          %swap3A_1130 = tpu.vector_load %arg6[%swap3A_1127, %swap3A_1128, %swap3A_1129] {strides = array<i32>} : memref<2x128x64xf32, #tpu.memory_space<vmem>>, vector<1x1x16xf32>,
          %swap3A_1131 = vector.shape_cast %swap3A_1130 : vector<1x1x16xf32> to vector<16xf32>
          %swap3A_1132 = vector.shape_cast %broadcast_in_dim3A_3 : vector<16xf32> to vector<1x1x16xf32>
          tpu.vector_store %arg6[%swap3A_1127, %swap3A_1128, %swap3A_1129], %swap3A_1132 {strides = array<i32>} : memref<2x128x64xf32, #tpu.memory_space<vmem>>, vector<1x1x16xf32>,
          %get3A_1133 = arith.index_cast %sub3A_774 : i32 to index
          %get3A_1134 = arith.index_cast %scan3A_1073 : i32 to index
          %get3A_1135 = arith.constant 48 : index
          %get3A_1136 = tpu.vector_load %arg6[%get3A_1133, %get3A_1134, %get3A_1135] {strides = array<i32>} : memref<2x128x64xf32, #tpu.memory_space<vmem>>, vector<1x1x16xf32>,
          %get3A_1137 = vector.shape_cast %get3A_1136 : vector<1x1x16xf32> to vector<16xf32>
          %mul3A_1138 = arith.constant 5.000000e-02 : f32
          %mul3A_1139 = vector.broadcast %mul3A_1138 : f32 to vector<16xf32>
          %mul3A_1140 = arith.mulf %get3A_1137, %mul3A_1139 : vector<16xf32>
          %swap3A_1141 = arith.index_cast %sub3A_774 : i32 to index
          %swap3A_1142 = arith.index_cast %scan3A_1073 : i32 to index
          %swap3A_1143 = arith.constant 48 : index
          %swap3A_1144 = tpu.vector_load %arg7[%swap3A_1141, %swap3A_1142, %swap3A_1143] {strides = array<i32>} : memref<2x128x64xf32, #tpu.memory_space<vmem>>, vector<1x1x16xf32>,
          %swap3A_1145 = vector.shape_cast %swap3A_1144 : vector<1x1x16xf32> to vector<16xf32>
          %swap3A_1146 = vector.shape_cast %mul3A_1140 : vector<16xf32> to vector<1x1x16xf32>
          tpu.vector_store %arg7[%swap3A_1141, %swap3A_1142, %swap3A_1143], %swap3A_1146 {strides = array<i32>} : memref<2x128x64xf32, #tpu.memory_space<vmem>>, vector<1x1x16xf32>,
          %swap3A_1147 = arith.index_cast %sub3A_774 : i32 to index
          %swap3A_1148 = arith.index_cast %scan3A_1073 : i32 to index
          %swap3A_1149 = arith.constant 48 : index
          %swap3A_1150 = tpu.vector_load %arg6[%swap3A_1147, %swap3A_1148, %swap3A_1149] {strides = array<i32>} : memref<2x128x64xf32, #tpu.memory_space<vmem>>, vector<1x1x16xf32>,
          %swap3A_1151 = vector.shape_cast %swap3A_1150 : vector<1x1x16xf32> to vector<16xf32>
          %swap3A_1152 = vector.shape_cast %broadcast_in_dim3A_3 : vector<16xf32> to vector<1x1x16xf32>
          tpu.vector_store %arg6[%swap3A_1147, %swap3A_1148, %swap3A_1149], %swap3A_1152 {strides = array<i32>} : memref<2x128x64xf32, #tpu.memory_space<vmem>>, vector<1x1x16xf32>,
          %scan3A_1153 = arith.constant 0 : i32
          %scan3A_1154 = arith.constant 1 : i32
          %scan3A_1155 = arith.addi %scan3A_1073, %scan3A_1154 : i32
          %get3A_1156 = arith.index_cast %sub3A_774 : i32 to index
          %get3A_1157 = arith.index_cast %scan3A_1155 : i32 to index
          %get3A_1158 = arith.constant 0 : index
          %get3A_1159 = tpu.vector_load %arg6[%get3A_1156, %get3A_1157, %get3A_1158] {strides = array<i32>} : memref<2x128x64xf32, #tpu.memory_space<vmem>>, vector<1x1x16xf32>,
          %get3A_1160 = vector.shape_cast %get3A_1159 : vector<1x1x16xf32> to vector<16xf32>
          %mul3A_1161 = arith.constant 5.000000e-02 : f32
          %mul3A_1162 = vector.broadcast %mul3A_1161 : f32 to vector<16xf32>
          %mul3A_1163 = arith.mulf %get3A_1160, %mul3A_1162 : vector<16xf32>
          %swap3A_1164 = arith.index_cast %sub3A_774 : i32 to index
          %swap3A_1165 = arith.index_cast %scan3A_1155 : i32 to index
          %swap3A_1166 = arith.constant 0 : index
          %swap3A_1167 = tpu.vector_load %arg7[%swap3A_1164, %swap3A_1165, %swap3A_1166] {strides = array<i32>} : memref<2x128x64xf32, #tpu.memory_space<vmem>>, vector<1x1x16xf32>,
          %swap3A_1168 = vector.shape_cast %swap3A_1167 : vector<1x1x16xf32> to vector<16xf32>
          %swap3A_1169 = vector.shape_cast %mul3A_1163 : vector<16xf32> to vector<1x1x16xf32>
          tpu.vector_store %arg7[%swap3A_1164, %swap3A_1165, %swap3A_1166], %swap3A_1169 {strides = array<i32>} : memref<2x128x64xf32, #tpu.memory_space<vmem>>, vector<1x1x16xf32>,
          %swap3A_1170 = arith.index_cast %sub3A_774 : i32 to index
          %swap3A_1171 = arith.index_cast %scan3A_1155 : i32 to index
          %swap3A_1172 = arith.constant 0 : index
          %swap3A_1173 = tpu.vector_load %arg6[%swap3A_1170, %swap3A_1171, %swap3A_1172] {strides = array<i32>} : memref<2x128x64xf32, #tpu.memory_space<vmem>>, vector<1x1x16xf32>,
          %swap3A_1174 = vector.shape_cast %swap3A_1173 : vector<1x1x16xf32> to vector<16xf32>
          %swap3A_1175 = vector.shape_cast %broadcast_in_dim3A_3 : vector<16xf32> to vector<1x1x16xf32>
          tpu.vector_store %arg6[%swap3A_1170, %swap3A_1171, %swap3A_1172], %swap3A_1175 {strides = array<i32>} : memref<2x128x64xf32, #tpu.memory_space<vmem>>, vector<1x1x16xf32>,
          %get3A_1176 = arith.index_cast %sub3A_774 : i32 to index
          %get3A_1177 = arith.index_cast %scan3A_1155 : i32 to index
          %get3A_1178 = arith.constant 16 : index
          %get3A_1179 = tpu.vector_load %arg6[%get3A_1176, %get3A_1177, %get3A_1178] {strides = array<i32>} : memref<2x128x64xf32, #tpu.memory_space<vmem>>, vector<1x1x16xf32>,
          %get3A_1180 = vector.shape_cast %get3A_1179 : vector<1x1x16xf32> to vector<16xf32>
          %mul3A_1181 = arith.constant 5.000000e-02 : f32
          %mul3A_1182 = vector.broadcast %mul3A_1181 : f32 to vector<16xf32>
          %mul3A_1183 = arith.mulf %get3A_1180, %mul3A_1182 : vector<16xf32>
          %swap3A_1184 = arith.index_cast %sub3A_774 : i32 to index
          %swap3A_1185 = arith.index_cast %scan3A_1155 : i32 to index
          %swap3A_1186 = arith.constant 16 : index
          %swap3A_1187 = tpu.vector_load %arg7[%swap3A_1184, %swap3A_1185, %swap3A_1186] {strides = array<i32>} : memref<2x128x64xf32, #tpu.memory_space<vmem>>, vector<1x1x16xf32>,
          %swap3A_1188 = vector.shape_cast %swap3A_1187 : vector<1x1x16xf32> to vector<16xf32>
          %swap3A_1189 = vector.shape_cast %mul3A_1183 : vector<16xf32> to vector<1x1x16xf32>
          tpu.vector_store %arg7[%swap3A_1184, %swap3A_1185, %swap3A_1186], %swap3A_1189 {strides = array<i32>} : memref<2x128x64xf32, #tpu.memory_space<vmem>>, vector<1x1x16xf32>,
          %swap3A_1190 = arith.index_cast %sub3A_774 : i32 to index
          %swap3A_1191 = arith.index_cast %scan3A_1155 : i32 to index
          %swap3A_1192 = arith.constant 16 : index
          %swap3A_1193 = tpu.vector_load %arg6[%swap3A_1190, %swap3A_1191, %swap3A_1192] {strides = array<i32>} : memref<2x128x64xf32, #tpu.memory_space<vmem>>, vector<1x1x16xf32>,
          %swap3A_1194 = vector.shape_cast %swap3A_1193 : vector<1x1x16xf32> to vector<16xf32>
          %swap3A_1195 = vector.shape_cast %broadcast_in_dim3A_3 : vector<16xf32> to vector<1x1x16xf32>
          tpu.vector_store %arg6[%swap3A_1190, %swap3A_1191, %swap3A_1192], %swap3A_1195 {strides = array<i32>} : memref<2x128x64xf32, #tpu.memory_space<vmem>>, vector<1x1x16xf32>,
          %get3A_1196 = arith.index_cast %sub3A_774 : i32 to index
          %get3A_1197 = arith.index_cast %scan3A_1155 : i32 to index
          %get3A_1198 = arith.constant 32 : index
          %get3A_1199 = tpu.vector_load %arg6[%get3A_1196, %get3A_1197, %get3A_1198] {strides = array<i32>} : memref<2x128x64xf32, #tpu.memory_space<vmem>>, vector<1x1x16xf32>,
          %get3A_1200 = vector.shape_cast %get3A_1199 : vector<1x1x16xf32> to vector<16xf32>
          %mul3A_1201 = arith.constant 5.000000e-02 : f32
          %mul3A_1202 = vector.broadcast %mul3A_1201 : f32 to vector<16xf32>
          %mul3A_1203 = arith.mulf %get3A_1200, %mul3A_1202 : vector<16xf32>
          %swap3A_1204 = arith.index_cast %sub3A_774 : i32 to index
          %swap3A_1205 = arith.index_cast %scan3A_1155 : i32 to index
          %swap3A_1206 = arith.constant 32 : index
          %swap3A_1207 = tpu.vector_load %arg7[%swap3A_1204, %swap3A_1205, %swap3A_1206] {strides = array<i32>} : memref<2x128x64xf32, #tpu.memory_space<vmem>>, vector<1x1x16xf32>,
          %swap3A_1208 = vector.shape_cast %swap3A_1207 : vector<1x1x16xf32> to vector<16xf32>
          %swap3A_1209 = vector.shape_cast %mul3A_1203 : vector<16xf32> to vector<1x1x16xf32>
          tpu.vector_store %arg7[%swap3A_1204, %swap3A_1205, %swap3A_1206], %swap3A_1209 {strides = array<i32>} : memref<2x128x64xf32, #tpu.memory_space<vmem>>, vector<1x1x16xf32>,
          %swap3A_1210 = arith.index_cast %sub3A_774 : i32 to index
          %swap3A_1211 = arith.index_cast %scan3A_1155 : i32 to index
          %swap3A_1212 = arith.constant 32 : index
          %swap3A_1213 = tpu.vector_load %arg6[%swap3A_1210, %swap3A_1211, %swap3A_1212] {strides = array<i32>} : memref<2x128x64xf32, #tpu.memory_space<vmem>>, vector<1x1x16xf32>,
          %swap3A_1214 = vector.shape_cast %swap3A_1213 : vector<1x1x16xf32> to vector<16xf32>
          %swap3A_1215 = vector.shape_cast %broadcast_in_dim3A_3 : vector<16xf32> to vector<1x1x16xf32>
          tpu.vector_store %arg6[%swap3A_1210, %swap3A_1211, %swap3A_1212], %swap3A_1215 {strides = array<i32>} : memref<2x128x64xf32, #tpu.memory_space<vmem>>, vector<1x1x16xf32>,
          %get3A_1216 = arith.index_cast %sub3A_774 : i32 to index
          %get3A_1217 = arith.index_cast %scan3A_1155 : i32 to index
          %get3A_1218 = arith.constant 48 : index
          %get3A_1219 = tpu.vector_load %arg6[%get3A_1216, %get3A_1217, %get3A_1218] {strides = array<i32>} : memref<2x128x64xf32, #tpu.memory_space<vmem>>, vector<1x1x16xf32>,
          %get3A_1220 = vector.shape_cast %get3A_1219 : vector<1x1x16xf32> to vector<16xf32>
          %mul3A_1221 = arith.constant 5.000000e-02 : f32
          %mul3A_1222 = vector.broadcast %mul3A_1221 : f32 to vector<16xf32>
          %mul3A_1223 = arith.mulf %get3A_1220, %mul3A_1222 : vector<16xf32>
          %swap3A_1224 = arith.index_cast %sub3A_774 : i32 to index
          %swap3A_1225 = arith.index_cast %scan3A_1155 : i32 to index
          %swap3A_1226 = arith.constant 48 : index
          %swap3A_1227 = tpu.vector_load %arg7[%swap3A_1224, %swap3A_1225, %swap3A_1226] {strides = array<i32>} : memref<2x128x64xf32, #tpu.memory_space<vmem>>, vector<1x1x16xf32>,
          %swap3A_1228 = vector.shape_cast %swap3A_1227 : vector<1x1x16xf32> to vector<16xf32>
          %swap3A_1229 = vector.shape_cast %mul3A_1223 : vector<16xf32> to vector<1x1x16xf32>
          tpu.vector_store %arg7[%swap3A_1224, %swap3A_1225, %swap3A_1226], %swap3A_1229 {strides = array<i32>} : memref<2x128x64xf32, #tpu.memory_space<vmem>>, vector<1x1x16xf32>,
          %swap3A_1230 = arith.index_cast %sub3A_774 : i32 to index
          %swap3A_1231 = arith.index_cast %scan3A_1155 : i32 to index
          %swap3A_1232 = arith.constant 48 : index
          %swap3A_1233 = tpu.vector_load %arg6[%swap3A_1230, %swap3A_1231, %swap3A_1232] {strides = array<i32>} : memref<2x128x64xf32, #tpu.memory_space<vmem>>, vector<1x1x16xf32>,
          %swap3A_1234 = vector.shape_cast %swap3A_1233 : vector<1x1x16xf32> to vector<16xf32>
          %swap3A_1235 = vector.shape_cast %broadcast_in_dim3A_3 : vector<16xf32> to vector<1x1x16xf32>
          tpu.vector_store %arg6[%swap3A_1230, %swap3A_1231, %swap3A_1232], %swap3A_1235 {strides = array<i32>} : memref<2x128x64xf32, #tpu.memory_space<vmem>>, vector<1x1x16xf32>,
          %scan3A_1236 = arith.constant 0 : i32
          %scan3A_1237 = arith.constant 2 : i32
          %scan3A_1238 = arith.addi %scan3A_1073, %scan3A_1237 : i32
          %get3A_1239 = arith.index_cast %sub3A_774 : i32 to index
          %get3A_1240 = arith.index_cast %scan3A_1238 : i32 to index
          %get3A_1241 = arith.constant 0 : index
          %get3A_1242 = tpu.vector_load %arg6[%get3A_1239, %get3A_1240, %get3A_1241] {strides = array<i32>} : memref<2x128x64xf32, #tpu.memory_space<vmem>>, vector<1x1x16xf32>,
          %get3A_1243 = vector.shape_cast %get3A_1242 : vector<1x1x16xf32> to vector<16xf32>
          %mul3A_1244 = arith.constant 5.000000e-02 : f32
          %mul3A_1245 = vector.broadcast %mul3A_1244 : f32 to vector<16xf32>
          %mul3A_1246 = arith.mulf %get3A_1243, %mul3A_1245 : vector<16xf32>
          %swap3A_1247 = arith.index_cast %sub3A_774 : i32 to index
          %swap3A_1248 = arith.index_cast %scan3A_1238 : i32 to index
          %swap3A_1249 = arith.constant 0 : index
          %swap3A_1250 = tpu.vector_load %arg7[%swap3A_1247, %swap3A_1248, %swap3A_1249] {strides = array<i32>} : memref<2x128x64xf32, #tpu.memory_space<vmem>>, vector<1x1x16xf32>,
          %swap3A_1251 = vector.shape_cast %swap3A_1250 : vector<1x1x16xf32> to vector<16xf32>
          %swap3A_1252 = vector.shape_cast %mul3A_1246 : vector<16xf32> to vector<1x1x16xf32>
          tpu.vector_store %arg7[%swap3A_1247, %swap3A_1248, %swap3A_1249], %swap3A_1252 {strides = array<i32>} : memref<2x128x64xf32, #tpu.memory_space<vmem>>, vector<1x1x16xf32>,
          %swap3A_1253 = arith.index_cast %sub3A_774 : i32 to index
          %swap3A_1254 = arith.index_cast %scan3A_1238 : i32 to index
          %swap3A_1255 = arith.constant 0 : index
          %swap3A_1256 = tpu.vector_load %arg6[%swap3A_1253, %swap3A_1254, %swap3A_1255] {strides = array<i32>} : memref<2x128x64xf32, #tpu.memory_space<vmem>>, vector<1x1x16xf32>,
          %swap3A_1257 = vector.shape_cast %swap3A_1256 : vector<1x1x16xf32> to vector<16xf32>
          %swap3A_1258 = vector.shape_cast %broadcast_in_dim3A_3 : vector<16xf32> to vector<1x1x16xf32>
          tpu.vector_store %arg6[%swap3A_1253, %swap3A_1254, %swap3A_1255], %swap3A_1258 {strides = array<i32>} : memref<2x128x64xf32, #tpu.memory_space<vmem>>, vector<1x1x16xf32>,
          %get3A_1259 = arith.index_cast %sub3A_774 : i32 to index
          %get3A_1260 = arith.index_cast %scan3A_1238 : i32 to index
          %get3A_1261 = arith.constant 16 : index
          %get3A_1262 = tpu.vector_load %arg6[%get3A_1259, %get3A_1260, %get3A_1261] {strides = array<i32>} : memref<2x128x64xf32, #tpu.memory_space<vmem>>, vector<1x1x16xf32>,
          %get3A_1263 = vector.shape_cast %get3A_1262 : vector<1x1x16xf32> to vector<16xf32>
          %mul3A_1264 = arith.constant 5.000000e-02 : f32
          %mul3A_1265 = vector.broadcast %mul3A_1264 : f32 to vector<16xf32>
          %mul3A_1266 = arith.mulf %get3A_1263, %mul3A_1265 : vector<16xf32>
          %swap3A_1267 = arith.index_cast %sub3A_774 : i32 to index
          %swap3A_1268 = arith.index_cast %scan3A_1238 : i32 to index
          %swap3A_1269 = arith.constant 16 : index
          %swap3A_1270 = tpu.vector_load %arg7[%swap3A_1267, %swap3A_1268, %swap3A_1269] {strides = array<i32>} : memref<2x128x64xf32, #tpu.memory_space<vmem>>, vector<1x1x16xf32>,
          %swap3A_1271 = vector.shape_cast %swap3A_1270 : vector<1x1x16xf32> to vector<16xf32>
          %swap3A_1272 = vector.shape_cast %mul3A_1266 : vector<16xf32> to vector<1x1x16xf32>
          tpu.vector_store %arg7[%swap3A_1267, %swap3A_1268, %swap3A_1269], %swap3A_1272 {strides = array<i32>} : memref<2x128x64xf32, #tpu.memory_space<vmem>>, vector<1x1x16xf32>,
          %swap3A_1273 = arith.index_cast %sub3A_774 : i32 to index
          %swap3A_1274 = arith.index_cast %scan3A_1238 : i32 to index
          %swap3A_1275 = arith.constant 16 : index
          %swap3A_1276 = tpu.vector_load %arg6[%swap3A_1273, %swap3A_1274, %swap3A_1275] {strides = array<i32>} : memref<2x128x64xf32, #tpu.memory_space<vmem>>, vector<1x1x16xf32>,
          %swap3A_1277 = vector.shape_cast %swap3A_1276 : vector<1x1x16xf32> to vector<16xf32>
          %swap3A_1278 = vector.shape_cast %broadcast_in_dim3A_3 : vector<16xf32> to vector<1x1x16xf32>
          tpu.vector_store %arg6[%swap3A_1273, %swap3A_1274, %swap3A_1275], %swap3A_1278 {strides = array<i32>} : memref<2x128x64xf32, #tpu.memory_space<vmem>>, vector<1x1x16xf32>,
          %get3A_1279 = arith.index_cast %sub3A_774 : i32 to index
          %get3A_1280 = arith.index_cast %scan3A_1238 : i32 to index
          %get3A_1281 = arith.constant 32 : index
          %get3A_1282 = tpu.vector_load %arg6[%get3A_1279, %get3A_1280, %get3A_1281] {strides = array<i32>} : memref<2x128x64xf32, #tpu.memory_space<vmem>>, vector<1x1x16xf32>,
          %get3A_1283 = vector.shape_cast %get3A_1282 : vector<1x1x16xf32> to vector<16xf32>
          %mul3A_1284 = arith.constant 5.000000e-02 : f32
          %mul3A_1285 = vector.broadcast %mul3A_1284 : f32 to vector<16xf32>
          %mul3A_1286 = arith.mulf %get3A_1283, %mul3A_1285 : vector<16xf32>
          %swap3A_1287 = arith.index_cast %sub3A_774 : i32 to index
          %swap3A_1288 = arith.index_cast %scan3A_1238 : i32 to index
          %swap3A_1289 = arith.constant 32 : index
          %swap3A_1290 = tpu.vector_load %arg7[%swap3A_1287, %swap3A_1288, %swap3A_1289] {strides = array<i32>} : memref<2x128x64xf32, #tpu.memory_space<vmem>>, vector<1x1x16xf32>,
          %swap3A_1291 = vector.shape_cast %swap3A_1290 : vector<1x1x16xf32> to vector<16xf32>
          %swap3A_1292 = vector.shape_cast %mul3A_1286 : vector<16xf32> to vector<1x1x16xf32>
          tpu.vector_store %arg7[%swap3A_1287, %swap3A_1288, %swap3A_1289], %swap3A_1292 {strides = array<i32>} : memref<2x128x64xf32, #tpu.memory_space<vmem>>, vector<1x1x16xf32>,
          %swap3A_1293 = arith.index_cast %sub3A_774 : i32 to index
          %swap3A_1294 = arith.index_cast %scan3A_1238 : i32 to index
          %swap3A_1295 = arith.constant 32 : index
          %swap3A_1296 = tpu.vector_load %arg6[%swap3A_1293, %swap3A_1294, %swap3A_1295] {strides = array<i32>} : memref<2x128x64xf32, #tpu.memory_space<vmem>>, vector<1x1x16xf32>,
          %swap3A_1297 = vector.shape_cast %swap3A_1296 : vector<1x1x16xf32> to vector<16xf32>
          %swap3A_1298 = vector.shape_cast %broadcast_in_dim3A_3 : vector<16xf32> to vector<1x1x16xf32>
          tpu.vector_store %arg6[%swap3A_1293, %swap3A_1294, %swap3A_1295], %swap3A_1298 {strides = array<i32>} : memref<2x128x64xf32, #tpu.memory_space<vmem>>, vector<1x1x16xf32>,
          %get3A_1299 = arith.index_cast %sub3A_774 : i32 to index
          %get3A_1300 = arith.index_cast %scan3A_1238 : i32 to index
          %get3A_1301 = arith.constant 48 : index
          %get3A_1302 = tpu.vector_load %arg6[%get3A_1299, %get3A_1300, %get3A_1301] {strides = array<i32>} : memref<2x128x64xf32, #tpu.memory_space<vmem>>, vector<1x1x16xf32>,
          %get3A_1303 = vector.shape_cast %get3A_1302 : vector<1x1x16xf32> to vector<16xf32>
          %mul3A_1304 = arith.constant 5.000000e-02 : f32
          %mul3A_1305 = vector.broadcast %mul3A_1304 : f32 to vector<16xf32>
          %mul3A_1306 = arith.mulf %get3A_1303, %mul3A_1305 : vector<16xf32>
          %swap3A_1307 = arith.index_cast %sub3A_774 : i32 to index
          %swap3A_1308 = arith.index_cast %scan3A_1238 : i32 to index
          %swap3A_1309 = arith.constant 48 : index
          %swap3A_1310 = tpu.vector_load %arg7[%swap3A_1307, %swap3A_1308, %swap3A_1309] {strides = array<i32>} : memref<2x128x64xf32, #tpu.memory_space<vmem>>, vector<1x1x16xf32>,
          %swap3A_1311 = vector.shape_cast %swap3A_1310 : vector<1x1x16xf32> to vector<16xf32>
          %swap3A_1312 = vector.shape_cast %mul3A_1306 : vector<16xf32> to vector<1x1x16xf32>
          tpu.vector_store %arg7[%swap3A_1307, %swap3A_1308, %swap3A_1309], %swap3A_1312 {strides = array<i32>} : memref<2x128x64xf32, #tpu.memory_space<vmem>>, vector<1x1x16xf32>,
          %swap3A_1313 = arith.index_cast %sub3A_774 : i32 to index
          %swap3A_1314 = arith.index_cast %scan3A_1238 : i32 to index
          %swap3A_1315 = arith.constant 48 : index
          %swap3A_1316 = tpu.vector_load %arg6[%swap3A_1313, %swap3A_1314, %swap3A_1315] {strides = array<i32>} : memref<2x128x64xf32, #tpu.memory_space<vmem>>, vector<1x1x16xf32>,
          %swap3A_1317 = vector.shape_cast %swap3A_1316 : vector<1x1x16xf32> to vector<16xf32>
          %swap3A_1318 = vector.shape_cast %broadcast_in_dim3A_3 : vector<16xf32> to vector<1x1x16xf32>
          tpu.vector_store %arg6[%swap3A_1313, %swap3A_1314, %swap3A_1315], %swap3A_1318 {strides = array<i32>} : memref<2x128x64xf32, #tpu.memory_space<vmem>>, vector<1x1x16xf32>,
          %scan3A_1319 = arith.constant 0 : i32
          %scan3A_1320 = arith.constant 3 : i32
          %scan3A_1321 = arith.addi %scan3A_1073, %scan3A_1320 : i32
          %get3A_1322 = arith.index_cast %sub3A_774 : i32 to index
          %get3A_1323 = arith.index_cast %scan3A_1321 : i32 to index
          %get3A_1324 = arith.constant 0 : index
          %get3A_1325 = tpu.vector_load %arg6[%get3A_1322, %get3A_1323, %get3A_1324] {strides = array<i32>} : memref<2x128x64xf32, #tpu.memory_space<vmem>>, vector<1x1x16xf32>,
          %get3A_1326 = vector.shape_cast %get3A_1325 : vector<1x1x16xf32> to vector<16xf32>
          %mul3A_1327 = arith.constant 5.000000e-02 : f32
          %mul3A_1328 = vector.broadcast %mul3A_1327 : f32 to vector<16xf32>
          %mul3A_1329 = arith.mulf %get3A_1326, %mul3A_1328 : vector<16xf32>
          %swap3A_1330 = arith.index_cast %sub3A_774 : i32 to index
          %swap3A_1331 = arith.index_cast %scan3A_1321 : i32 to index
          %swap3A_1332 = arith.constant 0 : index
          %swap3A_1333 = tpu.vector_load %arg7[%swap3A_1330, %swap3A_1331, %swap3A_1332] {strides = array<i32>} : memref<2x128x64xf32, #tpu.memory_space<vmem>>, vector<1x1x16xf32>,
          %swap3A_1334 = vector.shape_cast %swap3A_1333 : vector<1x1x16xf32> to vector<16xf32>
          %swap3A_1335 = vector.shape_cast %mul3A_1329 : vector<16xf32> to vector<1x1x16xf32>
          tpu.vector_store %arg7[%swap3A_1330, %swap3A_1331, %swap3A_1332], %swap3A_1335 {strides = array<i32>} : memref<2x128x64xf32, #tpu.memory_space<vmem>>, vector<1x1x16xf32>,
          %swap3A_1336 = arith.index_cast %sub3A_774 : i32 to index
          %swap3A_1337 = arith.index_cast %scan3A_1321 : i32 to index
          %swap3A_1338 = arith.constant 0 : index
          %swap3A_1339 = tpu.vector_load %arg6[%swap3A_1336, %swap3A_1337, %swap3A_1338] {strides = array<i32>} : memref<2x128x64xf32, #tpu.memory_space<vmem>>, vector<1x1x16xf32>,
          %swap3A_1340 = vector.shape_cast %swap3A_1339 : vector<1x1x16xf32> to vector<16xf32>
          %swap3A_1341 = vector.shape_cast %broadcast_in_dim3A_3 : vector<16xf32> to vector<1x1x16xf32>
          tpu.vector_store %arg6[%swap3A_1336, %swap3A_1337, %swap3A_1338], %swap3A_1341 {strides = array<i32>} : memref<2x128x64xf32, #tpu.memory_space<vmem>>, vector<1x1x16xf32>,
          %get3A_1342 = arith.index_cast %sub3A_774 : i32 to index
          %get3A_1343 = arith.index_cast %scan3A_1321 : i32 to index
          %get3A_1344 = arith.constant 16 : index
          %get3A_1345 = tpu.vector_load %arg6[%get3A_1342, %get3A_1343, %get3A_1344] {strides = array<i32>} : memref<2x128x64xf32, #tpu.memory_space<vmem>>, vector<1x1x16xf32>,
          %get3A_1346 = vector.shape_cast %get3A_1345 : vector<1x1x16xf32> to vector<16xf32>
          %mul3A_1347 = arith.constant 5.000000e-02 : f32
          %mul3A_1348 = vector.broadcast %mul3A_1347 : f32 to vector<16xf32>
          %mul3A_1349 = arith.mulf %get3A_1346, %mul3A_1348 : vector<16xf32>
          %swap3A_1350 = arith.index_cast %sub3A_774 : i32 to index
          %swap3A_1351 = arith.index_cast %scan3A_1321 : i32 to index
          %swap3A_1352 = arith.constant 16 : index
          %swap3A_1353 = tpu.vector_load %arg7[%swap3A_1350, %swap3A_1351, %swap3A_1352] {strides = array<i32>} : memref<2x128x64xf32, #tpu.memory_space<vmem>>, vector<1x1x16xf32>,
          %swap3A_1354 = vector.shape_cast %swap3A_1353 : vector<1x1x16xf32> to vector<16xf32>
          %swap3A_1355 = vector.shape_cast %mul3A_1349 : vector<16xf32> to vector<1x1x16xf32>
          tpu.vector_store %arg7[%swap3A_1350, %swap3A_1351, %swap3A_1352], %swap3A_1355 {strides = array<i32>} : memref<2x128x64xf32, #tpu.memory_space<vmem>>, vector<1x1x16xf32>,
          %swap3A_1356 = arith.index_cast %sub3A_774 : i32 to index
          %swap3A_1357 = arith.index_cast %scan3A_1321 : i32 to index
          %swap3A_1358 = arith.constant 16 : index
          %swap3A_1359 = tpu.vector_load %arg6[%swap3A_1356, %swap3A_1357, %swap3A_1358] {strides = array<i32>} : memref<2x128x64xf32, #tpu.memory_space<vmem>>, vector<1x1x16xf32>,
          %swap3A_1360 = vector.shape_cast %swap3A_1359 : vector<1x1x16xf32> to vector<16xf32>
          %swap3A_1361 = vector.shape_cast %broadcast_in_dim3A_3 : vector<16xf32> to vector<1x1x16xf32>
          tpu.vector_store %arg6[%swap3A_1356, %swap3A_1357, %swap3A_1358], %swap3A_1361 {strides = array<i32>} : memref<2x128x64xf32, #tpu.memory_space<vmem>>, vector<1x1x16xf32>,
          %get3A_1362 = arith.index_cast %sub3A_774 : i32 to index
          %get3A_1363 = arith.index_cast %scan3A_1321 : i32 to index
          %get3A_1364 = arith.constant 32 : index
          %get3A_1365 = tpu.vector_load %arg6[%get3A_1362, %get3A_1363, %get3A_1364] {strides = array<i32>} : memref<2x128x64xf32, #tpu.memory_space<vmem>>, vector<1x1x16xf32>,
          %get3A_1366 = vector.shape_cast %get3A_1365 : vector<1x1x16xf32> to vector<16xf32>
          %mul3A_1367 = arith.constant 5.000000e-02 : f32
          %mul3A_1368 = vector.broadcast %mul3A_1367 : f32 to vector<16xf32>
          %mul3A_1369 = arith.mulf %get3A_1366, %mul3A_1368 : vector<16xf32>
          %swap3A_1370 = arith.index_cast %sub3A_774 : i32 to index
          %swap3A_1371 = arith.index_cast %scan3A_1321 : i32 to index
          %swap3A_1372 = arith.constant 32 : index
          %swap3A_1373 = tpu.vector_load %arg7[%swap3A_1370, %swap3A_1371, %swap3A_1372] {strides = array<i32>} : memref<2x128x64xf32, #tpu.memory_space<vmem>>, vector<1x1x16xf32>,
          %swap3A_1374 = vector.shape_cast %swap3A_1373 : vector<1x1x16xf32> to vector<16xf32>
          %swap3A_1375 = vector.shape_cast %mul3A_1369 : vector<16xf32> to vector<1x1x16xf32>
          tpu.vector_store %arg7[%swap3A_1370, %swap3A_1371, %swap3A_1372], %swap3A_1375 {strides = array<i32>} : memref<2x128x64xf32, #tpu.memory_space<vmem>>, vector<1x1x16xf32>,
          %swap3A_1376 = arith.index_cast %sub3A_774 : i32 to index
          %swap3A_1377 = arith.index_cast %scan3A_1321 : i32 to index
          %swap3A_1378 = arith.constant 32 : index
          %swap3A_1379 = tpu.vector_load %arg6[%swap3A_1376, %swap3A_1377, %swap3A_1378] {strides = array<i32>} : memref<2x128x64xf32, #tpu.memory_space<vmem>>, vector<1x1x16xf32>,
          %swap3A_1380 = vector.shape_cast %swap3A_1379 : vector<1x1x16xf32> to vector<16xf32>
          %swap3A_1381 = vector.shape_cast %broadcast_in_dim3A_3 : vector<16xf32> to vector<1x1x16xf32>
          tpu.vector_store %arg6[%swap3A_1376, %swap3A_1377, %swap3A_1378], %swap3A_1381 {strides = array<i32>} : memref<2x128x64xf32, #tpu.memory_space<vmem>>, vector<1x1x16xf32>,
          %get3A_1382 = arith.index_cast %sub3A_774 : i32 to index
          %get3A_1383 = arith.index_cast %scan3A_1321 : i32 to index
          %get3A_1384 = arith.constant 48 : index
          %get3A_1385 = tpu.vector_load %arg6[%get3A_1382, %get3A_1383, %get3A_1384] {strides = array<i32>} : memref<2x128x64xf32, #tpu.memory_space<vmem>>, vector<1x1x16xf32>,
          %get3A_1386 = vector.shape_cast %get3A_1385 : vector<1x1x16xf32> to vector<16xf32>
          %mul3A_1387 = arith.constant 5.000000e-02 : f32
          %mul3A_1388 = vector.broadcast %mul3A_1387 : f32 to vector<16xf32>
          %mul3A_1389 = arith.mulf %get3A_1386, %mul3A_1388 : vector<16xf32>
          %swap3A_1390 = arith.index_cast %sub3A_774 : i32 to index
          %swap3A_1391 = arith.index_cast %scan3A_1321 : i32 to index
          %swap3A_1392 = arith.constant 48 : index
          %swap3A_1393 = tpu.vector_load %arg7[%swap3A_1390, %swap3A_1391, %swap3A_1392] {strides = array<i32>} : memref<2x128x64xf32, #tpu.memory_space<vmem>>, vector<1x1x16xf32>,
          %swap3A_1394 = vector.shape_cast %swap3A_1393 : vector<1x1x16xf32> to vector<16xf32>
          %swap3A_1395 = vector.shape_cast %mul3A_1389 : vector<16xf32> to vector<1x1x16xf32>
          tpu.vector_store %arg7[%swap3A_1390, %swap3A_1391, %swap3A_1392], %swap3A_1395 {strides = array<i32>} : memref<2x128x64xf32, #tpu.memory_space<vmem>>, vector<1x1x16xf32>,
          %swap3A_1396 = arith.index_cast %sub3A_774 : i32 to index
          %swap3A_1397 = arith.index_cast %scan3A_1321 : i32 to index
          %swap3A_1398 = arith.constant 48 : index
          %swap3A_1399 = tpu.vector_load %arg6[%swap3A_1396, %swap3A_1397, %swap3A_1398] {strides = array<i32>} : memref<2x128x64xf32, #tpu.memory_space<vmem>>, vector<1x1x16xf32>,
          %swap3A_1400 = vector.shape_cast %swap3A_1399 : vector<1x1x16xf32> to vector<16xf32>
          %swap3A_1401 = vector.shape_cast %broadcast_in_dim3A_3 : vector<16xf32> to vector<1x1x16xf32>
          tpu.vector_store %arg6[%swap3A_1396, %swap3A_1397, %swap3A_1398], %swap3A_1401 {strides = array<i32>} : memref<2x128x64xf32, #tpu.memory_space<vmem>>, vector<1x1x16xf32>,
          %scan3A_1402 = arith.constant 0 : i32
          scf.yield %scan3A_1402 : i32
        }
        %scan3A_1055 = arith.constant 128 : i32
        %mul3A_1056 = arith.constant 128 : i32
        %mul3A_1057 = arith.muli %sub3A_783, %mul3A_1056 : i32
        %add3A_1058 = arith.addi %mul3A_2, %mul3A_1057 : i32
        %dma_start3A_1059 = arith.constant 0 : i32
        %dma_start3A_1060 = arith.constant 0 : i32
        %dma_start3A_1061 = tpu.memref_slice %arg7[%sub3A_774, %dma_start3A_1059, %dma_start3A_1060] : memref<2x128x64xf32, #tpu.memory_space<vmem>> -> memref<1x128x64xf32, #tpu.memory_space<vmem>>
        %dma_start3A_1062 = tpu.memref_squeeze %dma_start3A_1061 : memref<1x128x64xf32, #tpu.memory_space<vmem>> -> memref<128x64xf32, #tpu.memory_space<vmem>>
        %dma_start3A_1063 = arith.constant 0 : i32
        %dma_start3A_1064 = tpu.memref_slice %arg4[%add3A_1058, %dma_start3A_1063] : memref<106496x64xf32, #tpu.memory_space<hbm>> -> memref<128x64xf32, #tpu.memory_space<hbm>>
        %dma_start3A_1065 = tpu.memref_slice %arg10[%sub3A_774] : memref<2x!tpu.dma_semaphore, #tpu.memory_space<semaphore_mem>> -> memref<1x!tpu.dma_semaphore, #tpu.memory_space<semaphore_mem>>
        %dma_start3A_1066 = tpu.memref_squeeze %dma_start3A_1065 : memref<1x!tpu.dma_semaphore, #tpu.memory_space<semaphore_mem>> -> memref<!tpu.dma_semaphore, #tpu.memory_space<semaphore_mem>>
        %dma_start3A_1067 = arith.constant 0 : i32
        %dma_start3A_1068 = tpu.memref_slice %arg4[%add3A_1058, %dma_start3A_1067] : memref<106496x64xf32, #tpu.memory_space<hbm>> -> memref<128x64xf32, #tpu.memory_space<hbm>>
        %dma_start3A_1069 = arith.constant 0 : i32
        %dma_start3A_1070 = arith.constant 0 : i32
        %dma_start3A_1071 = tpu.memref_slice %arg7[%sub3A_774, %dma_start3A_1069, %dma_start3A_1070] : memref<2x128x64xf32, #tpu.memory_space<vmem>> -> memref<1x128x64xf32, #tpu.memory_space<vmem>>
        %dma_start3A_1072 = tpu.memref_squeeze %dma_start3A_1071 : memref<1x128x64xf32, #tpu.memory_space<vmem>> -> memref<128x64xf32, #tpu.memory_space<vmem>>
        tpu.enqueue_dma source(%dma_start3A_1072 : memref<128x64xf32, #tpu.memory_space<vmem>>) target(%dma_start3A_1068 : memref<128x64xf32, #tpu.memory_space<hbm>>) target_semaphore(%dma_start3A_1066 : memref<!tpu.dma_semaphore, #tpu.memory_space<semaphore_mem>>)
      } else {
      }
      %scan3A_781 = arith.constant 0 : i32
      scf.yield %scan3A_781 : i32
    }
    %scan3A_734 = arith.constant 27 : i32
    %add3A_735 = arith.constant 3072 : i32
    %add3A_736 = arith.addi %mul3A_2, %add3A_735 : i32
    %dma_wait3A_737 = arith.constant 0 : i32
    %dma_wait3A_738 = arith.constant 0 : i32
    %dma_wait3A_739 = arith.constant 0 : i32
    %dma_wait3A_740 = arith.constant 0 : i32
    %dma_wait3A_741 = tpu.memref_slice %arg7[%dma_wait3A_737, %dma_wait3A_739, %dma_wait3A_740] : memref<2x128x64xf32, #tpu.memory_space<vmem>> -> memref<1x128x64xf32, #tpu.memory_space<vmem>>
    %dma_wait3A_742 = tpu.memref_squeeze %dma_wait3A_741 : memref<1x128x64xf32, #tpu.memory_space<vmem>> -> memref<128x64xf32, #tpu.memory_space<vmem>>
    %dma_wait3A_743 = arith.constant 0 : i32
    %dma_wait3A_744 = tpu.memref_slice %arg4[%add3A_736, %dma_wait3A_743] : memref<106496x64xf32, #tpu.memory_space<hbm>> -> memref<128x64xf32, #tpu.memory_space<hbm>>
    %dma_wait3A_745 = tpu.memref_slice %arg10[%dma_wait3A_738] : memref<2x!tpu.dma_semaphore, #tpu.memory_space<semaphore_mem>> -> memref<1x!tpu.dma_semaphore, #tpu.memory_space<semaphore_mem>>
    %dma_wait3A_746 = tpu.memref_squeeze %dma_wait3A_745 : memref<1x!tpu.dma_semaphore, #tpu.memory_space<semaphore_mem>> -> memref<!tpu.dma_semaphore, #tpu.memory_space<semaphore_mem>>
    %dma_wait3A_747 = arith.constant 0 : i32
    %dma_wait3A_748 = tpu.memref_slice %arg4[%add3A_736, %dma_wait3A_747] : memref<106496x64xf32, #tpu.memory_space<hbm>> -> memref<128x64xf32, #tpu.memory_space<hbm>>
    %dma_wait3A_749 = arith.constant 0 : i32
    %dma_wait3A_750 = arith.constant 0 : i32
    %dma_wait3A_751 = tpu.memref_slice %arg7[%dma_wait3A_737, %dma_wait3A_749, %dma_wait3A_750] : memref<2x128x64xf32, #tpu.memory_space<vmem>> -> memref<1x128x64xf32, #tpu.memory_space<vmem>>
    %dma_wait3A_752 = tpu.memref_squeeze %dma_wait3A_751 : memref<1x128x64xf32, #tpu.memory_space<vmem>> -> memref<128x64xf32, #tpu.memory_space<vmem>>
    tpu.wait_dma2 semaphore(%dma_wait3A_746 : memref<!tpu.dma_semaphore, #tpu.memory_space<semaphore_mem>>) src(%dma_wait3A_752 : memref<128x64xf32, #tpu.memory_space<vmem>>) dst(%dma_wait3A_748 : memref<128x64xf32, #tpu.memory_space<hbm>>)
    %add3A_753 = arith.constant 3200 : i32
    %add3A_754 = arith.addi %mul3A_2, %add3A_753 : i32
    %dma_wait3A_755 = arith.constant 1 : i32
    %dma_wait3A_756 = arith.constant 1 : i32
    %dma_wait3A_757 = arith.constant 0 : i32
    %dma_wait3A_758 = arith.constant 0 : i32
    %dma_wait3A_759 = tpu.memref_slice %arg7[%dma_wait3A_755, %dma_wait3A_757, %dma_wait3A_758] : memref<2x128x64xf32, #tpu.memory_space<vmem>> -> memref<1x128x64xf32, #tpu.memory_space<vmem>>
    %dma_wait3A_760 = tpu.memref_squeeze %dma_wait3A_759 : memref<1x128x64xf32, #tpu.memory_space<vmem>> -> memref<128x64xf32, #tpu.memory_space<vmem>>
    %dma_wait3A_761 = arith.constant 0 : i32
    %dma_wait3A_762 = tpu.memref_slice %arg4[%add3A_754, %dma_wait3A_761] : memref<106496x64xf32, #tpu.memory_space<hbm>> -> memref<128x64xf32, #tpu.memory_space<hbm>>
    %dma_wait3A_763 = tpu.memref_slice %arg10[%dma_wait3A_756] : memref<2x!tpu.dma_semaphore, #tpu.memory_space<semaphore_mem>> -> memref<1x!tpu.dma_semaphore, #tpu.memory_space<semaphore_mem>>
    %dma_wait3A_764 = tpu.memref_squeeze %dma_wait3A_763 : memref<1x!tpu.dma_semaphore, #tpu.memory_space<semaphore_mem>> -> memref<!tpu.dma_semaphore, #tpu.memory_space<semaphore_mem>>
    %dma_wait3A_765 = arith.constant 0 : i32
    %dma_wait3A_766 = tpu.memref_slice %arg4[%add3A_754, %dma_wait3A_765] : memref<106496x64xf32, #tpu.memory_space<hbm>> -> memref<128x64xf32, #tpu.memory_space<hbm>>
    %dma_wait3A_767 = arith.constant 0 : i32
    %dma_wait3A_768 = arith.constant 0 : i32
    %dma_wait3A_769 = tpu.memref_slice %arg7[%dma_wait3A_755, %dma_wait3A_767, %dma_wait3A_768] : memref<2x128x64xf32, #tpu.memory_space<vmem>> -> memref<1x128x64xf32, #tpu.memory_space<vmem>>
    %dma_wait3A_770 = tpu.memref_squeeze %dma_wait3A_769 : memref<1x128x64xf32, #tpu.memory_space<vmem>> -> memref<128x64xf32, #tpu.memory_space<vmem>>
    tpu.wait_dma2 semaphore(%dma_wait3A_764 : memref<!tpu.dma_semaphore, #tpu.memory_space<semaphore_mem>>) src(%dma_wait3A_770 : memref<128x64xf32, #tpu.memory_space<vmem>>) dst(%dma_wait3A_766 : memref<128x64xf32, #tpu.memory_space<hbm>>)
    return
  }
}

</mosaic_0001>

<sc_bundles>
// kernel: kernel.3.cloned.1.call-start
scs
__scs_entry_jumppad:
0x0: {  	(pc) =	sbr.rel $0x88, $3  }
0x1: {  	(tag) =	ssettag $0x0;
	lr =	simm.s32 $0x1  }
0x2: {  	[smem:$0x3F9F] =	sst lr;
	_ =	strace $0xD0000000  }
0x3: {  	_ = 	snop  }
0x4: {  	_ = 	snop  }
0x5: {  	_ = 	snop  }
0x6: {  	_ = 	snop  }
0x7: {  	_ = 	snop  }
__scs_overlays_trampoline_lowered:
0x8: {  	[smem:$0x3FAE] =	sst s0  }
0x9: {  	[smem:$0x3FAF] =	sst s1  }
0xa: {  	[smem:$0x3FB0] =	sst s2  }
0xb: {  	[smem:$0x3FB1] =	sst s3  }
0xc: {  	[smem:$0x3FB2] =	sst s4  }
0xd: {  	[smem:$0x3FB3] =	sst s5  }
0xe: {  	[smem:$0x3FB4] =	sst s6  }
0xf: {  	[smem:$0x3FB5] =	sst s7  }
0x10: {  	[smem:$0x3FB6] =	sst s8  }
0x11: {  	[smem:$0x3FB7] =	sst s9;
	s0 =	simm.s32 @!p0 $0x0  }
0x12: {  	s1 =	sld [smem:$0x3F9D];
	s0 =	simm.s32 @p0 $0x1  }
0x13: {  	[smem:$0x3FB8] =	sst s0;
	s0 =	simm.s32 @!p1 $0x0  }
0x14: {  	s2 =	sld [smem:$0x3F9C];
	s0 =	simm.s32 @p1 $0x1  }
0x15: {  	[smem:$0x3FB9] =	sst s0;
	s0 =	simm.s32 @!p2 $0x0  }
0x16: {  	s3 =	sld [smem:$0x3FDB];
	s0 =	simm.s32 @p2 $0x1  }
0x17: {  	s4 =	simm.s32 $0x1BF5;
	[smem:$0x3FBB] =	sst s0  }
0x18: {  	s0 =	sld [smem:$0x3F9E];
	_ =	swait.ge [sflag:s4], $0x0  }
0x19: {  	s7 =	sld [smem:$0x3F9F]  }
0x1a: {  	s8 =	sadd.s32 $0xFFFFE003, lr  }
0x1b: {  	s9 =	sadd.s32 $0xFFFFFEF7, lr;
	s5 =	simm.s32 $0xFFFFFFFF;
	p2 =	slt.u32 s8, $0xFFFFF086  }
0x1c: {  	p1 =	slt.u32 s9, $0xF7A;
	s5 =	simm.s32 @!p2 $0x0  }
0x1d: {  	s5 =	simm.s32 @p1 $0x1;
	p0 =	seq.s32 s7, s2  }
0x1e: {  	s7 =	smul.u32 @!p0 $0xF7A, s2;
	p2 =	seq.s32 @!p0 s5, $0x0  }
0x1f: {  	s9 =	smul.u32 $0xF7A, s1;
	s8 =	simm.s32 @!p0 $0x1BF5;
	p2 =	por !p2, p0  }
0x20: {  	[sflag:s8] =	ssyncset.s32 @!p0 $0xFFFFF086;
	s6 =	sadd.s32 @!p0 s3, s7;
	s7 =	simm.s32 @!p0 $0x108  }
0x21: {  	s3 =	sadd.s32 s3, s9;
	s6 =	sadd.s32 @!p0 $0x88, s6;
	s7 =	simm.s32 @p2 $0x1082  }
0x22: {  	[simem:s7], [sflag:s8] =	dma.local @!p0 [hbm:s6], $0xF7A  }
0x23: {  	s9 =	sor.u32 $0xD0000000, s2;
	s6 =	simm.s32 $0x108;
	_ =	swait.ge @!p0 [sflag:s8], $0x0  }
0x24: {  	s3 =	sadd.s32 $0x88, s3;
	s6 =	simm.s32 @!p1 $0x1082;
	[sflag:s4] =	ssyncset.s32 $0xFFFFF086  }
0x25: {  	[simem:s6], [sflag:s4] =	dma.local [hbm:s3], $0xF7A  }
0x26: {  	[smem:$0x3F9F] =	sst s1;
	(tag) =	ssettag s2;
	_ =	strace s9  }
0x27: {  	s1 =	sld [smem:$0x3FAF]  }
0x28: {  	s2 =	sld [smem:$0x3FB0]  }
0x29: {  	s4 =	sld [smem:$0x3FB2]  }
0x2a: {  	p0 =	seq.s32 s5, $0x0;
	s5 =	sld [smem:$0x3FB3]  }
0x2b: {  	s6 =	sld [smem:$0x3FB4]  }
0x2c: {  	s7 =	sld [smem:$0x3FB5]  }
0x2d: {  	s3 =	simm.s32 $0x108;
	s8 =	sld [smem:$0x3FB6]  }
0x2e: {  	s3 =	simm.s32 @!p0 $0x1082;
	s9 =	sld [smem:$0x3FB7]  }
0x2f: {  	lr =	sadd.s32 s0, s3;
	s0 =	sld [smem:$0x3FAE]  }
0x30: {  	s3 =	sld [smem:$0x3FB1]  }
0x31: {  	[smem:$0x3FBA] =	sst s10  }
0x32: {  	s10 =	sld [smem:$0x3FB8];
	_ =	sdelay $0x3  }
0x33: {  	p0 =	seq.s32 s10, $0x1;
	s10 =	sld [smem:$0x3FBA];
	_ =	sdelay $0x3  }
0x34: {  	[smem:$0x3FBA] =	sst s10  }
0x35: {  	s10 =	sld [smem:$0x3FB9];
	_ =	sdelay $0x3  }
0x36: {  	p1 =	seq.s32 s10, $0x1;
	s10 =	sld [smem:$0x3FBA];
	_ =	sdelay $0x3  }
0x37: {  	[smem:$0x3FBA] =	sst s10  }
0x38: {  	s10 =	sld [smem:$0x3FBB]  }
0x39: {  	_ = 	snop;
	(pc) =	sbr.ind lr, $3  }
0x3a: {  	_ = 	snop  }
0x3b: {  	_ = 	snop  }
0x3c: {  	p2 =	seq.s32 s10, $0x1;
	s10 =	sld [smem:$0x3FBA]  }
0x3d: {  	_ =	shalt  }
0x3e: {  	_ =	shalt  }
0x3f: {  	_ =	shalt  }
0x40: {  	_ =	shalt  }
0x41: {  	_ =	shalt  }
0x42: {  	_ =	shalt  }
0x43: {  	_ =	shalt  }
0x44: {  	_ =	shalt  }
0x45: {  	_ =	shalt  }
0x46: {  	_ =	shalt  }
0x47: {  	_ =	shalt  }
0x48: {  	_ =	shalt  }
0x49: {  	_ =	shalt  }
0x4a: {  	_ =	shalt  }
0x4b: {  	_ =	shalt  }
0x4c: {  	_ =	shalt  }
0x4d: {  	_ =	shalt  }
0x4e: {  	_ =	shalt  }
0x4f: {  	_ =	shalt  }
0x50: {  	_ =	shalt  }
0x51: {  	_ =	shalt  }
0x52: {  	_ =	shalt  }
0x53: {  	_ =	shalt  }
0x54: {  	_ =	shalt  }
0x55: {  	_ =	shalt  }
0x56: {  	_ =	shalt  }
0x57: {  	_ =	shalt  }
0x58: {  	_ =	shalt  }
0x59: {  	_ =	shalt  }
0x5a: {  	_ =	shalt  }
0x5b: {  	_ =	shalt  }
0x5c: {  	_ =	shalt  }
0x5d: {  	_ =	shalt  }
0x5e: {  	_ =	shalt  }
0x5f: {  	_ =	shalt  }
0x60: {  	_ =	shalt  }
0x61: {  	_ =	shalt  }
0x62: {  	_ =	shalt  }
0x63: {  	_ =	shalt  }
0x64: {  	_ =	shalt  }
0x65: {  	_ =	shalt  }
0x66: {  	_ =	shalt  }
0x67: {  	_ =	shalt  }
0x68: {  	_ =	shalt  }
0x69: {  	_ =	shalt  }
0x6a: {  	_ =	shalt  }
0x6b: {  	_ =	shalt  }
0x6c: {  	_ =	shalt  }
0x6d: {  	_ =	shalt  }
0x6e: {  	_ =	shalt  }
0x6f: {  	_ =	shalt  }
0x70: {  	_ =	shalt  }
0x71: {  	_ =	shalt  }
0x72: {  	_ =	shalt  }
0x73: {  	_ =	shalt  }
0x74: {  	_ =	shalt  }
0x75: {  	_ =	shalt  }
0x76: {  	_ =	shalt  }
0x77: {  	_ =	shalt  }
0x78: {  	_ =	shalt  }
0x79: {  	_ =	shalt  }
0x7a: {  	_ =	shalt  }
0x7b: {  	_ =	shalt  }
0x7c: {  	_ =	shalt  }
0x7d: {  	_ =	shalt  }
0x7e: {  	_ =	shalt  }
0x7f: {  	_ =	shalt  }
0x80: {  	_ =	shalt  }
0x81: {  	_ =	shalt  }
0x82: {  	_ =	shalt  }
0x83: {  	_ =	shalt  }
0x84: {  	_ =	shalt  }
0x85: {  	_ =	shalt  }
0x86: {  	_ =	shalt  }
0x87: {  	_ =	shalt  }
.Lfunc_end0:
.L_simem_size_0:
called_computation_lowered:
.L_overlay_start_0:
0x88: {  	s2 =	sld [smem:$0x3FD9]  }
0x89: {  	s3 =	sld [smem:$0x3FFE];
	_ =	sdelay $0x1  }
0x8a: {  	s1 =	srdreg.scid  }
0x8b: {  	s0 =	sand.u32 $0x1, s1  }
0x8c: {  	s17 =	sshll.u32 s0, $0xA;
	s2 =	sadd.s32 s3, s2  }
0x8d: {  	s2 =	sadd.s32 s2, s17  }
0x8e: {  	[smem:$0x3FC6] =	sst s2  }
0x8f: {  	_ = 	snop  }
0x90: {  	s2 =	sld [smem:$0x3FD0];
	(tm) =	ssettm $0x1  }
0x91: {  	s18 =	sld [smem:$0x3FFB];
	_ =	sdelay $0x3  }
0x92: {  	_ =	strace s18  }
0x93: {  	s3 =	sld [smem:$0x3FFC];
	_ =	sdelay $0x3  }
0x94: {  	_ =	strace s3  }
0x95: {  	s3 =	sld [smem:$0x3FFD];
	_ =	sdelay $0x3  }
0x96: {  	_ =	strace s3  }
0x97: {  	_ =	strace $0x8FFFFFFF  }
0x98: {  	s19 =	sld [smem:$0x3FDB];
	_ =	sdelay $0x1  }
0x99: {  	s4 =	simm.s32 $_scs_section_size  }
0x9a: {  	s5 =	simm.s32 $_size__tile_overlayer_lowered;
	s6 =	simm.s32 $_tile_overlayer_lowered  }
0x9b: {  	s22 =	simm.s32 $0x1BFF;
	s21 =	sshll.u32 s6, $0x1;
	s3 =	sadd.s32 s4, s19  }
0x9c: {  	s7 =	simm.s32 $0x0;
	s20 =	sshll.u32 s5, $0x1;
	s5 =	sadd.s32 s21, s3  }
0x9d: {  	[timem:s7], [sflag:s22] =	dma.local [hbm:s5], s20  }
0x9e: {  	_ =	swait.ge [sflag:s22], s20  }
0x9f: {  	s4 =	ssub.s32 $0x0, s20;
	[sflag:s22] =	ssyncset.done $0x0  }
0xa0: {  	[sflag:s22] =	ssyncadd.s32 s4;
	_ =	sdelay $0x1  }
0xa1: {  	s23 =	simm.s32 $0x1B8B  }
0xa2: {  	_ =	swait.ge [sflag:s23], $0x1  }
0xa3: {  	[sflag:s23] =	ssyncset.done $0x0  }
0xa4: {  	s25 =	simm.s32 $0x1B8E;
	s24 =	sld [smem:$0x3FFE];
	[sflag:s23] =	ssyncadd.s32 $0xFFFFFFFF  }
0xa5: {  	s26 =	simm.s32 $execute0_lowered;
	[smem:$0x3FD2] =	sst s25  }
0xa6: {  	s5 =	sshll.u32 s26, $0x1;
	_ =	strace $0x80000046;
	[dreg:$0x1] =	wrdreg $0xFFFFFFFF  }
0xa7: {  	s28 =	simm.s32 $_size_execute0_lowered;
	s3 =	sadd.s32 s3, s5;
	[dreg:$0x0] =	wrdreg $0x0  }
0xa8: {  	s5 =	sshll.u32 s28, $0x1;
	[dreg:$0x2] =	wrdreg s3  }
0xa9: {  	[dreg:$0x3] =	wrdreg s5  }
0xaa: {  	[dreg:$0x4] =	wrdreg $0xC0  }
0xab: {  	_ =	task [dreg:s7], $0x5FFFF  }
0xac: {  	[dreg:$0x1] =	wrdreg $0xFFFFFFFF  }
0xad: {  	[dreg:$0x0] =	wrdreg $0x60  }
0xae: {  	[dreg:$0x2] =	wrdreg s24  }
0xaf: {  	[dreg:$0x3] =	wrdreg s2  }
0xb0: {  	[dreg:$0x4] =	wrdreg $0x9  }
0xb1: {  	_ =	task.clear_ibuf [dreg:s7], $0x5FFFF;
	_ =	strace $0x90000046  }
0xb2: {  	s29 =	simm.s32 $0x9;
	_ =	strace $0x80000048  }
0xb3: {  	_ =	swait.ge [sflag:s29], $0x1  }
0xb4: {  	[sflag:s29] =	ssyncadd.s32 $0xFFFFFFFF  }
0xb5: {  	_ =	strace $0x90000048  }
0xb6: {  	_ =	sfence  }
0xb7: {  	s30 =	sld [smem:$0x0];
	_ =	sdelay $0x2  }
0xb8: {  	s31 =	sshll.u32 s1, $0xD;
	s1 =	sshrl.u32 s1, $0x2  }
0xb9: {  	s3 =	sand.u32 $0x4000, s31;
	s1 =	sadd.s32 s1, s30  }
0xba: {  	s0 =	sor.u32 s3, s0;
	s1 =	sshll.u32 s1, $0x11  }
0xbb: {  	s0 =	sor.u32 s1, s0  }
0xbc: {  	s0 =	sadd.s32 $0x8F2B, s0  }
0xbd: {  	[sflag:s0] =	ssyncadd.remote.s32 $0x1  }
0xbe: {  	_ =	sfence.sel $0xFFFF  }
0xbf: {  	[dreg:$0x0] =	wrdreg $0xFFFFFFFF;
	(pc) =	sbr.abs _section_cstart, $3  }
0xc0: {  	[dreg:$0x1] =	wrdreg $0xFFFFFFFF  }
0xc1: {  	_ =	task.clear_ibuf [dreg:s7], $0x2FFFF;
	_ =	strace $0x9FFFFFFF  }
0xc2: {  	(tm) =	ssettm $0x7FFFFFFF  }
0xc3: {  	_ =	shalt  }
tec
execute0_lowered:
.L_overlay_start_1:
0x0: {  	(tag) =	ssettag $0x1  }
0x1: {  	s0 =	srdreg.scid;
	s1 =	stileid.u32  }
0x2: {  	s4 =	rddreg [dreg:$0x0];
	s0 =	sand.u32 $0x1, s0;
	s1 =	sshll.u32 s1, $0x1  }
0x3: {  	s2 =	rddreg [dreg:$0x1];
	s3 =	simm.s32 $0x0;
	s1 =	sor.u32 s0, s1  }
0x4: {  	s29 =	simm.s32 $0x1;
	s30 =	simm.s32 $0x4;
	s5 =	smul.u32 $0xD00, s1  }
0x5: {  	s31 =	simm.s32 $0x5;
	[smem:$0x7FF] =	sst s3;
	s0 =	ssub.s32 $0x2, s0  }
0x6: {  	_ =	strace $0x80000047;
	s6 =	sshrl.u32 s0, $0x1;
	s5 =	sshrl.u32 s5, $0x3  }
0x7: {  	s1 =	smul.u32 $0x6800, s1;
	s0 =	ssub.s32 s0, s6;
	s5 =	sadd.s32 s5, s4  }
0x8: {  	s4 =	sadd.s32 $0xF42A00, s4;
	s23 =	sadd.s32 $0x600, s5;
	s24 =	sadd.s32 $0x3A00, s5  }
0x9: {  	s25 =	sadd.s32 $0x6E00, s5;
	s26 =	sadd.s32 $0xA200, s5;
	s28 =	sadd.s32 $0xD600, s5  }
0xa: {  	s10 =	sadd.s32 $0x10A00, s5;
	s11 =	sadd.s32 $0x13E00, s5;
	s12 =	sadd.s32 $0x17200, s5  }
0xb: {  	s13 =	sadd.s32 $0x1A600, s5;
	s14 =	sadd.s32 $0x1DA00, s5;
	s15 =	sadd.s32 $0x20E00, s5  }
0xc: {  	s16 =	sadd.s32 $0x24200, s5;
	s17 =	sadd.s32 $0x27600, s5;
	[dreg:$0x3] =	wrdreg s23  }
.Ltmp0:
0xd: {  	s18 =	sadd.s32 $0x2AA00, s5;
	[dreg:$0x4] =	wrdreg s24;
	(pc) =	sbr.rel .LBB2_1-.Ltmp0, $4  }
0xe: {  	s19 =	sadd.s32 $0x2DE00, s5;
	s20 =	sadd.s32 $0x31200, s5;
	[dreg:$0x5] =	wrdreg s25  }
0xf: {  	s21 =	sadd.s32 $0x34600, s5;
	s22 =	sadd.s32 $0x37A00, s5;
	[dreg:$0x6] =	wrdreg s26  }
0x10: {  	[dreg:$0x7] =	wrdreg s28;
	s23 =	sadd.s32 $0x3AE00, s5;
	s24 =	sadd.s32 $0x3E200, s5  }
0x11: {  	v0 =	vimm.f32 $0.0e+00;
	s25 =	smax.u32 s0, $0x1;
	s26 =	sadd.s32 $0x1FFFFC00, s1;
	s1 =	simm.s32 $0x0  }
.LBB2_9:
0x12: {  	s1 =	sadd.s32 $0x1, s1  }
0x13: {  	_ =	swait.ge [sflag:s30], $0x2000;
	p0 =	sne.s32 s1, s25  }
.Ltmp1:
0x14: {  	[sflag:s30] =	ssyncset.done $0x0;
	(pc) =	sbr.rel @!p0 .LBB2_10-.Ltmp1, $4  }
0x15: {  	[sflag:s30] =	ssyncadd.s32 $0xFFFFE000  }
0x16: {  	_ =	swait.ge [sflag:s31], $0x2000  }
0x17: {  	[sflag:s31] =	ssyncset.done $0x0  }
0x18: {  	[sflag:s31] =	ssyncadd.s32 $0xFFFFE000  }
.LBB2_1:
0x19: {  	s0 =	rddreg [dreg:$0x3]  }
0x1a: {  	[tilespmem:s3], [sflag:$0x1] =	stream.linear.gather [hbm4b:s0+s3], $0xD00, $0x38;
	[tilespmem:$0x18400] =	vst v63  }
0x1b: {  	s6 =	rddreg [dreg:$0x4];
	s5 =	simm.s32 $0xD00  }
0x1c: {  	[tilespmem:s5], [sflag:$0x1] =	stream.linear.gather [hbm4b:s6+s3], $0xD00, $0x38;
	[tilespmem:$0x18400] =	vst v63  }
0x1d: {  	s7 =	rddreg [dreg:$0x5];
	s8 =	simm.s32 $0x1A00  }
0x1e: {  	[tilespmem:s8], [sflag:$0x1] =	stream.linear.gather [hbm4b:s7+s3], $0xD00, $0x38;
	[tilespmem:$0x18400] =	vst v63  }
0x1f: {  	s9 =	rddreg [dreg:$0x6];
	s28 =	simm.s32 $0x2700  }
0x20: {  	[tilespmem:s28], [sflag:$0x1] =	stream.linear.gather [hbm4b:s9+s3], $0xD00, $0x38;
	[tilespmem:$0x18400] =	vst v63  }
0x21: {  	s6 =	rddreg [dreg:$0x7];
	s7 =	simm.s32 $0x3400  }
0x22: {  	[tilespmem:s7], [sflag:$0x1] =	stream.linear.gather [hbm4b:s6+s3], $0xD00, $0x38;
	[tilespmem:$0x18400] =	vst v63  }
0x23: {  	s8 =	simm.s32 $0x4100  }
0x24: {  	[tilespmem:s8], [sflag:$0x1] =	stream.linear.gather [hbm4b:s10+s3], $0xD00, $0x38;
	[tilespmem:$0x18400] =	vst v63  }
0x25: {  	s9 =	simm.s32 $0x4E00  }
0x26: {  	[tilespmem:s9], [sflag:$0x1] =	stream.linear.gather [hbm4b:s11+s3], $0xD00, $0x38;
	[tilespmem:$0x18400] =	vst v63  }
0x27: {  	s28 =	simm.s32 $0x5B00  }
0x28: {  	[tilespmem:s28], [sflag:$0x1] =	stream.linear.gather [hbm4b:s12+s3], $0xD00, $0x38;
	[tilespmem:$0x18400] =	vst v63  }
0x29: {  	s5 =	simm.s32 $0x6800  }
0x2a: {  	[tilespmem:s5], [sflag:$0x1] =	stream.linear.gather [hbm4b:s13+s3], $0xD00, $0x38;
	[tilespmem:$0x18400] =	vst v63  }
0x2b: {  	s6 =	simm.s32 $0x7500  }
0x2c: {  	[tilespmem:s6], [sflag:$0x1] =	stream.linear.gather [hbm4b:s14+s3], $0xD00, $0x38;
	[tilespmem:$0x18400] =	vst v63  }
0x2d: {  	s7 =	simm.s32 $0x8200  }
0x2e: {  	[tilespmem:s7], [sflag:$0x1] =	stream.linear.gather [hbm4b:s15+s3], $0xD00, $0x38;
	[tilespmem:$0x18400] =	vst v63  }
0x2f: {  	s8 =	simm.s32 $0x8F00  }
0x30: {  	[tilespmem:s8], [sflag:$0x1] =	stream.linear.gather [hbm4b:s16+s3], $0xD00, $0x38;
	[tilespmem:$0x18400] =	vst v63  }
0x31: {  	s9 =	simm.s32 $0x9C00  }
0x32: {  	[tilespmem:s9], [sflag:$0x1] =	stream.linear.gather [hbm4b:s17+s3], $0xD00, $0x38;
	[tilespmem:$0x18400] =	vst v63  }
0x33: {  	s28 =	simm.s32 $0xA900  }
0x34: {  	[tilespmem:s28], [sflag:$0x1] =	stream.linear.gather [hbm4b:s18+s3], $0xD00, $0x38;
	[tilespmem:$0x18400] =	vst v63  }
0x35: {  	s5 =	simm.s32 $0xB600  }
0x36: {  	[tilespmem:s5], [sflag:$0x1] =	stream.linear.gather [hbm4b:s19+s3], $0xD00, $0x38;
	[tilespmem:$0x18400] =	vst v63  }
0x37: {  	s6 =	simm.s32 $0xC300  }
0x38: {  	[tilespmem:s6], [sflag:$0x1] =	stream.linear.gather [hbm4b:s20+s3], $0xD00, $0x38;
	[tilespmem:$0x18400] =	vst v63  }
0x39: {  	s7 =	simm.s32 $0xD000  }
0x3a: {  	[tilespmem:s7], [sflag:$0x1] =	stream.linear.gather [hbm4b:s21+s3], $0xD00, $0x38;
	[tilespmem:$0x18400] =	vst v63  }
0x3b: {  	s8 =	simm.s32 $0xDD00  }
0x3c: {  	[tilespmem:s8], [sflag:$0x1] =	stream.linear.gather [hbm4b:s22+s3], $0xD00, $0x38;
	[tilespmem:$0x18400] =	vst v63  }
0x3d: {  	s9 =	simm.s32 $0xEA00  }
0x3e: {  	[tilespmem:s9], [sflag:$0x1] =	stream.linear.gather [hbm4b:s23+s3], $0xD00, $0x38;
	[tilespmem:$0x18400] =	vst v63  }
0x3f: {  	s0 =	simm.s32 $0x12400;
	s28 =	simm.s32 $0xF700  }
0x40: {  	[tilespmem:s28], [sflag:$0x1] =	stream.linear.gather [hbm4b:s24+s3], $0xD00, $0x38;
	[tilespmem:$0x18400] =	vst v63  }
0x41: {  	[tilespmem:s0+$0xFFFFE000] =	vst v0  }
0x42: {  	[tilespmem:s0+$0xF0] =	vst v0  }
0x43: {  	[tilespmem:s0+$0xE0] =	vst v0  }
0x44: {  	[tilespmem:s0+$0xD0] =	vst v0  }
0x45: {  	[tilespmem:s0+$0xC0] =	vst v0  }
0x46: {  	[tilespmem:s0+$0xFFFFE0F0] =	vst v0  }
0x47: {  	[tilespmem:s0+$0xFFFFE0E0] =	vst v0  }
0x48: {  	[tilespmem:s0+$0xFFFFE0D0] =	vst v0  }
0x49: {  	[tilespmem:s0+$0xFFFFE0C0] =	vst v0  }
0x4a: {  	[tilespmem:s0+$0xB0] =	vst v0  }
0x4b: {  	[tilespmem:s0+$0xA0] =	vst v0  }
0x4c: {  	[tilespmem:s0+$0x90] =	vst v0  }
0x4d: {  	[tilespmem:s0+$0x80] =	vst v0  }
0x4e: {  	[tilespmem:s0+$0xFFFFE0B0] =	vst v0  }
0x4f: {  	[tilespmem:s0+$0xFFFFE0A0] =	vst v0  }
0x50: {  	[tilespmem:s0+$0xFFFFE090] =	vst v0  }
0x51: {  	[tilespmem:s0+$0xFFFFE080] =	vst v0  }
0x52: {  	[tilespmem:s0+$0x70] =	vst v0  }
0x53: {  	[tilespmem:s0+$0x60] =	vst v0  }
0x54: {  	[tilespmem:s0+$0x50] =	vst v0  }
0x55: {  	[tilespmem:s0+$0x40] =	vst v0  }
0x56: {  	[tilespmem:s0+$0xFFFFE070] =	vst v0  }
0x57: {  	[tilespmem:s0+$0xFFFFE060] =	vst v0  }
0x58: {  	[tilespmem:s0+$0xFFFFE050] =	vst v0  }
0x59: {  	[tilespmem:s0+$0xFFFFE040] =	vst v0  }
0x5a: {  	[tilespmem:s0+$0x30] =	vst v0  }
0x5b: {  	[tilespmem:s0+$0x20] =	vst v0  }
0x5c: {  	[tilespmem:s0+$0x10] =	vst v0  }
0x5d: {  	[tilespmem:s0+$0x0] =	vst v0  }
0x5e: {  	[tilespmem:s0+$0xFFFFE030] =	vst v0  }
0x5f: {  	s5 =	simm.s32 $0x0;
	[tilespmem:s0+$0xFFFFE020] =	vst v0  }
.LBB2_2:
0x60: {  	s5 =	sadd.s32 $0x4, s5;
	[tilespmem:s0+$0xFFFFE010] =	vst v0;
	s0 =	sadd.s32 $0x100, s0  }
0x61: {  	[tilespmem:s0+$0xFFFFE000] =	vst v0;
	p0 =	slt.u32 s5, $0x7C  }
0x62: {  	[tilespmem:s0+$0xF0] =	vst v0  }
0x63: {  	[tilespmem:s0+$0xE0] =	vst v0  }
0x64: {  	[tilespmem:s0+$0xD0] =	vst v0  }
0x65: {  	[tilespmem:s0+$0xC0] =	vst v0  }
0x66: {  	[tilespmem:s0+$0xFFFFE0F0] =	vst v0  }
0x67: {  	[tilespmem:s0+$0xFFFFE0E0] =	vst v0  }
0x68: {  	[tilespmem:s0+$0xFFFFE0D0] =	vst v0  }
0x69: {  	[tilespmem:s0+$0xFFFFE0C0] =	vst v0  }
0x6a: {  	[tilespmem:s0+$0xB0] =	vst v0  }
0x6b: {  	[tilespmem:s0+$0xA0] =	vst v0  }
0x6c: {  	[tilespmem:s0+$0x90] =	vst v0  }
0x6d: {  	[tilespmem:s0+$0x80] =	vst v0  }
0x6e: {  	[tilespmem:s0+$0xFFFFE0B0] =	vst v0  }
0x6f: {  	[tilespmem:s0+$0xFFFFE0A0] =	vst v0  }
0x70: {  	[tilespmem:s0+$0xFFFFE090] =	vst v0  }
0x71: {  	[tilespmem:s0+$0xFFFFE080] =	vst v0  }
0x72: {  	[tilespmem:s0+$0x70] =	vst v0  }
0x73: {  	[tilespmem:s0+$0x60] =	vst v0  }
0x74: {  	[tilespmem:s0+$0x50] =	vst v0  }
0x75: {  	[tilespmem:s0+$0x40] =	vst v0  }
0x76: {  	[tilespmem:s0+$0xFFFFE070] =	vst v0  }
0x77: {  	[tilespmem:s0+$0xFFFFE060] =	vst v0  }
0x78: {  	[tilespmem:s0+$0xFFFFE050] =	vst v0  }
0x79: {  	[tilespmem:s0+$0xFFFFE040] =	vst v0  }
0x7a: {  	[tilespmem:s0+$0x30] =	vst v0  }
.Ltmp2:
0x7b: {  	[tilespmem:s0+$0x20] =	vst v0;
	(pc) =	sbr.rel @p0 .LBB2_2-.Ltmp2, $4  }
0x7c: {  	[tilespmem:s0+$0x10] =	vst v0  }
0x7d: {  	[tilespmem:s0+$0x0] =	vst v0  }
0x7e: {  	[tilespmem:s0+$0xFFFFE030] =	vst v0  }
0x7f: {  	[tilespmem:s0+$0xFFFFE020] =	vst v0  }
0x80: {  	[tilespmem:s0+$0xFFFFE010] =	vst v0  }
0x81: {  	_ =	swait.ge [sflag:s29], $0xD00  }
0x82: {  	[sflag:s29] =	ssyncset.done $0x0  }
0x83: {  	[sflag:s29] =	ssyncadd.s32 $0xFFFFF300  }
0x84: {  	_ =	swait.ge [sflag:s29], $0xD00  }
0x85: {  	[sflag:s29] =	ssyncset.done $0x0  }
0x86: {  	[sflag:s29] =	ssyncadd.s32 $0xFFFFF300  }
0x87: {  	_ =	swait.ge [sflag:s29], $0xD00  }
0x88: {  	[sflag:s29] =	ssyncset.done $0x0  }
0x89: {  	[sflag:s29] =	ssyncadd.s32 $0xFFFFF300  }
0x8a: {  	_ =	swait.ge [sflag:s29], $0xD00  }
0x8b: {  	[sflag:s29] =	ssyncset.done $0x0  }
0x8c: {  	[sflag:s29] =	ssyncadd.s32 $0xFFFFF300  }
0x8d: {  	_ =	swait.ge [sflag:s29], $0xD00  }
0x8e: {  	[sflag:s29] =	ssyncset.done $0x0  }
0x8f: {  	[sflag:s29] =	ssyncadd.s32 $0xFFFFF300  }
0x90: {  	_ =	swait.ge [sflag:s29], $0xD00  }
0x91: {  	[sflag:s29] =	ssyncset.done $0x0  }
0x92: {  	[sflag:s29] =	ssyncadd.s32 $0xFFFFF300  }
0x93: {  	_ =	swait.ge [sflag:s29], $0xD00  }
0x94: {  	[sflag:s29] =	ssyncset.done $0x0  }
0x95: {  	[sflag:s29] =	ssyncadd.s32 $0xFFFFF300  }
0x96: {  	_ =	swait.ge [sflag:s29], $0xD00  }
0x97: {  	[sflag:s29] =	ssyncset.done $0x0  }
0x98: {  	[sflag:s29] =	ssyncadd.s32 $0xFFFFF300  }
0x99: {  	_ =	swait.ge [sflag:s29], $0xD00  }
0x9a: {  	[sflag:s29] =	ssyncset.done $0x0  }
0x9b: {  	[sflag:s29] =	ssyncadd.s32 $0xFFFFF300  }
0x9c: {  	_ =	swait.ge [sflag:s29], $0xD00  }
0x9d: {  	[sflag:s29] =	ssyncset.done $0x0  }
0x9e: {  	[sflag:s29] =	ssyncadd.s32 $0xFFFFF300  }
0x9f: {  	_ =	swait.ge [sflag:s29], $0xD00  }
0xa0: {  	[sflag:s29] =	ssyncset.done $0x0  }
0xa1: {  	[sflag:s29] =	ssyncadd.s32 $0xFFFFF300  }
0xa2: {  	_ =	swait.ge [sflag:s29], $0xD00  }
0xa3: {  	[sflag:s29] =	ssyncset.done $0x0  }
0xa4: {  	[sflag:s29] =	ssyncadd.s32 $0xFFFFF300  }
0xa5: {  	_ =	swait.ge [sflag:s29], $0xD00  }
0xa6: {  	[sflag:s29] =	ssyncset.done $0x0  }
0xa7: {  	[sflag:s29] =	ssyncadd.s32 $0xFFFFF300  }
0xa8: {  	_ =	swait.ge [sflag:s29], $0xD00  }
0xa9: {  	[sflag:s29] =	ssyncset.done $0x0  }
0xaa: {  	[sflag:s29] =	ssyncadd.s32 $0xFFFFF300  }
0xab: {  	_ =	swait.ge [sflag:s29], $0xD00  }
0xac: {  	[sflag:s29] =	ssyncset.done $0x0  }
0xad: {  	[sflag:s29] =	ssyncadd.s32 $0xFFFFF300  }
0xae: {  	_ =	swait.ge [sflag:s29], $0xD00  }
0xaf: {  	[sflag:s29] =	ssyncset.done $0x0  }
0xb0: {  	[sflag:s29] =	ssyncadd.s32 $0xFFFFF300  }
0xb1: {  	_ =	swait.ge [sflag:s29], $0xD00  }
0xb2: {  	[sflag:s29] =	ssyncset.done $0x0  }
0xb3: {  	[sflag:s29] =	ssyncadd.s32 $0xFFFFF300  }
0xb4: {  	_ =	swait.ge [sflag:s29], $0xD00  }
0xb5: {  	[sflag:s29] =	ssyncset.done $0x0  }
0xb6: {  	[sflag:s29] =	ssyncadd.s32 $0xFFFFF300  }
0xb7: {  	_ =	swait.ge [sflag:s29], $0xD00  }
.Ltmp3:
0xb8: {  	[sflag:s29] =	ssyncset.done $0x0;
	(pc) =	sbr.rel .LBB2_4-.Ltmp3, $4  }
0xb9: {  	[sflag:s29] =	ssyncadd.s32 $0xFFFFF300  }
0xba: {  	_ =	swait.ge [sflag:s29], $0xD00  }
0xbb: {  	[sflag:s29] =	ssyncset.done $0x0  }
0xbc: {  	s0 =	simm.s32 $0x0;
	p0 =	por $0x1, $0x1;
	[sflag:s29] =	ssyncadd.s32 $0xFFFFF300  }
.LBB2_8:
0xbd: {  	s0 =	sadd.s32 $0x1, s0  }
0xbe: {  	p1 =	sne.s32 s0, $0x1B  }
.Ltmp4:
0xbf: {  	_ = 	snop;
	(pc) =	sbr.rel @!p1 .LBB2_9-.Ltmp4, $2  }
0xc0: {  	_ =	sdelay $0x2  }
0xc1: {  	p0 =	por !p0, !p0  }
.LBB2_4:
0xc2: {  	s5 =	sand.u32 $0x1, s0;
	p1 =	seq.s32 s0, $0x1A  }
0xc3: {  	s6 =	sshll.u32 @!p1 s5, $0xD;
	s7 =	sshll.u32 @!p1 s0, $0x7;
	s8 =	sor.u32 @!p1 $0x2, s5  }
0xc4: {  	s28 =	simm.s32 @!p1 $0x80;
	s6 =	sor.u32 @!p1 $0x10400, s6;
	s7 =	sand.u32 @!p1 $0x3FFFFF80, s7  }
0xc5: {  	[tilespmem:s6], [sflag:s8] =	stream.indirect.gather.add.f32 @!p1 [hbm:s4], $0x40, s7, s28, $0xb8;
	[tilespmem:$0x18400] =	vst v63  }
0xc6: {  	s9 =	sadd.s32 @!p1 $0xD00, s7  }
0xc7: {  	[tilespmem:s6], [sflag:s8] =	stream.indirect.gather.add.f32 @!p1 [hbm:s4], $0x40, s9, s28, $0xb8;
	[tilespmem:$0x18400] =	vst v63  }
0xc8: {  	s9 =	sadd.s32 @!p1 $0x1A00, s7  }
0xc9: {  	[tilespmem:s6], [sflag:s8] =	stream.indirect.gather.add.f32 @!p1 [hbm:s4], $0x40, s9, s28, $0xb8;
	[tilespmem:$0x18400] =	vst v63  }
0xca: {  	s9 =	sadd.s32 @!p1 $0x2700, s7  }
0xcb: {  	[tilespmem:s6], [sflag:s8] =	stream.indirect.gather.add.f32 @!p1 [hbm:s4], $0x40, s9, s28, $0xb8;
	[tilespmem:$0x18400] =	vst v63  }
0xcc: {  	s9 =	sadd.s32 @!p1 $0x3400, s7  }
0xcd: {  	[tilespmem:s6], [sflag:s8] =	stream.indirect.gather.add.f32 @!p1 [hbm:s4], $0x40, s9, s28, $0xb8;
	[tilespmem:$0x18400] =	vst v63  }
0xce: {  	s9 =	sadd.s32 @!p1 $0x4100, s7  }
0xcf: {  	[tilespmem:s6], [sflag:s8] =	stream.indirect.gather.add.f32 @!p1 [hbm:s4], $0x40, s9, s28, $0xb8;
	[tilespmem:$0x18400] =	vst v63  }
0xd0: {  	s9 =	sadd.s32 @!p1 $0x4E00, s7  }
0xd1: {  	[tilespmem:s6], [sflag:s8] =	stream.indirect.gather.add.f32 @!p1 [hbm:s4], $0x40, s9, s28, $0xb8;
	[tilespmem:$0x18400] =	vst v63  }
0xd2: {  	s9 =	sadd.s32 @!p1 $0x5B00, s7  }
0xd3: {  	[tilespmem:s6], [sflag:s8] =	stream.indirect.gather.add.f32 @!p1 [hbm:s4], $0x40, s9, s28, $0xb8;
	[tilespmem:$0x18400] =	vst v63  }
0xd4: {  	s9 =	sadd.s32 @!p1 $0x6800, s7  }
0xd5: {  	[tilespmem:s6], [sflag:s8] =	stream.indirect.gather.add.f32 @!p1 [hbm:s4], $0x40, s9, s28, $0xb8;
	[tilespmem:$0x18400] =	vst v63  }
0xd6: {  	s9 =	sadd.s32 @!p1 $0x7500, s7  }
0xd7: {  	[tilespmem:s6], [sflag:s8] =	stream.indirect.gather.add.f32 @!p1 [hbm:s4], $0x40, s9, s28, $0xb8;
	[tilespmem:$0x18400] =	vst v63  }
0xd8: {  	s9 =	sadd.s32 @!p1 $0x8200, s7  }
0xd9: {  	[tilespmem:s6], [sflag:s8] =	stream.indirect.gather.add.f32 @!p1 [hbm:s4], $0x40, s9, s28, $0xb8;
	[tilespmem:$0x18400] =	vst v63  }
0xda: {  	s9 =	sadd.s32 @!p1 $0x8F00, s7  }
0xdb: {  	[tilespmem:s6], [sflag:s8] =	stream.indirect.gather.add.f32 @!p1 [hbm:s4], $0x40, s9, s28, $0xb8;
	[tilespmem:$0x18400] =	vst v63  }
0xdc: {  	s9 =	sadd.s32 @!p1 $0x9C00, s7  }
0xdd: {  	[tilespmem:s6], [sflag:s8] =	stream.indirect.gather.add.f32 @!p1 [hbm:s4], $0x40, s9, s28, $0xb8;
	[tilespmem:$0x18400] =	vst v63  }
0xde: {  	s9 =	sadd.s32 @!p1 $0xA900, s7  }
0xdf: {  	[tilespmem:s6], [sflag:s8] =	stream.indirect.gather.add.f32 @!p1 [hbm:s4], $0x40, s9, s28, $0xb8;
	[tilespmem:$0x18400] =	vst v63  }
0xe0: {  	s9 =	sadd.s32 @!p1 $0xB600, s7  }
0xe1: {  	[tilespmem:s6], [sflag:s8] =	stream.indirect.gather.add.f32 @!p1 [hbm:s4], $0x40, s9, s28, $0xb8;
	[tilespmem:$0x18400] =	vst v63  }
0xe2: {  	s9 =	sadd.s32 @!p1 $0xC300, s7  }
0xe3: {  	[tilespmem:s6], [sflag:s8] =	stream.indirect.gather.add.f32 @!p1 [hbm:s4], $0x40, s9, s28, $0xb8;
	[tilespmem:$0x18400] =	vst v63  }
0xe4: {  	s9 =	sadd.s32 @!p1 $0xD000, s7  }
0xe5: {  	[tilespmem:s6], [sflag:s8] =	stream.indirect.gather.add.f32 @!p1 [hbm:s4], $0x40, s9, s28, $0xb8;
	[tilespmem:$0x18400] =	vst v63  }
0xe6: {  	s9 =	sadd.s32 @!p1 $0xDD00, s7  }
0xe7: {  	[tilespmem:s6], [sflag:s8] =	stream.indirect.gather.add.f32 @!p1 [hbm:s4], $0x40, s9, s28, $0xb8;
	[tilespmem:$0x18400] =	vst v63  }
0xe8: {  	s9 =	sadd.s32 @!p1 $0xEA00, s7  }
0xe9: {  	[tilespmem:s6], [sflag:s8] =	stream.indirect.gather.add.f32 @!p1 [hbm:s4], $0x40, s9, s28, $0xb8;
	[tilespmem:$0x18400] =	vst v63  }
0xea: {  	p2 =	seq.s32 @!p1 s0, $0x0;
	s7 =	sadd.s32 @!p1 $0xF700, s7  }
0xeb: {  	[tilespmem:s6], [sflag:s8] =	stream.indirect.gather.add.f32 @!p1 [hbm:s4], $0x40, s7, s28, $0xb8;
	[tilespmem:$0x18400] =	vst v63  }
0xec: {  	p1 =	por p1, !p2  }
.Ltmp5:
0xed: {  	_ = 	snop;
	(pc) =	sbr.rel @!p1 .LBB2_8-.Ltmp5, $1  }
0xee: {  	_ =	sdelay $0x3  }
0xef: {  	s28 =	sxor.u32 $0x1, s5  }
0xf0: {  	s5 =	sor.u32 $0x2, s28  }
0xf1: {  	_ =	swait.ge [sflag:s5], $0x2000  }
0xf2: {  	[sflag:s5] =	ssyncset.done $0x0  }
0xf3: {  	[sflag:s5] =	ssyncadd.s32 $0xFFFFE000  }
0xf4: {  	_ =	swait.ge [sflag:s5], $0x2000  }
0xf5: {  	[sflag:s5] =	ssyncset.done $0x0  }
0xf6: {  	[sflag:s5] =	ssyncadd.s32 $0xFFFFE000  }
0xf7: {  	_ =	swait.ge [sflag:s5], $0x2000  }
0xf8: {  	[sflag:s5] =	ssyncset.done $0x0  }
0xf9: {  	[sflag:s5] =	ssyncadd.s32 $0xFFFFE000  }
0xfa: {  	_ =	swait.ge [sflag:s5], $0x2000  }
0xfb: {  	[sflag:s5] =	ssyncset.done $0x0  }
0xfc: {  	[sflag:s5] =	ssyncadd.s32 $0xFFFFE000  }
0xfd: {  	_ =	swait.ge [sflag:s5], $0x2000  }
0xfe: {  	[sflag:s5] =	ssyncset.done $0x0  }
0xff: {  	[sflag:s5] =	ssyncadd.s32 $0xFFFFE000  }
0x100: {  	_ =	swait.ge [sflag:s5], $0x2000  }
0x101: {  	[sflag:s5] =	ssyncset.done $0x0  }
0x102: {  	[sflag:s5] =	ssyncadd.s32 $0xFFFFE000  }
0x103: {  	_ =	swait.ge [sflag:s5], $0x2000  }
0x104: {  	[sflag:s5] =	ssyncset.done $0x0  }
0x105: {  	[sflag:s5] =	ssyncadd.s32 $0xFFFFE000  }
0x106: {  	_ =	swait.ge [sflag:s5], $0x2000  }
0x107: {  	[sflag:s5] =	ssyncset.done $0x0  }
0x108: {  	[sflag:s5] =	ssyncadd.s32 $0xFFFFE000  }
0x109: {  	_ =	swait.ge [sflag:s5], $0x2000  }
0x10a: {  	[sflag:s5] =	ssyncset.done $0x0  }
0x10b: {  	[sflag:s5] =	ssyncadd.s32 $0xFFFFE000  }
0x10c: {  	_ =	swait.ge [sflag:s5], $0x2000  }
0x10d: {  	[sflag:s5] =	ssyncset.done $0x0  }
0x10e: {  	[sflag:s5] =	ssyncadd.s32 $0xFFFFE000  }
0x10f: {  	_ =	swait.ge [sflag:s5], $0x2000  }
0x110: {  	[sflag:s5] =	ssyncset.done $0x0  }
0x111: {  	[sflag:s5] =	ssyncadd.s32 $0xFFFFE000  }
0x112: {  	_ =	swait.ge [sflag:s5], $0x2000  }
0x113: {  	[sflag:s5] =	ssyncset.done $0x0  }
0x114: {  	[sflag:s5] =	ssyncadd.s32 $0xFFFFE000  }
0x115: {  	_ =	swait.ge [sflag:s5], $0x2000  }
0x116: {  	[sflag:s5] =	ssyncset.done $0x0  }
0x117: {  	[sflag:s5] =	ssyncadd.s32 $0xFFFFE000  }
0x118: {  	_ =	swait.ge [sflag:s5], $0x2000  }
0x119: {  	[sflag:s5] =	ssyncset.done $0x0  }
0x11a: {  	[sflag:s5] =	ssyncadd.s32 $0xFFFFE000  }
0x11b: {  	_ =	swait.ge [sflag:s5], $0x2000  }
0x11c: {  	[sflag:s5] =	ssyncset.done $0x0  }
0x11d: {  	[sflag:s5] =	ssyncadd.s32 $0xFFFFE000  }
0x11e: {  	_ =	swait.ge [sflag:s5], $0x2000  }
0x11f: {  	[sflag:s5] =	ssyncset.done $0x0  }
0x120: {  	[sflag:s5] =	ssyncadd.s32 $0xFFFFE000  }
0x121: {  	_ =	swait.ge [sflag:s5], $0x2000  }
0x122: {  	[sflag:s5] =	ssyncset.done $0x0  }
0x123: {  	[sflag:s5] =	ssyncadd.s32 $0xFFFFE000  }
0x124: {  	_ =	swait.ge [sflag:s5], $0x2000  }
0x125: {  	[sflag:s5] =	ssyncset.done $0x0  }
0x126: {  	[sflag:s5] =	ssyncadd.s32 $0xFFFFE000  }
0x127: {  	_ =	swait.ge [sflag:s5], $0x2000  }
0x128: {  	[sflag:s5] =	ssyncset.done $0x0  }
0x129: {  	[sflag:s5] =	ssyncadd.s32 $0xFFFFE000  }
0x12a: {  	_ =	swait.ge [sflag:s5], $0x2000  }
0x12b: {  	p1 =	slt.u32 s0, $0x3;
	[sflag:s5] =	ssyncset.done $0x0  }
0x12c: {  	s6 =	simm.s32 $0x1;
	s7 =	sor.u32 @!p1 $0x4, s28;
	[sflag:s5] =	ssyncadd.s32 $0xFFFFE000  }
0x12d: {  	s6 =	simm.s32 @!p0 $0x0;
	_ =	swait.ge @!p1 [sflag:s7], $0x2000  }
0x12e: {  	s6 =	sshll.u32 s6, $0xD;
	[sflag:s7] =	ssyncset.done @!p1 $0x0  }
0x12f: {  	s5 =	sor.u32 $0x10480, s6;
	[sflag:s7] =	ssyncadd.s32 @!p1 $0xFFFFE000  }
0x130: {  	v1 =	vld [tilespmem:s5+$0xFFFFFF80];
	_ =	sdelay $0x4  }
0x131: {  	v1 =	vmul.f32 $5.000000070e-02, v1  }
0x132: {  	s6 =	sor.u32 $0x14480, s6  }
0x133: {  	[tilespmem:s6+$0xFFFFFF80] =	vst v1  }
0x134: {  	v1 =	vld [tilespmem:s5+$0xFFFFFF90];
	_ =	sdelay $0x4  }
0x135: {  	v1 =	vmul.f32 $5.000000070e-02, v1  }
0x136: {  	[tilespmem:s5+$0xFFFFFF80] =	vst v0  }
0x137: {  	[tilespmem:s6+$0xFFFFFF90] =	vst v1  }
0x138: {  	v1 =	vld [tilespmem:s5+$0xFFFFFFA0];
	_ =	sdelay $0x4  }
0x139: {  	v1 =	vmul.f32 $5.000000070e-02, v1  }
0x13a: {  	[tilespmem:s5+$0xFFFFFF90] =	vst v0  }
0x13b: {  	[tilespmem:s6+$0xFFFFFFA0] =	vst v1  }
0x13c: {  	v1 =	vld [tilespmem:s5+$0xFFFFFFB0];
	_ =	sdelay $0x4  }
0x13d: {  	v1 =	vmul.f32 $5.000000070e-02, v1  }
0x13e: {  	[tilespmem:s5+$0xFFFFFFA0] =	vst v0  }
0x13f: {  	[tilespmem:s6+$0xFFFFFFB0] =	vst v1  }
0x140: {  	v1 =	vld [tilespmem:s5+$0xFFFFFFC0];
	_ =	sdelay $0x4  }
0x141: {  	v1 =	vmul.f32 $5.000000070e-02, v1  }
0x142: {  	[tilespmem:s5+$0xFFFFFFB0] =	vst v0  }
0x143: {  	[tilespmem:s6+$0xFFFFFFC0] =	vst v1  }
0x144: {  	v1 =	vld [tilespmem:s5+$0xFFFFFFD0];
	_ =	sdelay $0x4  }
0x145: {  	v1 =	vmul.f32 $5.000000070e-02, v1  }
0x146: {  	[tilespmem:s5+$0xFFFFFFC0] =	vst v0  }
0x147: {  	[tilespmem:s6+$0xFFFFFFD0] =	vst v1  }
0x148: {  	v1 =	vld [tilespmem:s5+$0xFFFFFFE0];
	_ =	sdelay $0x4  }
0x149: {  	v1 =	vmul.f32 $5.000000070e-02, v1  }
0x14a: {  	[tilespmem:s5+$0xFFFFFFD0] =	vst v0  }
0x14b: {  	[tilespmem:s6+$0xFFFFFFE0] =	vst v1  }
0x14c: {  	v1 =	vld [tilespmem:s5+$0xFFFFFFF0];
	_ =	sdelay $0x4  }
0x14d: {  	v1 =	vmul.f32 $5.000000070e-02, v1  }
0x14e: {  	[tilespmem:s5+$0xFFFFFFE0] =	vst v0  }
0x14f: {  	[tilespmem:s6+$0xFFFFFFF0] =	vst v1  }
0x150: {  	v1 =	vld [tilespmem:s5+$0x0];
	_ =	sdelay $0x4  }
0x151: {  	v1 =	vmul.f32 $5.000000070e-02, v1  }
0x152: {  	[tilespmem:s5+$0xFFFFFFF0] =	vst v0  }
0x153: {  	[tilespmem:s6+$0x0] =	vst v1  }
0x154: {  	v1 =	vld [tilespmem:s5+$0x10];
	_ =	sdelay $0x4  }
0x155: {  	v1 =	vmul.f32 $5.000000070e-02, v1  }
0x156: {  	[tilespmem:s5+$0x0] =	vst v0  }
0x157: {  	[tilespmem:s6+$0x10] =	vst v1  }
0x158: {  	v1 =	vld [tilespmem:s5+$0x20];
	_ =	sdelay $0x4  }
0x159: {  	v1 =	vmul.f32 $5.000000070e-02, v1  }
0x15a: {  	[tilespmem:s5+$0x10] =	vst v0  }
0x15b: {  	[tilespmem:s6+$0x20] =	vst v1  }
0x15c: {  	v1 =	vld [tilespmem:s5+$0x30];
	_ =	sdelay $0x4  }
0x15d: {  	v1 =	vmul.f32 $5.000000070e-02, v1  }
0x15e: {  	[tilespmem:s5+$0x20] =	vst v0  }
0x15f: {  	[tilespmem:s6+$0x30] =	vst v1  }
0x160: {  	v1 =	vld [tilespmem:s5+$0x40];
	_ =	sdelay $0x4  }
0x161: {  	v1 =	vmul.f32 $5.000000070e-02, v1  }
0x162: {  	[tilespmem:s5+$0x30] =	vst v0  }
0x163: {  	[tilespmem:s6+$0x40] =	vst v1  }
0x164: {  	v1 =	vld [tilespmem:s5+$0x50];
	_ =	sdelay $0x4  }
0x165: {  	v1 =	vmul.f32 $5.000000070e-02, v1  }
0x166: {  	[tilespmem:s5+$0x40] =	vst v0  }
0x167: {  	[tilespmem:s6+$0x50] =	vst v1  }
0x168: {  	v1 =	vld [tilespmem:s5+$0x60];
	_ =	sdelay $0x4  }
0x169: {  	v1 =	vmul.f32 $5.000000070e-02, v1  }
0x16a: {  	[tilespmem:s5+$0x50] =	vst v0  }
0x16b: {  	[tilespmem:s6+$0x60] =	vst v1  }
0x16c: {  	v1 =	vld [tilespmem:s5+$0x70];
	_ =	sdelay $0x4  }
0x16d: {  	v1 =	vmul.f32 $5.000000070e-02, v1  }
0x16e: {  	[tilespmem:s5+$0x60] =	vst v0  }
0x16f: {  	s8 =	sadd.s32 $0x100, s5;
	s7 =	simm.s32 $0x0;
	[tilespmem:s6+$0x70] =	vst v1  }
.LBB2_6:
0x170: {  	v1 =	vld [tilespmem:s8+$0xFFFFFF80];
	s7 =	sadd.s32 $0x4, s7;
	[tilespmem:s5+$0x70] =	vst v0;
	s5 =	smov.u32 s8  }
0x171: {  	p1 =	slt.u32 s7, $0x7C;
	_ =	sdelay $0x3  }
0x172: {  	v1 =	vmul.f32 $5.000000070e-02, v1  }
0x173: {  	s6 =	sadd.s32 $0x100, s6  }
0x174: {  	[tilespmem:s6+$0xFFFFFF80] =	vst v1  }
0x175: {  	v1 =	vld [tilespmem:s8+$0xFFFFFF90];
	_ =	sdelay $0x4  }
0x176: {  	v1 =	vmul.f32 $5.000000070e-02, v1  }
0x177: {  	[tilespmem:s8+$0xFFFFFF80] =	vst v0  }
0x178: {  	[tilespmem:s6+$0xFFFFFF90] =	vst v1  }
0x179: {  	v1 =	vld [tilespmem:s8+$0xFFFFFFA0];
	_ =	sdelay $0x4  }
0x17a: {  	v1 =	vmul.f32 $5.000000070e-02, v1  }
0x17b: {  	[tilespmem:s8+$0xFFFFFF90] =	vst v0  }
0x17c: {  	[tilespmem:s6+$0xFFFFFFA0] =	vst v1  }
0x17d: {  	v1 =	vld [tilespmem:s8+$0xFFFFFFB0];
	_ =	sdelay $0x4  }
0x17e: {  	v1 =	vmul.f32 $5.000000070e-02, v1  }
0x17f: {  	[tilespmem:s8+$0xFFFFFFA0] =	vst v0  }
0x180: {  	[tilespmem:s6+$0xFFFFFFB0] =	vst v1  }
0x181: {  	v1 =	vld [tilespmem:s8+$0xFFFFFFC0];
	_ =	sdelay $0x4  }
0x182: {  	v1 =	vmul.f32 $5.000000070e-02, v1  }
0x183: {  	[tilespmem:s8+$0xFFFFFFB0] =	vst v0  }
0x184: {  	[tilespmem:s6+$0xFFFFFFC0] =	vst v1  }
0x185: {  	v1 =	vld [tilespmem:s8+$0xFFFFFFD0];
	_ =	sdelay $0x4  }
0x186: {  	v1 =	vmul.f32 $5.000000070e-02, v1  }
0x187: {  	[tilespmem:s8+$0xFFFFFFC0] =	vst v0  }
0x188: {  	[tilespmem:s6+$0xFFFFFFD0] =	vst v1  }
0x189: {  	v1 =	vld [tilespmem:s8+$0xFFFFFFE0];
	_ =	sdelay $0x4  }
0x18a: {  	v1 =	vmul.f32 $5.000000070e-02, v1  }
0x18b: {  	[tilespmem:s8+$0xFFFFFFD0] =	vst v0  }
0x18c: {  	[tilespmem:s6+$0xFFFFFFE0] =	vst v1  }
0x18d: {  	v1 =	vld [tilespmem:s8+$0xFFFFFFF0];
	_ =	sdelay $0x4  }
0x18e: {  	v1 =	vmul.f32 $5.000000070e-02, v1  }
0x18f: {  	[tilespmem:s8+$0xFFFFFFE0] =	vst v0  }
0x190: {  	[tilespmem:s6+$0xFFFFFFF0] =	vst v1  }
0x191: {  	v1 =	vld [tilespmem:s8+$0x0];
	_ =	sdelay $0x4  }
0x192: {  	v1 =	vmul.f32 $5.000000070e-02, v1  }
0x193: {  	[tilespmem:s8+$0xFFFFFFF0] =	vst v0  }
0x194: {  	[tilespmem:s6+$0x0] =	vst v1  }
0x195: {  	[tilespmem:s8+$0x0] =	vst v0;
	v1 =	vld [tilespmem:s8+$0x10];
	_ =	sdelay $0x4  }
0x196: {  	v1 =	vmul.f32 $5.000000070e-02, v1;
	_ =	sdelay $0x1  }
0x197: {  	[tilespmem:s6+$0x10] =	vst v1  }
0x198: {  	[tilespmem:s8+$0x10] =	vst v0;
	v1 =	vld [tilespmem:s8+$0x20];
	_ =	sdelay $0x4  }
0x199: {  	v1 =	vmul.f32 $5.000000070e-02, v1;
	_ =	sdelay $0x1  }
0x19a: {  	[tilespmem:s6+$0x20] =	vst v1  }
0x19b: {  	[tilespmem:s8+$0x20] =	vst v0;
	v1 =	vld [tilespmem:s8+$0x30];
	_ =	sdelay $0x4  }
0x19c: {  	v1 =	vmul.f32 $5.000000070e-02, v1;
	_ =	sdelay $0x1  }
0x19d: {  	[tilespmem:s6+$0x30] =	vst v1  }
0x19e: {  	[tilespmem:s8+$0x30] =	vst v0;
	v1 =	vld [tilespmem:s8+$0x40];
	_ =	sdelay $0x4  }
0x19f: {  	v1 =	vmul.f32 $5.000000070e-02, v1;
	_ =	sdelay $0x1  }
0x1a0: {  	[tilespmem:s6+$0x40] =	vst v1  }
0x1a1: {  	[tilespmem:s8+$0x40] =	vst v0;
	v1 =	vld [tilespmem:s8+$0x50];
	_ =	sdelay $0x4  }
0x1a2: {  	v1 =	vmul.f32 $5.000000070e-02, v1;
	_ =	sdelay $0x1  }
0x1a3: {  	[tilespmem:s6+$0x50] =	vst v1  }
0x1a4: {  	[tilespmem:s8+$0x50] =	vst v0;
	v1 =	vld [tilespmem:s8+$0x60];
	_ =	sdelay $0x4  }
0x1a5: {  	v1 =	vmul.f32 $5.000000070e-02, v1;
	_ =	sdelay $0x1  }
0x1a6: {  	[tilespmem:s6+$0x60] =	vst v1  }
0x1a7: {  	[tilespmem:s8+$0x60] =	vst v0;
	v1 =	vld [tilespmem:s8+$0x70];
	_ =	sdelay $0x2  }
.Ltmp6:
0x1a8: {  	(pc) =	sbr.rel @p1 .LBB2_6-.Ltmp6, $3  }
0x1a9: {  	_ = 	snop  }
0x1aa: {  	v1 =	vmul.f32 $5.000000070e-02, v1;
	_ =	sdelay $0x1  }
0x1ab: {  	s8 =	sadd.s32 $0x100, s8;
	[tilespmem:s6+$0x70] =	vst v1  }
.Ltmp7:
0x1ac: {  	s6 =	sshll.u32 s0, $0xA;
	(pc) =	sbr.rel .LBB2_8-.Ltmp7, $4  }
0x1ad: {  	s6 =	sadd.s32 s26, s6  }
0x1ae: {  	s7 =	sshll.u32 s28, $0xD;
	s6 =	sand.u32 $0x1FFFFC00, s6  }
0x1af: {  	[tilespmem:s5+$0x70] =	vst v0;
	s28 =	sor.u32 $0x4, s28;
	s7 =	sor.u32 $0x14400, s7;
	s6 =	sadd.s32 s2, s6  }
0x1b0: {  	[hbm4b:s6+s3] =	stream.linear.scatter [tilespmem:s7], [sflag:s28], $0x2000, $0x38;
	[tilespmem:$0x18400] =	vst v63  }
.LBB2_10:
0x1b1: {  	_ =	sfence.sel $0x180000  }
0x1b2: {  	[bflag:$0x0] =	sbarrier.arrive $0xFFFF  }
0x1b3: {  	_ =	strace $0x90000047  }
0x1b4: {  	s0 =	stileid.u32;
	[bflag:$0x2] =	sbarrier.arrive $0xFFFF  }
0x1b5: {  	p0 =	sne.s32 s0, $0x0;
	s0 =	rddreg [dreg:$0x2]  }
0x1b6: {  	s0 =	sadd.s32 @!p0 $0x100000, s0  }
0x1b7: {  	[sflag:s0] =	ssyncadd.tile.s32 @!p0 $0x1;
	_ =	shalt  }
.Lfunc_end2:
_tile_overlayer_lowered:
.L_overlay_start_2:
0x1b8: {  	(tag) =	ssettag $0x2  }
0x1b9: {  	s0 =	rddreg [dreg:$0x0];
	s2 =	stileid.u32  }
0x1ba: {  	s1 =	rddreg [dreg:$0x1];
	p0 =	sne.s32 s2, $0x0  }
0x1bb: {  	s3 =	rddreg [dreg:$0x2];
	[bflag:$0x3] =	sbarrier.arrive $0xFFFF;
	s2 =	simm.s32 @!p0 $0x1C06  }
0x1bc: {  	[timem:s3], [sflag:s2] =	dma.local @!p0 [hbm:s0], s1  }
0x1bd: {  	s0 =	simm.s32 @!p0 $0x6  }
0x1be: {  	_ =	swait.ge @!p0 [sflag:s0], s1  }
0x1bf: {  	s1 =	ssub.s32 @!p0 $0x0, s1;
	[sflag:s0] =	ssyncset.done @!p0 $0x0  }
0x1c0: {  	[sflag:s0] =	ssyncadd.s32 @!p0 s1  }
0x1c1: {  	[bflag:$0x3] =	sbarrier.arrive $0xFFFF  }
0x1c2: {  	_ =	shalt  }

</sc_bundles>
